<compile_context>
chip_gen: v7x
topology: tpu7x:2x2x1
jax: 0.10.2.dev20260603
libtpu: 0.0.44.dev20260713+nightly
codegen_flags: <defaults>
</compile_context>

<pallas_src>
import functools

import jax
import jax.numpy as jnp
from jax import lax
from jax.experimental import pallas as pl
from jax.experimental.pallas import tpu as pltpu
from jax.experimental.pallas import tpu_sc as plsc

NODES = 10000
DIM = 128
OUT = 128

NC = 2
NS = 16
NW = NC * NS
CH = 80
NCH = 500
SUP = 5
NSUP = NCH // SUP
NPAR = 4
GSTEP = NPAR * SUP
ZROWS = 632
ZLAST = NODES - 15 * ZROWS


def _sc_segment_sum(h, src, dst, zeros):
    mesh = plsc.VectorSubcoreMesh(core_axis_name="c", subcore_axis_name="s")
    NBUF = 4
    SKEW = 2

    @functools.partial(
        pl.kernel,
        mesh=mesh,
        out_type=jax.ShapeDtypeStruct((NC, NODES, OUT), jnp.float32),
        scratch_types=[
            pltpu.VMEM_SHARED((NODES, OUT), jnp.float32),
            pltpu.VMEM((NPAR, SUP, CH), jnp.int32),
            pltpu.VMEM((NPAR, SUP, CH), jnp.int32),
            pltpu.VMEM((NBUF, CH, OUT), jnp.float32),
            pltpu.SemaphoreType.DMA,
            pltpu.SemaphoreType.DMA,
            pltpu.SemaphoreType.DMA,
            pltpu.SemaphoreType.DMA,
            pltpu.SemaphoreType.DMA,
            pltpu.SemaphoreType.DMA,
            pltpu.SemaphoreType.DMA,
            pltpu.SemaphoreType.DMA,
            pltpu.SemaphoreType.DMA,
            pltpu.SemaphoreType.DMA,
            pltpu.SemaphoreType.DMA,
            pltpu.SemaphoreType.DMA,
        ],
    )
    def k(h_hbm, src_hbm, dst_hbm, zeros_hbm, out_hbm,
          acc, src_v, dst_v, rows_v, *sems12):
        semg = list(sems12[:NBUF])
        sems = list(sems12[NBUF:2 * NBUF])
        semi = list(sems12[2 * NBUF:])
        cid = lax.axis_index("c")
        sid = lax.axis_index("s")
        wid = cid * NS + sid

        def load_idx(sp, par):
            pltpu.async_copy(src_hbm.at[wid, sp], src_v.at[par], semi[par])
            pltpu.async_copy(dst_hbm.at[wid, sp], dst_v.at[par], semi[par])

        def wait_idx(par):
            pltpu.make_async_copy(src_hbm.at[0, 0], src_v.at[0],
                                  semi[par]).wait()
            pltpu.make_async_copy(dst_hbm.at[0, 0], dst_v.at[0],
                                  semi[par]).wait()

        def gather(par, c, b):
            pltpu.async_copy(h_hbm.at[src_v.at[par, c]], rows_v.at[b],
                             semg[b])

        def wait_gather(b):
            pltpu.make_async_copy(h_hbm.at[src_v.at[0, 0]], rows_v.at[b],
                                  semg[b]).wait()

        def scatter(par, c, b):
            pltpu.async_copy(rows_v.at[b], acc.at[dst_v.at[par, c]],
                             sems[b], add=True)

        def wait_scatter(b):
            pltpu.make_async_copy(rows_v.at[b], acc.at[dst_v.at[0, 0]],
                                  sems[b]).wait()

        def rows_slice(ref):
            return ref.at[pl.ds(sid * ZROWS, ZROWS)]

        def rows_slice_last(ref):
            return ref.at[pl.ds(15 * ZROWS, ZLAST)]

        load_idx(0, 0)
        load_idx(1, 1)
        load_idx(2, 2)
        wait_idx(0)
        for b in range(SKEW):
            gather(0, b, b)
        @pl.when(sid < 15)
        def _():
            pltpu.sync_copy(zeros_hbm, rows_slice(acc))

        @pl.when(sid == 15)
        def _():
            pltpu.sync_copy(zeros_hbm.at[pl.ds(0, ZLAST)],
                            rows_slice_last(acc))

        plsc.subcore_barrier()

        def group(G, carry):
            for j in range(GSTEP):
                lane, c = j // SUP, j % SUP
                b = j % NBUF
                tg = G * GSTEP + j
                if j % SUP == 0:
                    sp_load = 4 * G + 3 + lane
                    par_load = (3 + lane) % NPAR

                    @pl.when(sp_load < NSUP)
                    def _():
                        load_idx(sp_load, par_load)

                wait_gather(b)
                scatter(lane, c, b)
                bn = (b + SKEW) % NBUF

                @pl.when(tg >= SKEW)
                def _():
                    wait_scatter(bn)

                if (j + SKEW) % SUP == 0:
                    sp_use = 4 * G + (j + SKEW) // SUP
                    par_use = ((j + SKEW) // SUP) % NPAR

                    @pl.when(sp_use < NSUP)
                    def _():
                        wait_idx(par_use)

                jn = j + SKEW
                par2 = (jn // SUP) % NPAR
                c2 = jn % SUP

                @pl.when(tg + SKEW < NCH)
                def _():
                    gather(par2, c2, bn)
            return carry

        lax.fori_loop(0, NCH // GSTEP, group, 0)
        for tg in range(NCH - SKEW, NCH):
            wait_scatter(tg % NBUF)
        plsc.subcore_barrier()

        @pl.when(sid < 15)
        def _():
            pltpu.sync_copy(rows_slice(acc),
                            out_hbm.at[cid, pl.ds(sid * ZROWS, ZROWS)])

        @pl.when(sid == 15)
        def _():
            pltpu.sync_copy(rows_slice_last(acc),
                            out_hbm.at[cid, pl.ds(15 * ZROWS, ZLAST)])

    return k(h, src, dst, zeros)


def _tc_finish_body(x_ref, w_ref, p_ref, v_ref, o_ref):
    xw = jnp.dot(x_ref[...], w_ref[...], preferred_element_type=jnp.float32)
    s = p_ref[0] + p_ref[1]
    sv = jnp.dot(s, v_ref[...], preferred_element_type=jnp.float32)
    o_ref[...] = jnp.maximum(xw + sv, 0.0)


def _tc_finish(x, W, partials, V):
    BM = 2000
    return pl.pallas_call(
        _tc_finish_body,
        grid=(NODES // BM,),
        in_specs=[
            pl.BlockSpec((BM, DIM), lambda i: (i, 0)),
            pl.BlockSpec((DIM, OUT), lambda i: (0, 0)),
            pl.BlockSpec((NC, BM, OUT), lambda i: (0, i, 0)),
            pl.BlockSpec((OUT, OUT), lambda i: (0, 0)),
        ],
        out_specs=pl.BlockSpec((BM, OUT), lambda i: (i, 0)),
        out_shape=jax.ShapeDtypeStruct((NODES, OUT), jnp.float32),
    )(x, W, partials, V)


def kernel(x, edge_index, h, W, V, alpha):
    del alpha
    src = edge_index[:, 0, :].reshape(NW, NSUP, SUP, CH).astype(jnp.int32)
    dst = edge_index[:, 1, :].reshape(NW, NSUP, SUP, CH).astype(jnp.int32)
    zeros = jnp.zeros((ZROWS, OUT), jnp.float32)
    partials = _sc_segment_sum(h, src, dst, zeros)
    return _tc_finish(x, W, partials, V)

# --- scband reference (transcript-rebuilt; emitter-appended) ---
"""Pipeline reference for scband-gemlayer-16758962389084 (READ-ONLY COPY).

The authoritative reference and input builder live on the scoring server;
editing this copy changes nothing except your own understanding.
"""

import jax, jax.numpy as jnp
import numpy as np

NODES = 10000
DIM = 128
OUT = 128
DEV = 4
EDGES = 320000


def setup_inputs(seed: int = 0) -> dict:
    key = jax.random.key(seed)
    ks = jax.random.split(key, 6)
    x = jax.random.normal(ks[0], (NODES, DIM), dtype=jnp.float32)
    h = jax.random.normal(ks[1], (NODES, OUT), dtype=jnp.float32)
    edge_index = jax.random.randint(ks[2], (DEV, 2, EDGES), 0, NODES).astype(jnp.int64)
    W = jax.random.normal(ks[3], (DIM, OUT), dtype=jnp.float32) * 0.05
    V = jax.random.normal(ks[4], (OUT, OUT), dtype=jnp.float32) * 0.05
    alpha = jax.random.normal(ks[5], (DEV, 1), dtype=jnp.float32)
    return {"x": x, "edge_index": edge_index, "h": h, "W": W, "V": V, "alpha": alpha}


def reference(x, edge_index, h, W, V, alpha):
    # h1 = sparse(x) @ W  -- x treated dense with identical math
    h1 = x @ W
    # per device-type adjacency: A_d @ h (sparse matmul with unit edge values)
    h2_parts = []
    for d in range(DEV):
        src = edge_index[d, 0]
        dst = edge_index[d, 1]
        agg = jax.ops.segment_sum(h[src], dst, num_segments=NODES)  # [N, OUT]
        ahv = agg @ V
        h2_parts.append(ahv)
    h2 = jnp.concatenate(h2_parts, axis=0)            # [DEV*N, OUT]
    h2 = h2.reshape(DEV, NODES * OUT)                 # [DEV, N*OUT]
    h2 = jnp.transpose(h2, (1, 0))                    # [N*OUT, DEV]
    # tf.nn.softmax default axis=-1 on [DEV, 1] -> all ones (faithful)
    h2 = (h2 @ jax.nn.softmax(alpha, axis=-1)).reshape(NODES, OUT)
    return jax.nn.relu(h1 + h2)

if __name__ == "__main__":
    import jax
    _d = setup_inputs()
    print(jax.jit(kernel)(*tuple(_d.values())))

</pallas_src>

<mosaic_0001>
#map = affine_map<(d0, d1) -> (0, 0)>
#map1 = affine_map<(d0, d1) -> (0, 0, 0, 0)>
#map2 = affine_map<(d0, d1) -> (0, 0, 0)>
module attributes {stable_mosaic.version = 14 : i64} {
  func.func @k(%arg0: i32, %arg1: i32, %arg2: memref<10000x128xf32, #tpu.memory_space<hbm>>, %arg3: memref<32x100x5x80xi32, #tpu.memory_space<hbm>>, %arg4: memref<32x100x5x80xi32, #tpu.memory_space<hbm>>, %arg5: memref<632x128xf32, #tpu.memory_space<hbm>>, %arg6: memref<2x10000x128xf32, #tpu.memory_space<hbm>>, %arg7: memref<10000x128xf32, #tpu.memory_space<vmem_shared>>, %arg8: memref<4x5x80xi32, #tpu.memory_space<vmem>>, %arg9: memref<4x5x80xi32, #tpu.memory_space<vmem>>, %arg10: memref<4x80x128xf32, #tpu.memory_space<vmem>>, %arg11: memref<!tpu.dma_semaphore, #tpu.memory_space<semaphore_mem>>, %arg12: memref<!tpu.dma_semaphore, #tpu.memory_space<semaphore_mem>>, %arg13: memref<!tpu.dma_semaphore, #tpu.memory_space<semaphore_mem>>, %arg14: memref<!tpu.dma_semaphore, #tpu.memory_space<semaphore_mem>>, %arg15: memref<!tpu.dma_semaphore, #tpu.memory_space<semaphore_mem>>, %arg16: memref<!tpu.dma_semaphore, #tpu.memory_space<semaphore_mem>>, %arg17: memref<!tpu.dma_semaphore, #tpu.memory_space<semaphore_mem>>, %arg18: memref<!tpu.dma_semaphore, #tpu.memory_space<semaphore_mem>>, %arg19: memref<!tpu.dma_semaphore, #tpu.memory_space<semaphore_mem>>, %arg20: memref<!tpu.dma_semaphore, #tpu.memory_space<semaphore_mem>>, %arg21: memref<!tpu.dma_semaphore, #tpu.memory_space<semaphore_mem>>, %arg22: memref<!tpu.dma_semaphore, #tpu.memory_space<semaphore_mem>>) attributes {dimension_semantics = [#tpu.dimension_semantics<core_parallel>, #tpu.dimension_semantics<subcore_parallel>], iteration_bounds = array<i64: 2, 16>, scalar_prefetch = 0 : i64, scratch_operands = 16 : i64, tpu.core_type = #tpu.core_type<sc_vector_subcore>, window_params = [{transform_indices = #map}, {transform_indices = #map1}, {transform_indices = #map1}, {transform_indices = #map}, {transform_indices = #map2}]} {
    %mul3A = arith.constant 16 : i32
    %mul3A_0 = arith.muli %arg0, %mul3A : i32
    %add3A = arith.addi %mul3A_0, %arg1 : i32
    %dma_start3A = arith.constant 0 : i32
    %dma_start3A_1 = arith.constant 0 : i32
    %dma_start3A_2 = arith.constant 0 : i32
    %dma_start3A_3 = arith.constant 0 : i32
    %dma_start3A_4 = tpu.memref_slice %arg8[%dma_start3A_1, %dma_start3A_2, %dma_start3A_3] : memref<4x5x80xi32, #tpu.memory_space<vmem>> -> memref<1x5x80xi32, #tpu.memory_space<vmem>>
    %dma_start3A_5 = tpu.memref_squeeze %dma_start3A_4 : memref<1x5x80xi32, #tpu.memory_space<vmem>> -> memref<5x80xi32, #tpu.memory_space<vmem>>
    %dma_start3A_6 = arith.constant 0 : i32
    %dma_start3A_7 = arith.constant 0 : i32
    %dma_start3A_8 = tpu.memref_slice %arg3[%add3A, %dma_start3A, %dma_start3A_6, %dma_start3A_7] : memref<32x100x5x80xi32, #tpu.memory_space<hbm>> -> memref<1x1x5x80xi32, #tpu.memory_space<hbm>>
    %dma_start3A_9 = tpu.memref_squeeze %dma_start3A_8 : memref<1x1x5x80xi32, #tpu.memory_space<hbm>> -> memref<5x80xi32, #tpu.memory_space<hbm>>
    %dma_start3A_10 = arith.constant 0 : i32
    %dma_start3A_11 = arith.constant 0 : i32
    %dma_start3A_12 = tpu.memref_slice %arg8[%dma_start3A_1, %dma_start3A_10, %dma_start3A_11] : memref<4x5x80xi32, #tpu.memory_space<vmem>> -> memref<1x5x80xi32, #tpu.memory_space<vmem>>
    %dma_start3A_13 = tpu.memref_squeeze %dma_start3A_12 : memref<1x5x80xi32, #tpu.memory_space<vmem>> -> memref<5x80xi32, #tpu.memory_space<vmem>>
    %dma_start3A_14 = arith.constant 0 : i32
    %dma_start3A_15 = arith.constant 0 : i32
    %dma_start3A_16 = tpu.memref_slice %arg3[%add3A, %dma_start3A, %dma_start3A_14, %dma_start3A_15] : memref<32x100x5x80xi32, #tpu.memory_space<hbm>> -> memref<1x1x5x80xi32, #tpu.memory_space<hbm>>
    %dma_start3A_17 = tpu.memref_squeeze %dma_start3A_16 : memref<1x1x5x80xi32, #tpu.memory_space<hbm>> -> memref<5x80xi32, #tpu.memory_space<hbm>>
    tpu.enqueue_dma source(%dma_start3A_17 : memref<5x80xi32, #tpu.memory_space<hbm>>) target(%dma_start3A_13 : memref<5x80xi32, #tpu.memory_space<vmem>>) target_semaphore(%arg19 : memref<!tpu.dma_semaphore, #tpu.memory_space<semaphore_mem>>)
    %dma_start3A_18 = arith.constant 0 : i32
    %dma_start3A_19 = arith.constant 0 : i32
    %dma_start3A_20 = arith.constant 0 : i32
    %dma_start3A_21 = arith.constant 0 : i32
    %dma_start3A_22 = tpu.memref_slice %arg9[%dma_start3A_19, %dma_start3A_20, %dma_start3A_21] : memref<4x5x80xi32, #tpu.memory_space<vmem>> -> memref<1x5x80xi32, #tpu.memory_space<vmem>>
    %dma_start3A_23 = tpu.memref_squeeze %dma_start3A_22 : memref<1x5x80xi32, #tpu.memory_space<vmem>> -> memref<5x80xi32, #tpu.memory_space<vmem>>
    %dma_start3A_24 = arith.constant 0 : i32
    %dma_start3A_25 = arith.constant 0 : i32
    %dma_start3A_26 = tpu.memref_slice %arg4[%add3A, %dma_start3A_18, %dma_start3A_24, %dma_start3A_25] : memref<32x100x5x80xi32, #tpu.memory_space<hbm>> -> memref<1x1x5x80xi32, #tpu.memory_space<hbm>>
    %dma_start3A_27 = tpu.memref_squeeze %dma_start3A_26 : memref<1x1x5x80xi32, #tpu.memory_space<hbm>> -> memref<5x80xi32, #tpu.memory_space<hbm>>
    %dma_start3A_28 = arith.constant 0 : i32
    %dma_start3A_29 = arith.constant 0 : i32
    %dma_start3A_30 = tpu.memref_slice %arg9[%dma_start3A_19, %dma_start3A_28, %dma_start3A_29] : memref<4x5x80xi32, #tpu.memory_space<vmem>> -> memref<1x5x80xi32, #tpu.memory_space<vmem>>
    %dma_start3A_31 = tpu.memref_squeeze %dma_start3A_30 : memref<1x5x80xi32, #tpu.memory_space<vmem>> -> memref<5x80xi32, #tpu.memory_space<vmem>>
    %dma_start3A_32 = arith.constant 0 : i32
    %dma_start3A_33 = arith.constant 0 : i32
    %dma_start3A_34 = tpu.memref_slice %arg4[%add3A, %dma_start3A_18, %dma_start3A_32, %dma_start3A_33] : memref<32x100x5x80xi32, #tpu.memory_space<hbm>> -> memref<1x1x5x80xi32, #tpu.memory_space<hbm>>
    %dma_start3A_35 = tpu.memref_squeeze %dma_start3A_34 : memref<1x1x5x80xi32, #tpu.memory_space<hbm>> -> memref<5x80xi32, #tpu.memory_space<hbm>>
    tpu.enqueue_dma source(%dma_start3A_35 : memref<5x80xi32, #tpu.memory_space<hbm>>) target(%dma_start3A_31 : memref<5x80xi32, #tpu.memory_space<vmem>>) target_semaphore(%arg19 : memref<!tpu.dma_semaphore, #tpu.memory_space<semaphore_mem>>)
    %dma_start3A_36 = arith.constant 1 : i32
    %dma_start3A_37 = arith.constant 1 : i32
    %dma_start3A_38 = arith.constant 0 : i32
    %dma_start3A_39 = arith.constant 0 : i32
    %dma_start3A_40 = tpu.memref_slice %arg8[%dma_start3A_37, %dma_start3A_38, %dma_start3A_39] : memref<4x5x80xi32, #tpu.memory_space<vmem>> -> memref<1x5x80xi32, #tpu.memory_space<vmem>>
    %dma_start3A_41 = tpu.memref_squeeze %dma_start3A_40 : memref<1x5x80xi32, #tpu.memory_space<vmem>> -> memref<5x80xi32, #tpu.memory_space<vmem>>
    %dma_start3A_42 = arith.constant 0 : i32
    %dma_start3A_43 = arith.constant 0 : i32
    %dma_start3A_44 = tpu.memref_slice %arg3[%add3A, %dma_start3A_36, %dma_start3A_42, %dma_start3A_43] : memref<32x100x5x80xi32, #tpu.memory_space<hbm>> -> memref<1x1x5x80xi32, #tpu.memory_space<hbm>>
    %dma_start3A_45 = tpu.memref_squeeze %dma_start3A_44 : memref<1x1x5x80xi32, #tpu.memory_space<hbm>> -> memref<5x80xi32, #tpu.memory_space<hbm>>
    %dma_start3A_46 = arith.constant 0 : i32
    %dma_start3A_47 = arith.constant 0 : i32
    %dma_start3A_48 = tpu.memref_slice %arg8[%dma_start3A_37, %dma_start3A_46, %dma_start3A_47] : memref<4x5x80xi32, #tpu.memory_space<vmem>> -> memref<1x5x80xi32, #tpu.memory_space<vmem>>
    %dma_start3A_49 = tpu.memref_squeeze %dma_start3A_48 : memref<1x5x80xi32, #tpu.memory_space<vmem>> -> memref<5x80xi32, #tpu.memory_space<vmem>>
    %dma_start3A_50 = arith.constant 0 : i32
    %dma_start3A_51 = arith.constant 0 : i32
    %dma_start3A_52 = tpu.memref_slice %arg3[%add3A, %dma_start3A_36, %dma_start3A_50, %dma_start3A_51] : memref<32x100x5x80xi32, #tpu.memory_space<hbm>> -> memref<1x1x5x80xi32, #tpu.memory_space<hbm>>
    %dma_start3A_53 = tpu.memref_squeeze %dma_start3A_52 : memref<1x1x5x80xi32, #tpu.memory_space<hbm>> -> memref<5x80xi32, #tpu.memory_space<hbm>>
    tpu.enqueue_dma source(%dma_start3A_53 : memref<5x80xi32, #tpu.memory_space<hbm>>) target(%dma_start3A_49 : memref<5x80xi32, #tpu.memory_space<vmem>>) target_semaphore(%arg20 : memref<!tpu.dma_semaphore, #tpu.memory_space<semaphore_mem>>)
    %dma_start3A_54 = arith.constant 1 : i32
    %dma_start3A_55 = arith.constant 1 : i32
    %dma_start3A_56 = arith.constant 0 : i32
    %dma_start3A_57 = arith.constant 0 : i32
    %dma_start3A_58 = tpu.memref_slice %arg9[%dma_start3A_55, %dma_start3A_56, %dma_start3A_57] : memref<4x5x80xi32, #tpu.memory_space<vmem>> -> memref<1x5x80xi32, #tpu.memory_space<vmem>>
    %dma_start3A_59 = tpu.memref_squeeze %dma_start3A_58 : memref<1x5x80xi32, #tpu.memory_space<vmem>> -> memref<5x80xi32, #tpu.memory_space<vmem>>
    %dma_start3A_60 = arith.constant 0 : i32
    %dma_start3A_61 = arith.constant 0 : i32
    %dma_start3A_62 = tpu.memref_slice %arg4[%add3A, %dma_start3A_54, %dma_start3A_60, %dma_start3A_61] : memref<32x100x5x80xi32, #tpu.memory_space<hbm>> -> memref<1x1x5x80xi32, #tpu.memory_space<hbm>>
    %dma_start3A_63 = tpu.memref_squeeze %dma_start3A_62 : memref<1x1x5x80xi32, #tpu.memory_space<hbm>> -> memref<5x80xi32, #tpu.memory_space<hbm>>
    %dma_start3A_64 = arith.constant 0 : i32
    %dma_start3A_65 = arith.constant 0 : i32
    %dma_start3A_66 = tpu.memref_slice %arg9[%dma_start3A_55, %dma_start3A_64, %dma_start3A_65] : memref<4x5x80xi32, #tpu.memory_space<vmem>> -> memref<1x5x80xi32, #tpu.memory_space<vmem>>
    %dma_start3A_67 = tpu.memref_squeeze %dma_start3A_66 : memref<1x5x80xi32, #tpu.memory_space<vmem>> -> memref<5x80xi32, #tpu.memory_space<vmem>>
    %dma_start3A_68 = arith.constant 0 : i32
    %dma_start3A_69 = arith.constant 0 : i32
    %dma_start3A_70 = tpu.memref_slice %arg4[%add3A, %dma_start3A_54, %dma_start3A_68, %dma_start3A_69] : memref<32x100x5x80xi32, #tpu.memory_space<hbm>> -> memref<1x1x5x80xi32, #tpu.memory_space<hbm>>
    %dma_start3A_71 = tpu.memref_squeeze %dma_start3A_70 : memref<1x1x5x80xi32, #tpu.memory_space<hbm>> -> memref<5x80xi32, #tpu.memory_space<hbm>>
    tpu.enqueue_dma source(%dma_start3A_71 : memref<5x80xi32, #tpu.memory_space<hbm>>) target(%dma_start3A_67 : memref<5x80xi32, #tpu.memory_space<vmem>>) target_semaphore(%arg20 : memref<!tpu.dma_semaphore, #tpu.memory_space<semaphore_mem>>)
    %dma_start3A_72 = arith.constant 2 : i32
    %dma_start3A_73 = arith.constant 2 : i32
    %dma_start3A_74 = arith.constant 0 : i32
    %dma_start3A_75 = arith.constant 0 : i32
    %dma_start3A_76 = tpu.memref_slice %arg8[%dma_start3A_73, %dma_start3A_74, %dma_start3A_75] : memref<4x5x80xi32, #tpu.memory_space<vmem>> -> memref<1x5x80xi32, #tpu.memory_space<vmem>>
    %dma_start3A_77 = tpu.memref_squeeze %dma_start3A_76 : memref<1x5x80xi32, #tpu.memory_space<vmem>> -> memref<5x80xi32, #tpu.memory_space<vmem>>
    %dma_start3A_78 = arith.constant 0 : i32
    %dma_start3A_79 = arith.constant 0 : i32
    %dma_start3A_80 = tpu.memref_slice %arg3[%add3A, %dma_start3A_72, %dma_start3A_78, %dma_start3A_79] : memref<32x100x5x80xi32, #tpu.memory_space<hbm>> -> memref<1x1x5x80xi32, #tpu.memory_space<hbm>>
    %dma_start3A_81 = tpu.memref_squeeze %dma_start3A_80 : memref<1x1x5x80xi32, #tpu.memory_space<hbm>> -> memref<5x80xi32, #tpu.memory_space<hbm>>
    %dma_start3A_82 = arith.constant 0 : i32
    %dma_start3A_83 = arith.constant 0 : i32
    %dma_start3A_84 = tpu.memref_slice %arg8[%dma_start3A_73, %dma_start3A_82, %dma_start3A_83] : memref<4x5x80xi32, #tpu.memory_space<vmem>> -> memref<1x5x80xi32, #tpu.memory_space<vmem>>
    %dma_start3A_85 = tpu.memref_squeeze %dma_start3A_84 : memref<1x5x80xi32, #tpu.memory_space<vmem>> -> memref<5x80xi32, #tpu.memory_space<vmem>>
    %dma_start3A_86 = arith.constant 0 : i32
    %dma_start3A_87 = arith.constant 0 : i32
    %dma_start3A_88 = tpu.memref_slice %arg3[%add3A, %dma_start3A_72, %dma_start3A_86, %dma_start3A_87] : memref<32x100x5x80xi32, #tpu.memory_space<hbm>> -> memref<1x1x5x80xi32, #tpu.memory_space<hbm>>
    %dma_start3A_89 = tpu.memref_squeeze %dma_start3A_88 : memref<1x1x5x80xi32, #tpu.memory_space<hbm>> -> memref<5x80xi32, #tpu.memory_space<hbm>>
    tpu.enqueue_dma source(%dma_start3A_89 : memref<5x80xi32, #tpu.memory_space<hbm>>) target(%dma_start3A_85 : memref<5x80xi32, #tpu.memory_space<vmem>>) target_semaphore(%arg21 : memref<!tpu.dma_semaphore, #tpu.memory_space<semaphore_mem>>)
    %dma_start3A_90 = arith.constant 2 : i32
    %dma_start3A_91 = arith.constant 2 : i32
    %dma_start3A_92 = arith.constant 0 : i32
    %dma_start3A_93 = arith.constant 0 : i32
    %dma_start3A_94 = tpu.memref_slice %arg9[%dma_start3A_91, %dma_start3A_92, %dma_start3A_93] : memref<4x5x80xi32, #tpu.memory_space<vmem>> -> memref<1x5x80xi32, #tpu.memory_space<vmem>>
    %dma_start3A_95 = tpu.memref_squeeze %dma_start3A_94 : memref<1x5x80xi32, #tpu.memory_space<vmem>> -> memref<5x80xi32, #tpu.memory_space<vmem>>
    %dma_start3A_96 = arith.constant 0 : i32
    %dma_start3A_97 = arith.constant 0 : i32
    %dma_start3A_98 = tpu.memref_slice %arg4[%add3A, %dma_start3A_90, %dma_start3A_96, %dma_start3A_97] : memref<32x100x5x80xi32, #tpu.memory_space<hbm>> -> memref<1x1x5x80xi32, #tpu.memory_space<hbm>>
    %dma_start3A_99 = tpu.memref_squeeze %dma_start3A_98 : memref<1x1x5x80xi32, #tpu.memory_space<hbm>> -> memref<5x80xi32, #tpu.memory_space<hbm>>
    %dma_start3A_100 = arith.constant 0 : i32
    %dma_start3A_101 = arith.constant 0 : i32
    %dma_start3A_102 = tpu.memref_slice %arg9[%dma_start3A_91, %dma_start3A_100, %dma_start3A_101] : memref<4x5x80xi32, #tpu.memory_space<vmem>> -> memref<1x5x80xi32, #tpu.memory_space<vmem>>
    %dma_start3A_103 = tpu.memref_squeeze %dma_start3A_102 : memref<1x5x80xi32, #tpu.memory_space<vmem>> -> memref<5x80xi32, #tpu.memory_space<vmem>>
    %dma_start3A_104 = arith.constant 0 : i32
    %dma_start3A_105 = arith.constant 0 : i32
    %dma_start3A_106 = tpu.memref_slice %arg4[%add3A, %dma_start3A_90, %dma_start3A_104, %dma_start3A_105] : memref<32x100x5x80xi32, #tpu.memory_space<hbm>> -> memref<1x1x5x80xi32, #tpu.memory_space<hbm>>
    %dma_start3A_107 = tpu.memref_squeeze %dma_start3A_106 : memref<1x1x5x80xi32, #tpu.memory_space<hbm>> -> memref<5x80xi32, #tpu.memory_space<hbm>>
    tpu.enqueue_dma source(%dma_start3A_107 : memref<5x80xi32, #tpu.memory_space<hbm>>) target(%dma_start3A_103 : memref<5x80xi32, #tpu.memory_space<vmem>>) target_semaphore(%arg21 : memref<!tpu.dma_semaphore, #tpu.memory_space<semaphore_mem>>)
    %dma_wait3A = arith.constant 0 : i32
    %dma_wait3A_108 = arith.constant 0 : i32
    %dma_wait3A_109 = arith.constant 0 : i32
    %dma_wait3A_110 = arith.constant 0 : i32
    %dma_wait3A_111 = arith.constant 0 : i32
    %dma_wait3A_112 = tpu.memref_slice %arg8[%dma_wait3A_109, %dma_wait3A_110, %dma_wait3A_111] : memref<4x5x80xi32, #tpu.memory_space<vmem>> -> memref<1x5x80xi32, #tpu.memory_space<vmem>>
    %dma_wait3A_113 = tpu.memref_squeeze %dma_wait3A_112 : memref<1x5x80xi32, #tpu.memory_space<vmem>> -> memref<5x80xi32, #tpu.memory_space<vmem>>
    %dma_wait3A_114 = arith.constant 0 : i32
    %dma_wait3A_115 = arith.constant 0 : i32
    %dma_wait3A_116 = tpu.memref_slice %arg3[%dma_wait3A, %dma_wait3A_108, %dma_wait3A_114, %dma_wait3A_115] : memref<32x100x5x80xi32, #tpu.memory_space<hbm>> -> memref<1x1x5x80xi32, #tpu.memory_space<hbm>>
    %dma_wait3A_117 = tpu.memref_squeeze %dma_wait3A_116 : memref<1x1x5x80xi32, #tpu.memory_space<hbm>> -> memref<5x80xi32, #tpu.memory_space<hbm>>
    %dma_wait3A_118 = arith.constant 0 : i32
    %dma_wait3A_119 = arith.constant 0 : i32
    %dma_wait3A_120 = tpu.memref_slice %arg8[%dma_wait3A_109, %dma_wait3A_118, %dma_wait3A_119] : memref<4x5x80xi32, #tpu.memory_space<vmem>> -> memref<1x5x80xi32, #tpu.memory_space<vmem>>
    %dma_wait3A_121 = tpu.memref_squeeze %dma_wait3A_120 : memref<1x5x80xi32, #tpu.memory_space<vmem>> -> memref<5x80xi32, #tpu.memory_space<vmem>>
    %dma_wait3A_122 = arith.constant 0 : i32
    %dma_wait3A_123 = arith.constant 0 : i32
    %dma_wait3A_124 = tpu.memref_slice %arg3[%dma_wait3A, %dma_wait3A_108, %dma_wait3A_122, %dma_wait3A_123] : memref<32x100x5x80xi32, #tpu.memory_space<hbm>> -> memref<1x1x5x80xi32, #tpu.memory_space<hbm>>
    %dma_wait3A_125 = tpu.memref_squeeze %dma_wait3A_124 : memref<1x1x5x80xi32, #tpu.memory_space<hbm>> -> memref<5x80xi32, #tpu.memory_space<hbm>>
    tpu.wait_dma2 semaphore(%arg19 : memref<!tpu.dma_semaphore, #tpu.memory_space<semaphore_mem>>) src(%dma_wait3A_125 : memref<5x80xi32, #tpu.memory_space<hbm>>) dst(%dma_wait3A_121 : memref<5x80xi32, #tpu.memory_space<vmem>>)
    %dma_wait3A_126 = arith.constant 0 : i32
    %dma_wait3A_127 = arith.constant 0 : i32
    %dma_wait3A_128 = arith.constant 0 : i32
    %dma_wait3A_129 = arith.constant 0 : i32
    %dma_wait3A_130 = arith.constant 0 : i32
    %dma_wait3A_131 = tpu.memref_slice %arg9[%dma_wait3A_128, %dma_wait3A_129, %dma_wait3A_130] : memref<4x5x80xi32, #tpu.memory_space<vmem>> -> memref<1x5x80xi32, #tpu.memory_space<vmem>>
    %dma_wait3A_132 = tpu.memref_squeeze %dma_wait3A_131 : memref<1x5x80xi32, #tpu.memory_space<vmem>> -> memref<5x80xi32, #tpu.memory_space<vmem>>
    %dma_wait3A_133 = arith.constant 0 : i32
    %dma_wait3A_134 = arith.constant 0 : i32
    %dma_wait3A_135 = tpu.memref_slice %arg4[%dma_wait3A_126, %dma_wait3A_127, %dma_wait3A_133, %dma_wait3A_134] : memref<32x100x5x80xi32, #tpu.memory_space<hbm>> -> memref<1x1x5x80xi32, #tpu.memory_space<hbm>>
    %dma_wait3A_136 = tpu.memref_squeeze %dma_wait3A_135 : memref<1x1x5x80xi32, #tpu.memory_space<hbm>> -> memref<5x80xi32, #tpu.memory_space<hbm>>
    %dma_wait3A_137 = arith.constant 0 : i32
    %dma_wait3A_138 = arith.constant 0 : i32
    %dma_wait3A_139 = tpu.memref_slice %arg9[%dma_wait3A_128, %dma_wait3A_137, %dma_wait3A_138] : memref<4x5x80xi32, #tpu.memory_space<vmem>> -> memref<1x5x80xi32, #tpu.memory_space<vmem>>
    %dma_wait3A_140 = tpu.memref_squeeze %dma_wait3A_139 : memref<1x5x80xi32, #tpu.memory_space<vmem>> -> memref<5x80xi32, #tpu.memory_space<vmem>>
    %dma_wait3A_141 = arith.constant 0 : i32
    %dma_wait3A_142 = arith.constant 0 : i32
    %dma_wait3A_143 = tpu.memref_slice %arg4[%dma_wait3A_126, %dma_wait3A_127, %dma_wait3A_141, %dma_wait3A_142] : memref<32x100x5x80xi32, #tpu.memory_space<hbm>> -> memref<1x1x5x80xi32, #tpu.memory_space<hbm>>
    %dma_wait3A_144 = tpu.memref_squeeze %dma_wait3A_143 : memref<1x1x5x80xi32, #tpu.memory_space<hbm>> -> memref<5x80xi32, #tpu.memory_space<hbm>>
    tpu.wait_dma2 semaphore(%arg19 : memref<!tpu.dma_semaphore, #tpu.memory_space<semaphore_mem>>) src(%dma_wait3A_144 : memref<5x80xi32, #tpu.memory_space<hbm>>) dst(%dma_wait3A_140 : memref<5x80xi32, #tpu.memory_space<vmem>>)
    %dma_start3A_145 = arith.constant 0 : i32
    %dma_start3A_146 = arith.constant 0 : i32
    %dma_start3A_147 = arith.constant 0 : i32
    %dma_start3A_148 = arith.constant 0 : i32
    %dma_start3A_149 = arith.constant 0 : i32
    %dma_start3A_150 = tpu.memref_slice %arg10[%dma_start3A_147, %dma_start3A_148, %dma_start3A_149] : memref<4x80x128xf32, #tpu.memory_space<vmem>> -> memref<1x80x128xf32, #tpu.memory_space<vmem>>
    %dma_start3A_151 = tpu.memref_squeeze %dma_start3A_150 : memref<1x80x128xf32, #tpu.memory_space<vmem>> -> memref<80x128xf32, #tpu.memory_space<vmem>>
    %dma_start3A_152 = arith.constant 0 : i32
    %dma_start3A_153 = tpu.memref_slice %arg8[%dma_start3A_145, %dma_start3A_146, %dma_start3A_152] : memref<4x5x80xi32, #tpu.memory_space<vmem>> -> memref<1x1x80xi32, #tpu.memory_space<vmem>>
    %dma_start3A_154 = tpu.memref_squeeze %dma_start3A_153 : memref<1x1x80xi32, #tpu.memory_space<vmem>> -> memref<80xi32, #tpu.memory_space<vmem>>
    %dma_start3A_155 = arith.constant 0 : i32
    %dma_start3A_156 = arith.constant 0 : i32
    %dma_start3A_157 = tpu.memref_slice %arg2[%dma_start3A_155, %dma_start3A_156] : memref<10000x128xf32, #tpu.memory_space<hbm>> -> memref<10000x128xf32, #tpu.memory_space<hbm>>
    tpu.enqueue_indirect_dma source(%dma_start3A_157 : memref<10000x128xf32, #tpu.memory_space<hbm>>) target(%dma_start3A_151 : memref<80x128xf32, #tpu.memory_space<vmem>>) offsets(%dma_start3A_154 : memref<80xi32, #tpu.memory_space<vmem>>) semaphore(%arg11 : memref<!tpu.dma_semaphore, #tpu.memory_space<semaphore_mem>>)
    %dma_start3A_158 = arith.constant 0 : i32
    %dma_start3A_159 = arith.constant 1 : i32
    %dma_start3A_160 = arith.constant 1 : i32
    %dma_start3A_161 = arith.constant 0 : i32
    %dma_start3A_162 = arith.constant 0 : i32
    %dma_start3A_163 = tpu.memref_slice %arg10[%dma_start3A_160, %dma_start3A_161, %dma_start3A_162] : memref<4x80x128xf32, #tpu.memory_space<vmem>> -> memref<1x80x128xf32, #tpu.memory_space<vmem>>
    %dma_start3A_164 = tpu.memref_squeeze %dma_start3A_163 : memref<1x80x128xf32, #tpu.memory_space<vmem>> -> memref<80x128xf32, #tpu.memory_space<vmem>>
    %dma_start3A_165 = arith.constant 0 : i32
    %dma_start3A_166 = tpu.memref_slice %arg8[%dma_start3A_158, %dma_start3A_159, %dma_start3A_165] : memref<4x5x80xi32, #tpu.memory_space<vmem>> -> memref<1x1x80xi32, #tpu.memory_space<vmem>>
    %dma_start3A_167 = tpu.memref_squeeze %dma_start3A_166 : memref<1x1x80xi32, #tpu.memory_space<vmem>> -> memref<80xi32, #tpu.memory_space<vmem>>
    %dma_start3A_168 = arith.constant 0 : i32
    %dma_start3A_169 = arith.constant 0 : i32
    %dma_start3A_170 = tpu.memref_slice %arg2[%dma_start3A_168, %dma_start3A_169] : memref<10000x128xf32, #tpu.memory_space<hbm>> -> memref<10000x128xf32, #tpu.memory_space<hbm>>
    tpu.enqueue_indirect_dma source(%dma_start3A_170 : memref<10000x128xf32, #tpu.memory_space<hbm>>) target(%dma_start3A_164 : memref<80x128xf32, #tpu.memory_space<vmem>>) offsets(%dma_start3A_167 : memref<80xi32, #tpu.memory_space<vmem>>) semaphore(%arg12 : memref<!tpu.dma_semaphore, #tpu.memory_space<semaphore_mem>>)
    %lt3A = arith.constant 15 : i32
    %lt3A_171 = arith.cmpi slt, %arg1, %lt3A : i32
    %convert_element_type3A = arith.extui %lt3A_171 : i1 to i32
    %cond3A = arith.constant 0 : i32
    %cond3A_172 = arith.cmpi ne, %convert_element_type3A, %cond3A : i32
    scf.if %cond3A_172 {
      %mul3A_219 = arith.constant 632 : i32
      %mul3A_220 = arith.muli %arg1, %mul3A_219 : i32
      "tpu.region"() ({
        %run_scoped3A = tpu.sem_alloc : memref<!tpu.dma_semaphore, #tpu.memory_space<semaphore_mem>>
        %dma_start3A_221 = arith.constant 0 : i32
        %dma_start3A_222 = tpu.memref_slice %arg7[%mul3A_220, %dma_start3A_221] : memref<10000x128xf32, #tpu.memory_space<vmem_shared>> -> memref<632x128xf32, #tpu.memory_space<vmem_shared>>
        tpu.enqueue_dma source(%arg5 : memref<632x128xf32, #tpu.memory_space<hbm>>) target(%dma_start3A_222 : memref<632x128xf32, #tpu.memory_space<vmem_shared>>) target_semaphore(%run_scoped3A : memref<!tpu.dma_semaphore, #tpu.memory_space<semaphore_mem>>)
        %dma_wait3A_223 = arith.constant 0 : i32
        %dma_wait3A_224 = tpu.memref_slice %arg7[%mul3A_220, %dma_wait3A_223] : memref<10000x128xf32, #tpu.memory_space<vmem_shared>> -> memref<632x128xf32, #tpu.memory_space<vmem_shared>>
        tpu.wait_dma2 semaphore(%run_scoped3A : memref<!tpu.dma_semaphore, #tpu.memory_space<semaphore_mem>>) src(%arg5 : memref<632x128xf32, #tpu.memory_space<hbm>>) dst(%dma_wait3A_224 : memref<632x128xf32, #tpu.memory_space<vmem_shared>>)
        tpu.yield
      }) : () -> ()
    } else {
    }
    %eq3A = arith.constant 15 : i32
    %eq3A_173 = arith.cmpi eq, %arg1, %eq3A : i32
    %convert_element_type3A_174 = arith.extui %eq3A_173 : i1 to i32
    %cond3A_175 = arith.constant 0 : i32
    %cond3A_176 = arith.cmpi ne, %convert_element_type3A_174, %cond3A_175 : i32
    scf.if %cond3A_176 {
      "tpu.region"() ({
        %run_scoped3A = tpu.sem_alloc : memref<!tpu.dma_semaphore, #tpu.memory_space<semaphore_mem>>
        %dma_start3A_219 = arith.constant 9480 : i32
        %dma_start3A_220 = arith.constant 0 : i32
        %dma_start3A_221 = tpu.memref_slice %arg7[%dma_start3A_219, %dma_start3A_220] : memref<10000x128xf32, #tpu.memory_space<vmem_shared>> -> memref<520x128xf32, #tpu.memory_space<vmem_shared>>
        %dma_start3A_222 = arith.constant 0 : i32
        %dma_start3A_223 = arith.constant 0 : i32
        %dma_start3A_224 = tpu.memref_slice %arg5[%dma_start3A_222, %dma_start3A_223] : memref<632x128xf32, #tpu.memory_space<hbm>> -> memref<520x128xf32, #tpu.memory_space<hbm>>
        tpu.enqueue_dma source(%dma_start3A_224 : memref<520x128xf32, #tpu.memory_space<hbm>>) target(%dma_start3A_221 : memref<520x128xf32, #tpu.memory_space<vmem_shared>>) target_semaphore(%run_scoped3A : memref<!tpu.dma_semaphore, #tpu.memory_space<semaphore_mem>>)
        %dma_wait3A_225 = arith.constant 9480 : i32
        %dma_wait3A_226 = arith.constant 0 : i32
        %dma_wait3A_227 = tpu.memref_slice %arg7[%dma_wait3A_225, %dma_wait3A_226] : memref<10000x128xf32, #tpu.memory_space<vmem_shared>> -> memref<520x128xf32, #tpu.memory_space<vmem_shared>>
        %dma_wait3A_228 = arith.constant 0 : i32
        %dma_wait3A_229 = arith.constant 0 : i32
        %dma_wait3A_230 = tpu.memref_slice %arg5[%dma_wait3A_228, %dma_wait3A_229] : memref<632x128xf32, #tpu.memory_space<hbm>> -> memref<520x128xf32, #tpu.memory_space<hbm>>
        tpu.wait_dma2 semaphore(%run_scoped3A : memref<!tpu.dma_semaphore, #tpu.memory_space<semaphore_mem>>) src(%dma_wait3A_230 : memref<520x128xf32, #tpu.memory_space<hbm>>) dst(%dma_wait3A_227 : memref<520x128xf32, #tpu.memory_space<vmem_shared>>)
        tpu.yield
      }) : () -> ()
    } else {
    }
    %barrier3A = arith.constant 0 : index
    tpu.barrier barrier_id(%barrier3A)
    %scan3A = arith.constant 0 : i32
    %scan3A_177 = arith.constant 0 : i32
    %scan3A_178 = arith.constant 25 : i32
    %scan3A_179 = arith.addi %scan3A_177, %scan3A_178 : i32
    %scan3A_180 = arith.constant 1 : i32
    scf.for %scan3A_219 = %scan3A_177 to %scan3A_179 step %scan3A_180  : i32 {
      %mul3A_220 = arith.constant 20 : i32
      %mul3A_221 = arith.muli %scan3A_219, %mul3A_220 : i32
      %add3A_222 = arith.constant 0 : i32
      %add3A_223 = arith.addi %mul3A_221, %add3A_222 : i32
      %mul3A_224 = arith.constant 4 : i32
      %mul3A_225 = arith.muli %mul3A_224, %scan3A_219 : i32
      %add3A_226 = arith.constant 3 : i32
      %add3A_227 = arith.addi %mul3A_225, %add3A_226 : i32
      %add3A_228 = arith.constant 0 : i32
      %add3A_229 = arith.addi %add3A_227, %add3A_228 : i32
      %lt3A_230 = arith.constant 100 : i32
      %lt3A_231 = arith.cmpi slt, %add3A_229, %lt3A_230 : i32
      %convert_element_type3A_232 = arith.extui %lt3A_231 : i1 to i32
      %cond3A_233 = arith.constant 0 : i32
      %cond3A_234 = arith.cmpi ne, %convert_element_type3A_232, %cond3A_233 : i32
      scf.if %cond3A_234 {
        %dma_start3A_1139 = arith.constant 3 : i32
        %dma_start3A_1140 = arith.constant 0 : i32
        %dma_start3A_1141 = arith.constant 0 : i32
        %dma_start3A_1142 = tpu.memref_slice %arg8[%dma_start3A_1139, %dma_start3A_1140, %dma_start3A_1141] : memref<4x5x80xi32, #tpu.memory_space<vmem>> -> memref<1x5x80xi32, #tpu.memory_space<vmem>>
        %dma_start3A_1143 = tpu.memref_squeeze %dma_start3A_1142 : memref<1x5x80xi32, #tpu.memory_space<vmem>> -> memref<5x80xi32, #tpu.memory_space<vmem>>
        %dma_start3A_1144 = arith.constant 0 : i32
        %dma_start3A_1145 = arith.constant 0 : i32
        %dma_start3A_1146 = tpu.memref_slice %arg3[%add3A, %add3A_229, %dma_start3A_1144, %dma_start3A_1145] : memref<32x100x5x80xi32, #tpu.memory_space<hbm>> -> memref<1x1x5x80xi32, #tpu.memory_space<hbm>>
        %dma_start3A_1147 = tpu.memref_squeeze %dma_start3A_1146 : memref<1x1x5x80xi32, #tpu.memory_space<hbm>> -> memref<5x80xi32, #tpu.memory_space<hbm>>
        %dma_start3A_1148 = arith.constant 0 : i32
        %dma_start3A_1149 = arith.constant 0 : i32
        %dma_start3A_1150 = tpu.memref_slice %arg8[%dma_start3A_1139, %dma_start3A_1148, %dma_start3A_1149] : memref<4x5x80xi32, #tpu.memory_space<vmem>> -> memref<1x5x80xi32, #tpu.memory_space<vmem>>
        %dma_start3A_1151 = tpu.memref_squeeze %dma_start3A_1150 : memref<1x5x80xi32, #tpu.memory_space<vmem>> -> memref<5x80xi32, #tpu.memory_space<vmem>>
        %dma_start3A_1152 = arith.constant 0 : i32
        %dma_start3A_1153 = arith.constant 0 : i32
        %dma_start3A_1154 = tpu.memref_slice %arg3[%add3A, %add3A_229, %dma_start3A_1152, %dma_start3A_1153] : memref<32x100x5x80xi32, #tpu.memory_space<hbm>> -> memref<1x1x5x80xi32, #tpu.memory_space<hbm>>
        %dma_start3A_1155 = tpu.memref_squeeze %dma_start3A_1154 : memref<1x1x5x80xi32, #tpu.memory_space<hbm>> -> memref<5x80xi32, #tpu.memory_space<hbm>>
        tpu.enqueue_dma source(%dma_start3A_1155 : memref<5x80xi32, #tpu.memory_space<hbm>>) target(%dma_start3A_1151 : memref<5x80xi32, #tpu.memory_space<vmem>>) target_semaphore(%arg22 : memref<!tpu.dma_semaphore, #tpu.memory_space<semaphore_mem>>)
        %dma_start3A_1156 = arith.constant 3 : i32
        %dma_start3A_1157 = arith.constant 0 : i32
        %dma_start3A_1158 = arith.constant 0 : i32
        %dma_start3A_1159 = tpu.memref_slice %arg9[%dma_start3A_1156, %dma_start3A_1157, %dma_start3A_1158] : memref<4x5x80xi32, #tpu.memory_space<vmem>> -> memref<1x5x80xi32, #tpu.memory_space<vmem>>
        %dma_start3A_1160 = tpu.memref_squeeze %dma_start3A_1159 : memref<1x5x80xi32, #tpu.memory_space<vmem>> -> memref<5x80xi32, #tpu.memory_space<vmem>>
        %dma_start3A_1161 = arith.constant 0 : i32
        %dma_start3A_1162 = arith.constant 0 : i32
        %dma_start3A_1163 = tpu.memref_slice %arg4[%add3A, %add3A_229, %dma_start3A_1161, %dma_start3A_1162] : memref<32x100x5x80xi32, #tpu.memory_space<hbm>> -> memref<1x1x5x80xi32, #tpu.memory_space<hbm>>
        %dma_start3A_1164 = tpu.memref_squeeze %dma_start3A_1163 : memref<1x1x5x80xi32, #tpu.memory_space<hbm>> -> memref<5x80xi32, #tpu.memory_space<hbm>>
        %dma_start3A_1165 = arith.constant 0 : i32
        %dma_start3A_1166 = arith.constant 0 : i32
        %dma_start3A_1167 = tpu.memref_slice %arg9[%dma_start3A_1156, %dma_start3A_1165, %dma_start3A_1166] : memref<4x5x80xi32, #tpu.memory_space<vmem>> -> memref<1x5x80xi32, #tpu.memory_space<vmem>>
        %dma_start3A_1168 = tpu.memref_squeeze %dma_start3A_1167 : memref<1x5x80xi32, #tpu.memory_space<vmem>> -> memref<5x80xi32, #tpu.memory_space<vmem>>
        %dma_start3A_1169 = arith.constant 0 : i32
        %dma_start3A_1170 = arith.constant 0 : i32
        %dma_start3A_1171 = tpu.memref_slice %arg4[%add3A, %add3A_229, %dma_start3A_1169, %dma_start3A_1170] : memref<32x100x5x80xi32, #tpu.memory_space<hbm>> -> memref<1x1x5x80xi32, #tpu.memory_space<hbm>>
        %dma_start3A_1172 = tpu.memref_squeeze %dma_start3A_1171 : memref<1x1x5x80xi32, #tpu.memory_space<hbm>> -> memref<5x80xi32, #tpu.memory_space<hbm>>
        tpu.enqueue_dma source(%dma_start3A_1172 : memref<5x80xi32, #tpu.memory_space<hbm>>) target(%dma_start3A_1168 : memref<5x80xi32, #tpu.memory_space<vmem>>) target_semaphore(%arg22 : memref<!tpu.dma_semaphore, #tpu.memory_space<semaphore_mem>>)
      } else {
      }
      %dma_wait3A_235 = arith.constant 0 : i32
      %dma_wait3A_236 = arith.constant 0 : i32
      %dma_wait3A_237 = arith.constant 0 : i32
      %dma_wait3A_238 = arith.constant 0 : i32
      %dma_wait3A_239 = arith.constant 0 : i32
      %dma_wait3A_240 = tpu.memref_slice %arg10[%dma_wait3A_237, %dma_wait3A_238, %dma_wait3A_239] : memref<4x80x128xf32, #tpu.memory_space<vmem>> -> memref<1x80x128xf32, #tpu.memory_space<vmem>>
      %dma_wait3A_241 = tpu.memref_squeeze %dma_wait3A_240 : memref<1x80x128xf32, #tpu.memory_space<vmem>> -> memref<80x128xf32, #tpu.memory_space<vmem>>
      %dma_wait3A_242 = arith.constant 0 : i32
      %dma_wait3A_243 = tpu.memref_slice %arg8[%dma_wait3A_235, %dma_wait3A_236, %dma_wait3A_242] : memref<4x5x80xi32, #tpu.memory_space<vmem>> -> memref<1x1x80xi32, #tpu.memory_space<vmem>>
      %dma_wait3A_244 = tpu.memref_squeeze %dma_wait3A_243 : memref<1x1x80xi32, #tpu.memory_space<vmem>> -> memref<80xi32, #tpu.memory_space<vmem>>
      %dma_wait3A_245 = arith.constant 0 : i32
      %dma_wait3A_246 = arith.constant 0 : i32
      %dma_wait3A_247 = tpu.memref_slice %arg2[%dma_wait3A_245, %dma_wait3A_246] : memref<10000x128xf32, #tpu.memory_space<hbm>> -> memref<10000x128xf32, #tpu.memory_space<hbm>>
      tpu.wait_indirect_dma semaphore(%arg11 : memref<!tpu.dma_semaphore, #tpu.memory_space<semaphore_mem>>) src(%dma_wait3A_247 : memref<10000x128xf32, #tpu.memory_space<hbm>>) dst(%dma_wait3A_241 : memref<80x128xf32, #tpu.memory_space<vmem>>)
      %dma_start3A_248 = arith.constant 0 : i32
      %dma_start3A_249 = arith.constant 0 : i32
      %dma_start3A_250 = arith.constant 0 : i32
      %dma_start3A_251 = arith.constant 0 : i32
      %dma_start3A_252 = arith.constant 0 : i32
      %dma_start3A_253 = tpu.memref_slice %arg10[%dma_start3A_248, %dma_start3A_251, %dma_start3A_252] : memref<4x80x128xf32, #tpu.memory_space<vmem>> -> memref<1x80x128xf32, #tpu.memory_space<vmem>>
      %dma_start3A_254 = tpu.memref_squeeze %dma_start3A_253 : memref<1x80x128xf32, #tpu.memory_space<vmem>> -> memref<80x128xf32, #tpu.memory_space<vmem>>
      %dma_start3A_255 = arith.constant 0 : i32
      %dma_start3A_256 = tpu.memref_slice %arg9[%dma_start3A_249, %dma_start3A_250, %dma_start3A_255] : memref<4x5x80xi32, #tpu.memory_space<vmem>> -> memref<1x1x80xi32, #tpu.memory_space<vmem>>
      %dma_start3A_257 = tpu.memref_squeeze %dma_start3A_256 : memref<1x1x80xi32, #tpu.memory_space<vmem>> -> memref<80xi32, #tpu.memory_space<vmem>>
      %dma_start3A_258 = arith.constant 0 : i32
      %dma_start3A_259 = arith.constant 0 : i32
      %dma_start3A_260 = tpu.memref_slice %arg7[%dma_start3A_258, %dma_start3A_259] : memref<10000x128xf32, #tpu.memory_space<vmem_shared>> -> memref<10000x128xf32, #tpu.memory_space<vmem_shared>>
      tpu.enqueue_indirect_dma source(%dma_start3A_254 : memref<80x128xf32, #tpu.memory_space<vmem>>) target(%dma_start3A_260 : memref<10000x128xf32, #tpu.memory_space<vmem_shared>>) offsets(%dma_start3A_257 : memref<80xi32, #tpu.memory_space<vmem>>) semaphore(%arg15 : memref<!tpu.dma_semaphore, #tpu.memory_space<semaphore_mem>>) {add = true}
      %ge3A = arith.constant 2 : i32
      %ge3A_261 = arith.cmpi sge, %add3A_223, %ge3A : i32
      %convert_element_type3A_262 = arith.extui %ge3A_261 : i1 to i32
      %cond3A_263 = arith.constant 0 : i32
      %cond3A_264 = arith.cmpi ne, %convert_element_type3A_262, %cond3A_263 : i32
      scf.if %cond3A_264 {
        %dma_wait3A_1139 = arith.constant 2 : i32
        %dma_wait3A_1140 = arith.constant 0 : i32
        %dma_wait3A_1141 = arith.constant 0 : i32
        %dma_wait3A_1142 = arith.constant 0 : i32
        %dma_wait3A_1143 = arith.constant 0 : i32
        %dma_wait3A_1144 = tpu.memref_slice %arg10[%dma_wait3A_1139, %dma_wait3A_1142, %dma_wait3A_1143] : memref<4x80x128xf32, #tpu.memory_space<vmem>> -> memref<1x80x128xf32, #tpu.memory_space<vmem>>
        %dma_wait3A_1145 = tpu.memref_squeeze %dma_wait3A_1144 : memref<1x80x128xf32, #tpu.memory_space<vmem>> -> memref<80x128xf32, #tpu.memory_space<vmem>>
        %dma_wait3A_1146 = arith.constant 0 : i32
        %dma_wait3A_1147 = tpu.memref_slice %arg9[%dma_wait3A_1140, %dma_wait3A_1141, %dma_wait3A_1146] : memref<4x5x80xi32, #tpu.memory_space<vmem>> -> memref<1x1x80xi32, #tpu.memory_space<vmem>>
        %dma_wait3A_1148 = tpu.memref_squeeze %dma_wait3A_1147 : memref<1x1x80xi32, #tpu.memory_space<vmem>> -> memref<80xi32, #tpu.memory_space<vmem>>
        %dma_wait3A_1149 = arith.constant 0 : i32
        %dma_wait3A_1150 = arith.constant 0 : i32
        %dma_wait3A_1151 = tpu.memref_slice %arg7[%dma_wait3A_1149, %dma_wait3A_1150] : memref<10000x128xf32, #tpu.memory_space<vmem_shared>> -> memref<10000x128xf32, #tpu.memory_space<vmem_shared>>
        tpu.wait_indirect_dma semaphore(%arg17 : memref<!tpu.dma_semaphore, #tpu.memory_space<semaphore_mem>>) src(%dma_wait3A_1145 : memref<80x128xf32, #tpu.memory_space<vmem>>) dst(%dma_wait3A_1151 : memref<10000x128xf32, #tpu.memory_space<vmem_shared>>)
      } else {
      }
      %add3A_265 = arith.constant 2 : i32
      %add3A_266 = arith.addi %add3A_223, %add3A_265 : i32
      %lt3A_267 = arith.constant 500 : i32
      %lt3A_268 = arith.cmpi slt, %add3A_266, %lt3A_267 : i32
      %convert_element_type3A_269 = arith.extui %lt3A_268 : i1 to i32
      %cond3A_270 = arith.constant 0 : i32
      %cond3A_271 = arith.cmpi ne, %convert_element_type3A_269, %cond3A_270 : i32
      scf.if %cond3A_271 {
        %dma_start3A_1139 = arith.constant 0 : i32
        %dma_start3A_1140 = arith.constant 2 : i32
        %dma_start3A_1141 = arith.constant 2 : i32
        %dma_start3A_1142 = arith.constant 0 : i32
        %dma_start3A_1143 = arith.constant 0 : i32
        %dma_start3A_1144 = tpu.memref_slice %arg10[%dma_start3A_1141, %dma_start3A_1142, %dma_start3A_1143] : memref<4x80x128xf32, #tpu.memory_space<vmem>> -> memref<1x80x128xf32, #tpu.memory_space<vmem>>
        %dma_start3A_1145 = tpu.memref_squeeze %dma_start3A_1144 : memref<1x80x128xf32, #tpu.memory_space<vmem>> -> memref<80x128xf32, #tpu.memory_space<vmem>>
        %dma_start3A_1146 = arith.constant 0 : i32
        %dma_start3A_1147 = tpu.memref_slice %arg8[%dma_start3A_1139, %dma_start3A_1140, %dma_start3A_1146] : memref<4x5x80xi32, #tpu.memory_space<vmem>> -> memref<1x1x80xi32, #tpu.memory_space<vmem>>
        %dma_start3A_1148 = tpu.memref_squeeze %dma_start3A_1147 : memref<1x1x80xi32, #tpu.memory_space<vmem>> -> memref<80xi32, #tpu.memory_space<vmem>>
        %dma_start3A_1149 = arith.constant 0 : i32
        %dma_start3A_1150 = arith.constant 0 : i32
        %dma_start3A_1151 = tpu.memref_slice %arg2[%dma_start3A_1149, %dma_start3A_1150] : memref<10000x128xf32, #tpu.memory_space<hbm>> -> memref<10000x128xf32, #tpu.memory_space<hbm>>
        tpu.enqueue_indirect_dma source(%dma_start3A_1151 : memref<10000x128xf32, #tpu.memory_space<hbm>>) target(%dma_start3A_1145 : memref<80x128xf32, #tpu.memory_space<vmem>>) offsets(%dma_start3A_1148 : memref<80xi32, #tpu.memory_space<vmem>>) semaphore(%arg13 : memref<!tpu.dma_semaphore, #tpu.memory_space<semaphore_mem>>)
      } else {
      }
      %mul3A_272 = arith.constant 20 : i32
      %mul3A_273 = arith.muli %scan3A_219, %mul3A_272 : i32
      %add3A_274 = arith.constant 1 : i32
      %add3A_275 = arith.addi %mul3A_273, %add3A_274 : i32
      %dma_wait3A_276 = arith.constant 0 : i32
      %dma_wait3A_277 = arith.constant 0 : i32
      %dma_wait3A_278 = arith.constant 1 : i32
      %dma_wait3A_279 = arith.constant 0 : i32
      %dma_wait3A_280 = arith.constant 0 : i32
      %dma_wait3A_281 = tpu.memref_slice %arg10[%dma_wait3A_278, %dma_wait3A_279, %dma_wait3A_280] : memref<4x80x128xf32, #tpu.memory_space<vmem>> -> memref<1x80x128xf32, #tpu.memory_space<vmem>>
      %dma_wait3A_282 = tpu.memref_squeeze %dma_wait3A_281 : memref<1x80x128xf32, #tpu.memory_space<vmem>> -> memref<80x128xf32, #tpu.memory_space<vmem>>
      %dma_wait3A_283 = arith.constant 0 : i32
      %dma_wait3A_284 = tpu.memref_slice %arg8[%dma_wait3A_276, %dma_wait3A_277, %dma_wait3A_283] : memref<4x5x80xi32, #tpu.memory_space<vmem>> -> memref<1x1x80xi32, #tpu.memory_space<vmem>>
      %dma_wait3A_285 = tpu.memref_squeeze %dma_wait3A_284 : memref<1x1x80xi32, #tpu.memory_space<vmem>> -> memref<80xi32, #tpu.memory_space<vmem>>
      %dma_wait3A_286 = arith.constant 0 : i32
      %dma_wait3A_287 = arith.constant 0 : i32
      %dma_wait3A_288 = tpu.memref_slice %arg2[%dma_wait3A_286, %dma_wait3A_287] : memref<10000x128xf32, #tpu.memory_space<hbm>> -> memref<10000x128xf32, #tpu.memory_space<hbm>>
      tpu.wait_indirect_dma semaphore(%arg12 : memref<!tpu.dma_semaphore, #tpu.memory_space<semaphore_mem>>) src(%dma_wait3A_288 : memref<10000x128xf32, #tpu.memory_space<hbm>>) dst(%dma_wait3A_282 : memref<80x128xf32, #tpu.memory_space<vmem>>)
      %dma_start3A_289 = arith.constant 1 : i32
      %dma_start3A_290 = arith.constant 0 : i32
      %dma_start3A_291 = arith.constant 1 : i32
      %dma_start3A_292 = arith.constant 0 : i32
      %dma_start3A_293 = arith.constant 0 : i32
      %dma_start3A_294 = tpu.memref_slice %arg10[%dma_start3A_289, %dma_start3A_292, %dma_start3A_293] : memref<4x80x128xf32, #tpu.memory_space<vmem>> -> memref<1x80x128xf32, #tpu.memory_space<vmem>>
      %dma_start3A_295 = tpu.memref_squeeze %dma_start3A_294 : memref<1x80x128xf32, #tpu.memory_space<vmem>> -> memref<80x128xf32, #tpu.memory_space<vmem>>
      %dma_start3A_296 = arith.constant 0 : i32
      %dma_start3A_297 = tpu.memref_slice %arg9[%dma_start3A_290, %dma_start3A_291, %dma_start3A_296] : memref<4x5x80xi32, #tpu.memory_space<vmem>> -> memref<1x1x80xi32, #tpu.memory_space<vmem>>
      %dma_start3A_298 = tpu.memref_squeeze %dma_start3A_297 : memref<1x1x80xi32, #tpu.memory_space<vmem>> -> memref<80xi32, #tpu.memory_space<vmem>>
      %dma_start3A_299 = arith.constant 0 : i32
      %dma_start3A_300 = arith.constant 0 : i32
      %dma_start3A_301 = tpu.memref_slice %arg7[%dma_start3A_299, %dma_start3A_300] : memref<10000x128xf32, #tpu.memory_space<vmem_shared>> -> memref<10000x128xf32, #tpu.memory_space<vmem_shared>>
      tpu.enqueue_indirect_dma source(%dma_start3A_295 : memref<80x128xf32, #tpu.memory_space<vmem>>) target(%dma_start3A_301 : memref<10000x128xf32, #tpu.memory_space<vmem_shared>>) offsets(%dma_start3A_298 : memref<80xi32, #tpu.memory_space<vmem>>) semaphore(%arg16 : memref<!tpu.dma_semaphore, #tpu.memory_space<semaphore_mem>>) {add = true}
      %ge3A_302 = arith.constant 2 : i32
      %ge3A_303 = arith.cmpi sge, %add3A_275, %ge3A_302 : i32
      %convert_element_type3A_304 = arith.extui %ge3A_303 : i1 to i32
      %cond3A_305 = arith.constant 0 : i32
      %cond3A_306 = arith.cmpi ne, %convert_element_type3A_304, %cond3A_305 : i32
      scf.if %cond3A_306 {
        %dma_wait3A_1139 = arith.constant 3 : i32
        %dma_wait3A_1140 = arith.constant 0 : i32
        %dma_wait3A_1141 = arith.constant 0 : i32
        %dma_wait3A_1142 = arith.constant 0 : i32
        %dma_wait3A_1143 = arith.constant 0 : i32
        %dma_wait3A_1144 = tpu.memref_slice %arg10[%dma_wait3A_1139, %dma_wait3A_1142, %dma_wait3A_1143] : memref<4x80x128xf32, #tpu.memory_space<vmem>> -> memref<1x80x128xf32, #tpu.memory_space<vmem>>
        %dma_wait3A_1145 = tpu.memref_squeeze %dma_wait3A_1144 : memref<1x80x128xf32, #tpu.memory_space<vmem>> -> memref<80x128xf32, #tpu.memory_space<vmem>>
        %dma_wait3A_1146 = arith.constant 0 : i32
        %dma_wait3A_1147 = tpu.memref_slice %arg9[%dma_wait3A_1140, %dma_wait3A_1141, %dma_wait3A_1146] : memref<4x5x80xi32, #tpu.memory_space<vmem>> -> memref<1x1x80xi32, #tpu.memory_space<vmem>>
        %dma_wait3A_1148 = tpu.memref_squeeze %dma_wait3A_1147 : memref<1x1x80xi32, #tpu.memory_space<vmem>> -> memref<80xi32, #tpu.memory_space<vmem>>
        %dma_wait3A_1149 = arith.constant 0 : i32
        %dma_wait3A_1150 = arith.constant 0 : i32
        %dma_wait3A_1151 = tpu.memref_slice %arg7[%dma_wait3A_1149, %dma_wait3A_1150] : memref<10000x128xf32, #tpu.memory_space<vmem_shared>> -> memref<10000x128xf32, #tpu.memory_space<vmem_shared>>
        tpu.wait_indirect_dma semaphore(%arg18 : memref<!tpu.dma_semaphore, #tpu.memory_space<semaphore_mem>>) src(%dma_wait3A_1145 : memref<80x128xf32, #tpu.memory_space<vmem>>) dst(%dma_wait3A_1151 : memref<10000x128xf32, #tpu.memory_space<vmem_shared>>)
      } else {
      }
      %add3A_307 = arith.constant 2 : i32
      %add3A_308 = arith.addi %add3A_275, %add3A_307 : i32
      %lt3A_309 = arith.constant 500 : i32
      %lt3A_310 = arith.cmpi slt, %add3A_308, %lt3A_309 : i32
      %convert_element_type3A_311 = arith.extui %lt3A_310 : i1 to i32
      %cond3A_312 = arith.constant 0 : i32
      %cond3A_313 = arith.cmpi ne, %convert_element_type3A_311, %cond3A_312 : i32
      scf.if %cond3A_313 {
        %dma_start3A_1139 = arith.constant 0 : i32
        %dma_start3A_1140 = arith.constant 3 : i32
        %dma_start3A_1141 = arith.constant 3 : i32
        %dma_start3A_1142 = arith.constant 0 : i32
        %dma_start3A_1143 = arith.constant 0 : i32
        %dma_start3A_1144 = tpu.memref_slice %arg10[%dma_start3A_1141, %dma_start3A_1142, %dma_start3A_1143] : memref<4x80x128xf32, #tpu.memory_space<vmem>> -> memref<1x80x128xf32, #tpu.memory_space<vmem>>
        %dma_start3A_1145 = tpu.memref_squeeze %dma_start3A_1144 : memref<1x80x128xf32, #tpu.memory_space<vmem>> -> memref<80x128xf32, #tpu.memory_space<vmem>>
        %dma_start3A_1146 = arith.constant 0 : i32
        %dma_start3A_1147 = tpu.memref_slice %arg8[%dma_start3A_1139, %dma_start3A_1140, %dma_start3A_1146] : memref<4x5x80xi32, #tpu.memory_space<vmem>> -> memref<1x1x80xi32, #tpu.memory_space<vmem>>
        %dma_start3A_1148 = tpu.memref_squeeze %dma_start3A_1147 : memref<1x1x80xi32, #tpu.memory_space<vmem>> -> memref<80xi32, #tpu.memory_space<vmem>>
        %dma_start3A_1149 = arith.constant 0 : i32
        %dma_start3A_1150 = arith.constant 0 : i32
        %dma_start3A_1151 = tpu.memref_slice %arg2[%dma_start3A_1149, %dma_start3A_1150] : memref<10000x128xf32, #tpu.memory_space<hbm>> -> memref<10000x128xf32, #tpu.memory_space<hbm>>
        tpu.enqueue_indirect_dma source(%dma_start3A_1151 : memref<10000x128xf32, #tpu.memory_space<hbm>>) target(%dma_start3A_1145 : memref<80x128xf32, #tpu.memory_space<vmem>>) offsets(%dma_start3A_1148 : memref<80xi32, #tpu.memory_space<vmem>>) semaphore(%arg14 : memref<!tpu.dma_semaphore, #tpu.memory_space<semaphore_mem>>)
      } else {
      }
      %mul3A_314 = arith.constant 20 : i32
      %mul3A_315 = arith.muli %scan3A_219, %mul3A_314 : i32
      %add3A_316 = arith.constant 2 : i32
      %add3A_317 = arith.addi %mul3A_315, %add3A_316 : i32
      %dma_wait3A_318 = arith.constant 0 : i32
      %dma_wait3A_319 = arith.constant 0 : i32
      %dma_wait3A_320 = arith.constant 2 : i32
      %dma_wait3A_321 = arith.constant 0 : i32
      %dma_wait3A_322 = arith.constant 0 : i32
      %dma_wait3A_323 = tpu.memref_slice %arg10[%dma_wait3A_320, %dma_wait3A_321, %dma_wait3A_322] : memref<4x80x128xf32, #tpu.memory_space<vmem>> -> memref<1x80x128xf32, #tpu.memory_space<vmem>>
      %dma_wait3A_324 = tpu.memref_squeeze %dma_wait3A_323 : memref<1x80x128xf32, #tpu.memory_space<vmem>> -> memref<80x128xf32, #tpu.memory_space<vmem>>
      %dma_wait3A_325 = arith.constant 0 : i32
      %dma_wait3A_326 = tpu.memref_slice %arg8[%dma_wait3A_318, %dma_wait3A_319, %dma_wait3A_325] : memref<4x5x80xi32, #tpu.memory_space<vmem>> -> memref<1x1x80xi32, #tpu.memory_space<vmem>>
      %dma_wait3A_327 = tpu.memref_squeeze %dma_wait3A_326 : memref<1x1x80xi32, #tpu.memory_space<vmem>> -> memref<80xi32, #tpu.memory_space<vmem>>
      %dma_wait3A_328 = arith.constant 0 : i32
      %dma_wait3A_329 = arith.constant 0 : i32
      %dma_wait3A_330 = tpu.memref_slice %arg2[%dma_wait3A_328, %dma_wait3A_329] : memref<10000x128xf32, #tpu.memory_space<hbm>> -> memref<10000x128xf32, #tpu.memory_space<hbm>>
      tpu.wait_indirect_dma semaphore(%arg13 : memref<!tpu.dma_semaphore, #tpu.memory_space<semaphore_mem>>) src(%dma_wait3A_330 : memref<10000x128xf32, #tpu.memory_space<hbm>>) dst(%dma_wait3A_324 : memref<80x128xf32, #tpu.memory_space<vmem>>)
      %dma_start3A_331 = arith.constant 2 : i32
      %dma_start3A_332 = arith.constant 0 : i32
      %dma_start3A_333 = arith.constant 2 : i32
      %dma_start3A_334 = arith.constant 0 : i32
      %dma_start3A_335 = arith.constant 0 : i32
      %dma_start3A_336 = tpu.memref_slice %arg10[%dma_start3A_331, %dma_start3A_334, %dma_start3A_335] : memref<4x80x128xf32, #tpu.memory_space<vmem>> -> memref<1x80x128xf32, #tpu.memory_space<vmem>>
      %dma_start3A_337 = tpu.memref_squeeze %dma_start3A_336 : memref<1x80x128xf32, #tpu.memory_space<vmem>> -> memref<80x128xf32, #tpu.memory_space<vmem>>
      %dma_start3A_338 = arith.constant 0 : i32
      %dma_start3A_339 = tpu.memref_slice %arg9[%dma_start3A_332, %dma_start3A_333, %dma_start3A_338] : memref<4x5x80xi32, #tpu.memory_space<vmem>> -> memref<1x1x80xi32, #tpu.memory_space<vmem>>
      %dma_start3A_340 = tpu.memref_squeeze %dma_start3A_339 : memref<1x1x80xi32, #tpu.memory_space<vmem>> -> memref<80xi32, #tpu.memory_space<vmem>>
      %dma_start3A_341 = arith.constant 0 : i32
      %dma_start3A_342 = arith.constant 0 : i32
      %dma_start3A_343 = tpu.memref_slice %arg7[%dma_start3A_341, %dma_start3A_342] : memref<10000x128xf32, #tpu.memory_space<vmem_shared>> -> memref<10000x128xf32, #tpu.memory_space<vmem_shared>>
      tpu.enqueue_indirect_dma source(%dma_start3A_337 : memref<80x128xf32, #tpu.memory_space<vmem>>) target(%dma_start3A_343 : memref<10000x128xf32, #tpu.memory_space<vmem_shared>>) offsets(%dma_start3A_340 : memref<80xi32, #tpu.memory_space<vmem>>) semaphore(%arg17 : memref<!tpu.dma_semaphore, #tpu.memory_space<semaphore_mem>>) {add = true}
      %ge3A_344 = arith.constant 2 : i32
      %ge3A_345 = arith.cmpi sge, %add3A_317, %ge3A_344 : i32
      %convert_element_type3A_346 = arith.extui %ge3A_345 : i1 to i32
      %cond3A_347 = arith.constant 0 : i32
      %cond3A_348 = arith.cmpi ne, %convert_element_type3A_346, %cond3A_347 : i32
      scf.if %cond3A_348 {
        %dma_wait3A_1139 = arith.constant 0 : i32
        %dma_wait3A_1140 = arith.constant 0 : i32
        %dma_wait3A_1141 = arith.constant 0 : i32
        %dma_wait3A_1142 = arith.constant 0 : i32
        %dma_wait3A_1143 = arith.constant 0 : i32
        %dma_wait3A_1144 = tpu.memref_slice %arg10[%dma_wait3A_1139, %dma_wait3A_1142, %dma_wait3A_1143] : memref<4x80x128xf32, #tpu.memory_space<vmem>> -> memref<1x80x128xf32, #tpu.memory_space<vmem>>
        %dma_wait3A_1145 = tpu.memref_squeeze %dma_wait3A_1144 : memref<1x80x128xf32, #tpu.memory_space<vmem>> -> memref<80x128xf32, #tpu.memory_space<vmem>>
        %dma_wait3A_1146 = arith.constant 0 : i32
        %dma_wait3A_1147 = tpu.memref_slice %arg9[%dma_wait3A_1140, %dma_wait3A_1141, %dma_wait3A_1146] : memref<4x5x80xi32, #tpu.memory_space<vmem>> -> memref<1x1x80xi32, #tpu.memory_space<vmem>>
        %dma_wait3A_1148 = tpu.memref_squeeze %dma_wait3A_1147 : memref<1x1x80xi32, #tpu.memory_space<vmem>> -> memref<80xi32, #tpu.memory_space<vmem>>
        %dma_wait3A_1149 = arith.constant 0 : i32
        %dma_wait3A_1150 = arith.constant 0 : i32
        %dma_wait3A_1151 = tpu.memref_slice %arg7[%dma_wait3A_1149, %dma_wait3A_1150] : memref<10000x128xf32, #tpu.memory_space<vmem_shared>> -> memref<10000x128xf32, #tpu.memory_space<vmem_shared>>
        tpu.wait_indirect_dma semaphore(%arg15 : memref<!tpu.dma_semaphore, #tpu.memory_space<semaphore_mem>>) src(%dma_wait3A_1145 : memref<80x128xf32, #tpu.memory_space<vmem>>) dst(%dma_wait3A_1151 : memref<10000x128xf32, #tpu.memory_space<vmem_shared>>)
      } else {
      }
      %add3A_349 = arith.constant 2 : i32
      %add3A_350 = arith.addi %add3A_317, %add3A_349 : i32
      %lt3A_351 = arith.constant 500 : i32
      %lt3A_352 = arith.cmpi slt, %add3A_350, %lt3A_351 : i32
      %convert_element_type3A_353 = arith.extui %lt3A_352 : i1 to i32
      %cond3A_354 = arith.constant 0 : i32
      %cond3A_355 = arith.cmpi ne, %convert_element_type3A_353, %cond3A_354 : i32
      scf.if %cond3A_355 {
        %dma_start3A_1139 = arith.constant 0 : i32
        %dma_start3A_1140 = arith.constant 4 : i32
        %dma_start3A_1141 = arith.constant 0 : i32
        %dma_start3A_1142 = arith.constant 0 : i32
        %dma_start3A_1143 = arith.constant 0 : i32
        %dma_start3A_1144 = tpu.memref_slice %arg10[%dma_start3A_1141, %dma_start3A_1142, %dma_start3A_1143] : memref<4x80x128xf32, #tpu.memory_space<vmem>> -> memref<1x80x128xf32, #tpu.memory_space<vmem>>
        %dma_start3A_1145 = tpu.memref_squeeze %dma_start3A_1144 : memref<1x80x128xf32, #tpu.memory_space<vmem>> -> memref<80x128xf32, #tpu.memory_space<vmem>>
        %dma_start3A_1146 = arith.constant 0 : i32
        %dma_start3A_1147 = tpu.memref_slice %arg8[%dma_start3A_1139, %dma_start3A_1140, %dma_start3A_1146] : memref<4x5x80xi32, #tpu.memory_space<vmem>> -> memref<1x1x80xi32, #tpu.memory_space<vmem>>
        %dma_start3A_1148 = tpu.memref_squeeze %dma_start3A_1147 : memref<1x1x80xi32, #tpu.memory_space<vmem>> -> memref<80xi32, #tpu.memory_space<vmem>>
        %dma_start3A_1149 = arith.constant 0 : i32
        %dma_start3A_1150 = arith.constant 0 : i32
        %dma_start3A_1151 = tpu.memref_slice %arg2[%dma_start3A_1149, %dma_start3A_1150] : memref<10000x128xf32, #tpu.memory_space<hbm>> -> memref<10000x128xf32, #tpu.memory_space<hbm>>
        tpu.enqueue_indirect_dma source(%dma_start3A_1151 : memref<10000x128xf32, #tpu.memory_space<hbm>>) target(%dma_start3A_1145 : memref<80x128xf32, #tpu.memory_space<vmem>>) offsets(%dma_start3A_1148 : memref<80xi32, #tpu.memory_space<vmem>>) semaphore(%arg11 : memref<!tpu.dma_semaphore, #tpu.memory_space<semaphore_mem>>)
      } else {
      }
      %mul3A_356 = arith.constant 20 : i32
      %mul3A_357 = arith.muli %scan3A_219, %mul3A_356 : i32
      %add3A_358 = arith.constant 3 : i32
      %add3A_359 = arith.addi %mul3A_357, %add3A_358 : i32
      %dma_wait3A_360 = arith.constant 0 : i32
      %dma_wait3A_361 = arith.constant 0 : i32
      %dma_wait3A_362 = arith.constant 3 : i32
      %dma_wait3A_363 = arith.constant 0 : i32
      %dma_wait3A_364 = arith.constant 0 : i32
      %dma_wait3A_365 = tpu.memref_slice %arg10[%dma_wait3A_362, %dma_wait3A_363, %dma_wait3A_364] : memref<4x80x128xf32, #tpu.memory_space<vmem>> -> memref<1x80x128xf32, #tpu.memory_space<vmem>>
      %dma_wait3A_366 = tpu.memref_squeeze %dma_wait3A_365 : memref<1x80x128xf32, #tpu.memory_space<vmem>> -> memref<80x128xf32, #tpu.memory_space<vmem>>
      %dma_wait3A_367 = arith.constant 0 : i32
      %dma_wait3A_368 = tpu.memref_slice %arg8[%dma_wait3A_360, %dma_wait3A_361, %dma_wait3A_367] : memref<4x5x80xi32, #tpu.memory_space<vmem>> -> memref<1x1x80xi32, #tpu.memory_space<vmem>>
      %dma_wait3A_369 = tpu.memref_squeeze %dma_wait3A_368 : memref<1x1x80xi32, #tpu.memory_space<vmem>> -> memref<80xi32, #tpu.memory_space<vmem>>
      %dma_wait3A_370 = arith.constant 0 : i32
      %dma_wait3A_371 = arith.constant 0 : i32
      %dma_wait3A_372 = tpu.memref_slice %arg2[%dma_wait3A_370, %dma_wait3A_371] : memref<10000x128xf32, #tpu.memory_space<hbm>> -> memref<10000x128xf32, #tpu.memory_space<hbm>>
      tpu.wait_indirect_dma semaphore(%arg14 : memref<!tpu.dma_semaphore, #tpu.memory_space<semaphore_mem>>) src(%dma_wait3A_372 : memref<10000x128xf32, #tpu.memory_space<hbm>>) dst(%dma_wait3A_366 : memref<80x128xf32, #tpu.memory_space<vmem>>)
      %dma_start3A_373 = arith.constant 3 : i32
      %dma_start3A_374 = arith.constant 0 : i32
      %dma_start3A_375 = arith.constant 3 : i32
      %dma_start3A_376 = arith.constant 0 : i32
      %dma_start3A_377 = arith.constant 0 : i32
      %dma_start3A_378 = tpu.memref_slice %arg10[%dma_start3A_373, %dma_start3A_376, %dma_start3A_377] : memref<4x80x128xf32, #tpu.memory_space<vmem>> -> memref<1x80x128xf32, #tpu.memory_space<vmem>>
      %dma_start3A_379 = tpu.memref_squeeze %dma_start3A_378 : memref<1x80x128xf32, #tpu.memory_space<vmem>> -> memref<80x128xf32, #tpu.memory_space<vmem>>
      %dma_start3A_380 = arith.constant 0 : i32
      %dma_start3A_381 = tpu.memref_slice %arg9[%dma_start3A_374, %dma_start3A_375, %dma_start3A_380] : memref<4x5x80xi32, #tpu.memory_space<vmem>> -> memref<1x1x80xi32, #tpu.memory_space<vmem>>
      %dma_start3A_382 = tpu.memref_squeeze %dma_start3A_381 : memref<1x1x80xi32, #tpu.memory_space<vmem>> -> memref<80xi32, #tpu.memory_space<vmem>>
      %dma_start3A_383 = arith.constant 0 : i32
      %dma_start3A_384 = arith.constant 0 : i32
      %dma_start3A_385 = tpu.memref_slice %arg7[%dma_start3A_383, %dma_start3A_384] : memref<10000x128xf32, #tpu.memory_space<vmem_shared>> -> memref<10000x128xf32, #tpu.memory_space<vmem_shared>>
      tpu.enqueue_indirect_dma source(%dma_start3A_379 : memref<80x128xf32, #tpu.memory_space<vmem>>) target(%dma_start3A_385 : memref<10000x128xf32, #tpu.memory_space<vmem_shared>>) offsets(%dma_start3A_382 : memref<80xi32, #tpu.memory_space<vmem>>) semaphore(%arg18 : memref<!tpu.dma_semaphore, #tpu.memory_space<semaphore_mem>>) {add = true}
      %ge3A_386 = arith.constant 2 : i32
      %ge3A_387 = arith.cmpi sge, %add3A_359, %ge3A_386 : i32
      %convert_element_type3A_388 = arith.extui %ge3A_387 : i1 to i32
      %cond3A_389 = arith.constant 0 : i32
      %cond3A_390 = arith.cmpi ne, %convert_element_type3A_388, %cond3A_389 : i32
      scf.if %cond3A_390 {
        %dma_wait3A_1139 = arith.constant 1 : i32
        %dma_wait3A_1140 = arith.constant 0 : i32
        %dma_wait3A_1141 = arith.constant 0 : i32
        %dma_wait3A_1142 = arith.constant 0 : i32
        %dma_wait3A_1143 = arith.constant 0 : i32
        %dma_wait3A_1144 = tpu.memref_slice %arg10[%dma_wait3A_1139, %dma_wait3A_1142, %dma_wait3A_1143] : memref<4x80x128xf32, #tpu.memory_space<vmem>> -> memref<1x80x128xf32, #tpu.memory_space<vmem>>
        %dma_wait3A_1145 = tpu.memref_squeeze %dma_wait3A_1144 : memref<1x80x128xf32, #tpu.memory_space<vmem>> -> memref<80x128xf32, #tpu.memory_space<vmem>>
        %dma_wait3A_1146 = arith.constant 0 : i32
        %dma_wait3A_1147 = tpu.memref_slice %arg9[%dma_wait3A_1140, %dma_wait3A_1141, %dma_wait3A_1146] : memref<4x5x80xi32, #tpu.memory_space<vmem>> -> memref<1x1x80xi32, #tpu.memory_space<vmem>>
        %dma_wait3A_1148 = tpu.memref_squeeze %dma_wait3A_1147 : memref<1x1x80xi32, #tpu.memory_space<vmem>> -> memref<80xi32, #tpu.memory_space<vmem>>
        %dma_wait3A_1149 = arith.constant 0 : i32
        %dma_wait3A_1150 = arith.constant 0 : i32
        %dma_wait3A_1151 = tpu.memref_slice %arg7[%dma_wait3A_1149, %dma_wait3A_1150] : memref<10000x128xf32, #tpu.memory_space<vmem_shared>> -> memref<10000x128xf32, #tpu.memory_space<vmem_shared>>
        tpu.wait_indirect_dma semaphore(%arg16 : memref<!tpu.dma_semaphore, #tpu.memory_space<semaphore_mem>>) src(%dma_wait3A_1145 : memref<80x128xf32, #tpu.memory_space<vmem>>) dst(%dma_wait3A_1151 : memref<10000x128xf32, #tpu.memory_space<vmem_shared>>)
      } else {
      }
      %mul3A_391 = arith.constant 4 : i32
      %mul3A_392 = arith.muli %mul3A_391, %scan3A_219 : i32
      %add3A_393 = arith.constant 1 : i32
      %add3A_394 = arith.addi %mul3A_392, %add3A_393 : i32
      %lt3A_395 = arith.constant 100 : i32
      %lt3A_396 = arith.cmpi slt, %add3A_394, %lt3A_395 : i32
      %convert_element_type3A_397 = arith.extui %lt3A_396 : i1 to i32
      %cond3A_398 = arith.constant 0 : i32
      %cond3A_399 = arith.cmpi ne, %convert_element_type3A_397, %cond3A_398 : i32
      scf.if %cond3A_399 {
        %dma_wait3A_1139 = arith.constant 0 : i32
        %dma_wait3A_1140 = arith.constant 0 : i32
        %dma_wait3A_1141 = arith.constant 0 : i32
        %dma_wait3A_1142 = arith.constant 0 : i32
        %dma_wait3A_1143 = arith.constant 0 : i32
        %dma_wait3A_1144 = tpu.memref_slice %arg8[%dma_wait3A_1141, %dma_wait3A_1142, %dma_wait3A_1143] : memref<4x5x80xi32, #tpu.memory_space<vmem>> -> memref<1x5x80xi32, #tpu.memory_space<vmem>>
        %dma_wait3A_1145 = tpu.memref_squeeze %dma_wait3A_1144 : memref<1x5x80xi32, #tpu.memory_space<vmem>> -> memref<5x80xi32, #tpu.memory_space<vmem>>
        %dma_wait3A_1146 = arith.constant 0 : i32
        %dma_wait3A_1147 = arith.constant 0 : i32
        %dma_wait3A_1148 = tpu.memref_slice %arg3[%dma_wait3A_1139, %dma_wait3A_1140, %dma_wait3A_1146, %dma_wait3A_1147] : memref<32x100x5x80xi32, #tpu.memory_space<hbm>> -> memref<1x1x5x80xi32, #tpu.memory_space<hbm>>
        %dma_wait3A_1149 = tpu.memref_squeeze %dma_wait3A_1148 : memref<1x1x5x80xi32, #tpu.memory_space<hbm>> -> memref<5x80xi32, #tpu.memory_space<hbm>>
        %dma_wait3A_1150 = arith.constant 0 : i32
        %dma_wait3A_1151 = arith.constant 0 : i32
        %dma_wait3A_1152 = tpu.memref_slice %arg8[%dma_wait3A_1141, %dma_wait3A_1150, %dma_wait3A_1151] : memref<4x5x80xi32, #tpu.memory_space<vmem>> -> memref<1x5x80xi32, #tpu.memory_space<vmem>>
        %dma_wait3A_1153 = tpu.memref_squeeze %dma_wait3A_1152 : memref<1x5x80xi32, #tpu.memory_space<vmem>> -> memref<5x80xi32, #tpu.memory_space<vmem>>
        %dma_wait3A_1154 = arith.constant 0 : i32
        %dma_wait3A_1155 = arith.constant 0 : i32
        %dma_wait3A_1156 = tpu.memref_slice %arg3[%dma_wait3A_1139, %dma_wait3A_1140, %dma_wait3A_1154, %dma_wait3A_1155] : memref<32x100x5x80xi32, #tpu.memory_space<hbm>> -> memref<1x1x5x80xi32, #tpu.memory_space<hbm>>
        %dma_wait3A_1157 = tpu.memref_squeeze %dma_wait3A_1156 : memref<1x1x5x80xi32, #tpu.memory_space<hbm>> -> memref<5x80xi32, #tpu.memory_space<hbm>>
        tpu.wait_dma2 semaphore(%arg20 : memref<!tpu.dma_semaphore, #tpu.memory_space<semaphore_mem>>) src(%dma_wait3A_1157 : memref<5x80xi32, #tpu.memory_space<hbm>>) dst(%dma_wait3A_1153 : memref<5x80xi32, #tpu.memory_space<vmem>>)
        %dma_wait3A_1158 = arith.constant 0 : i32
        %dma_wait3A_1159 = arith.constant 0 : i32
        %dma_wait3A_1160 = arith.constant 0 : i32
        %dma_wait3A_1161 = arith.constant 0 : i32
        %dma_wait3A_1162 = arith.constant 0 : i32
        %dma_wait3A_1163 = tpu.memref_slice %arg9[%dma_wait3A_1160, %dma_wait3A_1161, %dma_wait3A_1162] : memref<4x5x80xi32, #tpu.memory_space<vmem>> -> memref<1x5x80xi32, #tpu.memory_space<vmem>>
        %dma_wait3A_1164 = tpu.memref_squeeze %dma_wait3A_1163 : memref<1x5x80xi32, #tpu.memory_space<vmem>> -> memref<5x80xi32, #tpu.memory_space<vmem>>
        %dma_wait3A_1165 = arith.constant 0 : i32
        %dma_wait3A_1166 = arith.constant 0 : i32
        %dma_wait3A_1167 = tpu.memref_slice %arg4[%dma_wait3A_1158, %dma_wait3A_1159, %dma_wait3A_1165, %dma_wait3A_1166] : memref<32x100x5x80xi32, #tpu.memory_space<hbm>> -> memref<1x1x5x80xi32, #tpu.memory_space<hbm>>
        %dma_wait3A_1168 = tpu.memref_squeeze %dma_wait3A_1167 : memref<1x1x5x80xi32, #tpu.memory_space<hbm>> -> memref<5x80xi32, #tpu.memory_space<hbm>>
        %dma_wait3A_1169 = arith.constant 0 : i32
        %dma_wait3A_1170 = arith.constant 0 : i32
        %dma_wait3A_1171 = tpu.memref_slice %arg9[%dma_wait3A_1160, %dma_wait3A_1169, %dma_wait3A_1170] : memref<4x5x80xi32, #tpu.memory_space<vmem>> -> memref<1x5x80xi32, #tpu.memory_space<vmem>>
        %dma_wait3A_1172 = tpu.memref_squeeze %dma_wait3A_1171 : memref<1x5x80xi32, #tpu.memory_space<vmem>> -> memref<5x80xi32, #tpu.memory_space<vmem>>
        %dma_wait3A_1173 = arith.constant 0 : i32
        %dma_wait3A_1174 = arith.constant 0 : i32
        %dma_wait3A_1175 = tpu.memref_slice %arg4[%dma_wait3A_1158, %dma_wait3A_1159, %dma_wait3A_1173, %dma_wait3A_1174] : memref<32x100x5x80xi32, #tpu.memory_space<hbm>> -> memref<1x1x5x80xi32, #tpu.memory_space<hbm>>
        %dma_wait3A_1176 = tpu.memref_squeeze %dma_wait3A_1175 : memref<1x1x5x80xi32, #tpu.memory_space<hbm>> -> memref<5x80xi32, #tpu.memory_space<hbm>>
        tpu.wait_dma2 semaphore(%arg20 : memref<!tpu.dma_semaphore, #tpu.memory_space<semaphore_mem>>) src(%dma_wait3A_1176 : memref<5x80xi32, #tpu.memory_space<hbm>>) dst(%dma_wait3A_1172 : memref<5x80xi32, #tpu.memory_space<vmem>>)
      } else {
      }
      %add3A_400 = arith.constant 2 : i32
      %add3A_401 = arith.addi %add3A_359, %add3A_400 : i32
      %lt3A_402 = arith.constant 500 : i32
      %lt3A_403 = arith.cmpi slt, %add3A_401, %lt3A_402 : i32
      %convert_element_type3A_404 = arith.extui %lt3A_403 : i1 to i32
      %cond3A_405 = arith.constant 0 : i32
      %cond3A_406 = arith.cmpi ne, %convert_element_type3A_404, %cond3A_405 : i32
      scf.if %cond3A_406 {
        %dma_start3A_1139 = arith.constant 1 : i32
        %dma_start3A_1140 = arith.constant 0 : i32
        %dma_start3A_1141 = arith.constant 1 : i32
        %dma_start3A_1142 = arith.constant 0 : i32
        %dma_start3A_1143 = arith.constant 0 : i32
        %dma_start3A_1144 = tpu.memref_slice %arg10[%dma_start3A_1141, %dma_start3A_1142, %dma_start3A_1143] : memref<4x80x128xf32, #tpu.memory_space<vmem>> -> memref<1x80x128xf32, #tpu.memory_space<vmem>>
        %dma_start3A_1145 = tpu.memref_squeeze %dma_start3A_1144 : memref<1x80x128xf32, #tpu.memory_space<vmem>> -> memref<80x128xf32, #tpu.memory_space<vmem>>
        %dma_start3A_1146 = arith.constant 0 : i32
        %dma_start3A_1147 = tpu.memref_slice %arg8[%dma_start3A_1139, %dma_start3A_1140, %dma_start3A_1146] : memref<4x5x80xi32, #tpu.memory_space<vmem>> -> memref<1x1x80xi32, #tpu.memory_space<vmem>>
        %dma_start3A_1148 = tpu.memref_squeeze %dma_start3A_1147 : memref<1x1x80xi32, #tpu.memory_space<vmem>> -> memref<80xi32, #tpu.memory_space<vmem>>
        %dma_start3A_1149 = arith.constant 0 : i32
        %dma_start3A_1150 = arith.constant 0 : i32
        %dma_start3A_1151 = tpu.memref_slice %arg2[%dma_start3A_1149, %dma_start3A_1150] : memref<10000x128xf32, #tpu.memory_space<hbm>> -> memref<10000x128xf32, #tpu.memory_space<hbm>>
        tpu.enqueue_indirect_dma source(%dma_start3A_1151 : memref<10000x128xf32, #tpu.memory_space<hbm>>) target(%dma_start3A_1145 : memref<80x128xf32, #tpu.memory_space<vmem>>) offsets(%dma_start3A_1148 : memref<80xi32, #tpu.memory_space<vmem>>) semaphore(%arg12 : memref<!tpu.dma_semaphore, #tpu.memory_space<semaphore_mem>>)
      } else {
      }
      %mul3A_407 = arith.constant 20 : i32
      %mul3A_408 = arith.muli %scan3A_219, %mul3A_407 : i32
      %add3A_409 = arith.constant 4 : i32
      %add3A_410 = arith.addi %mul3A_408, %add3A_409 : i32
      %dma_wait3A_411 = arith.constant 0 : i32
      %dma_wait3A_412 = arith.constant 0 : i32
      %dma_wait3A_413 = arith.constant 0 : i32
      %dma_wait3A_414 = arith.constant 0 : i32
      %dma_wait3A_415 = arith.constant 0 : i32
      %dma_wait3A_416 = tpu.memref_slice %arg10[%dma_wait3A_413, %dma_wait3A_414, %dma_wait3A_415] : memref<4x80x128xf32, #tpu.memory_space<vmem>> -> memref<1x80x128xf32, #tpu.memory_space<vmem>>
      %dma_wait3A_417 = tpu.memref_squeeze %dma_wait3A_416 : memref<1x80x128xf32, #tpu.memory_space<vmem>> -> memref<80x128xf32, #tpu.memory_space<vmem>>
      %dma_wait3A_418 = arith.constant 0 : i32
      %dma_wait3A_419 = tpu.memref_slice %arg8[%dma_wait3A_411, %dma_wait3A_412, %dma_wait3A_418] : memref<4x5x80xi32, #tpu.memory_space<vmem>> -> memref<1x1x80xi32, #tpu.memory_space<vmem>>
      %dma_wait3A_420 = tpu.memref_squeeze %dma_wait3A_419 : memref<1x1x80xi32, #tpu.memory_space<vmem>> -> memref<80xi32, #tpu.memory_space<vmem>>
      %dma_wait3A_421 = arith.constant 0 : i32
      %dma_wait3A_422 = arith.constant 0 : i32
      %dma_wait3A_423 = tpu.memref_slice %arg2[%dma_wait3A_421, %dma_wait3A_422] : memref<10000x128xf32, #tpu.memory_space<hbm>> -> memref<10000x128xf32, #tpu.memory_space<hbm>>
      tpu.wait_indirect_dma semaphore(%arg11 : memref<!tpu.dma_semaphore, #tpu.memory_space<semaphore_mem>>) src(%dma_wait3A_423 : memref<10000x128xf32, #tpu.memory_space<hbm>>) dst(%dma_wait3A_417 : memref<80x128xf32, #tpu.memory_space<vmem>>)
      %dma_start3A_424 = arith.constant 0 : i32
      %dma_start3A_425 = arith.constant 0 : i32
      %dma_start3A_426 = arith.constant 4 : i32
      %dma_start3A_427 = arith.constant 0 : i32
      %dma_start3A_428 = arith.constant 0 : i32
      %dma_start3A_429 = tpu.memref_slice %arg10[%dma_start3A_424, %dma_start3A_427, %dma_start3A_428] : memref<4x80x128xf32, #tpu.memory_space<vmem>> -> memref<1x80x128xf32, #tpu.memory_space<vmem>>
      %dma_start3A_430 = tpu.memref_squeeze %dma_start3A_429 : memref<1x80x128xf32, #tpu.memory_space<vmem>> -> memref<80x128xf32, #tpu.memory_space<vmem>>
      %dma_start3A_431 = arith.constant 0 : i32
      %dma_start3A_432 = tpu.memref_slice %arg9[%dma_start3A_425, %dma_start3A_426, %dma_start3A_431] : memref<4x5x80xi32, #tpu.memory_space<vmem>> -> memref<1x1x80xi32, #tpu.memory_space<vmem>>
      %dma_start3A_433 = tpu.memref_squeeze %dma_start3A_432 : memref<1x1x80xi32, #tpu.memory_space<vmem>> -> memref<80xi32, #tpu.memory_space<vmem>>
      %dma_start3A_434 = arith.constant 0 : i32
      %dma_start3A_435 = arith.constant 0 : i32
      %dma_start3A_436 = tpu.memref_slice %arg7[%dma_start3A_434, %dma_start3A_435] : memref<10000x128xf32, #tpu.memory_space<vmem_shared>> -> memref<10000x128xf32, #tpu.memory_space<vmem_shared>>
      tpu.enqueue_indirect_dma source(%dma_start3A_430 : memref<80x128xf32, #tpu.memory_space<vmem>>) target(%dma_start3A_436 : memref<10000x128xf32, #tpu.memory_space<vmem_shared>>) offsets(%dma_start3A_433 : memref<80xi32, #tpu.memory_space<vmem>>) semaphore(%arg15 : memref<!tpu.dma_semaphore, #tpu.memory_space<semaphore_mem>>) {add = true}
      %ge3A_437 = arith.constant 2 : i32
      %ge3A_438 = arith.cmpi sge, %add3A_410, %ge3A_437 : i32
      %convert_element_type3A_439 = arith.extui %ge3A_438 : i1 to i32
      %cond3A_440 = arith.constant 0 : i32
      %cond3A_441 = arith.cmpi ne, %convert_element_type3A_439, %cond3A_440 : i32
      scf.if %cond3A_441 {
        %dma_wait3A_1139 = arith.constant 2 : i32
        %dma_wait3A_1140 = arith.constant 0 : i32
        %dma_wait3A_1141 = arith.constant 0 : i32
        %dma_wait3A_1142 = arith.constant 0 : i32
        %dma_wait3A_1143 = arith.constant 0 : i32
        %dma_wait3A_1144 = tpu.memref_slice %arg10[%dma_wait3A_1139, %dma_wait3A_1142, %dma_wait3A_1143] : memref<4x80x128xf32, #tpu.memory_space<vmem>> -> memref<1x80x128xf32, #tpu.memory_space<vmem>>
        %dma_wait3A_1145 = tpu.memref_squeeze %dma_wait3A_1144 : memref<1x80x128xf32, #tpu.memory_space<vmem>> -> memref<80x128xf32, #tpu.memory_space<vmem>>
        %dma_wait3A_1146 = arith.constant 0 : i32
        %dma_wait3A_1147 = tpu.memref_slice %arg9[%dma_wait3A_1140, %dma_wait3A_1141, %dma_wait3A_1146] : memref<4x5x80xi32, #tpu.memory_space<vmem>> -> memref<1x1x80xi32, #tpu.memory_space<vmem>>
        %dma_wait3A_1148 = tpu.memref_squeeze %dma_wait3A_1147 : memref<1x1x80xi32, #tpu.memory_space<vmem>> -> memref<80xi32, #tpu.memory_space<vmem>>
        %dma_wait3A_1149 = arith.constant 0 : i32
        %dma_wait3A_1150 = arith.constant 0 : i32
        %dma_wait3A_1151 = tpu.memref_slice %arg7[%dma_wait3A_1149, %dma_wait3A_1150] : memref<10000x128xf32, #tpu.memory_space<vmem_shared>> -> memref<10000x128xf32, #tpu.memory_space<vmem_shared>>
        tpu.wait_indirect_dma semaphore(%arg17 : memref<!tpu.dma_semaphore, #tpu.memory_space<semaphore_mem>>) src(%dma_wait3A_1145 : memref<80x128xf32, #tpu.memory_space<vmem>>) dst(%dma_wait3A_1151 : memref<10000x128xf32, #tpu.memory_space<vmem_shared>>)
      } else {
      }
      %add3A_442 = arith.constant 2 : i32
      %add3A_443 = arith.addi %add3A_410, %add3A_442 : i32
      %lt3A_444 = arith.constant 500 : i32
      %lt3A_445 = arith.cmpi slt, %add3A_443, %lt3A_444 : i32
      %convert_element_type3A_446 = arith.extui %lt3A_445 : i1 to i32
      %cond3A_447 = arith.constant 0 : i32
      %cond3A_448 = arith.cmpi ne, %convert_element_type3A_446, %cond3A_447 : i32
      scf.if %cond3A_448 {
        %dma_start3A_1139 = arith.constant 1 : i32
        %dma_start3A_1140 = arith.constant 1 : i32
        %dma_start3A_1141 = arith.constant 2 : i32
        %dma_start3A_1142 = arith.constant 0 : i32
        %dma_start3A_1143 = arith.constant 0 : i32
        %dma_start3A_1144 = tpu.memref_slice %arg10[%dma_start3A_1141, %dma_start3A_1142, %dma_start3A_1143] : memref<4x80x128xf32, #tpu.memory_space<vmem>> -> memref<1x80x128xf32, #tpu.memory_space<vmem>>
        %dma_start3A_1145 = tpu.memref_squeeze %dma_start3A_1144 : memref<1x80x128xf32, #tpu.memory_space<vmem>> -> memref<80x128xf32, #tpu.memory_space<vmem>>
        %dma_start3A_1146 = arith.constant 0 : i32
        %dma_start3A_1147 = tpu.memref_slice %arg8[%dma_start3A_1139, %dma_start3A_1140, %dma_start3A_1146] : memref<4x5x80xi32, #tpu.memory_space<vmem>> -> memref<1x1x80xi32, #tpu.memory_space<vmem>>
        %dma_start3A_1148 = tpu.memref_squeeze %dma_start3A_1147 : memref<1x1x80xi32, #tpu.memory_space<vmem>> -> memref<80xi32, #tpu.memory_space<vmem>>
        %dma_start3A_1149 = arith.constant 0 : i32
        %dma_start3A_1150 = arith.constant 0 : i32
        %dma_start3A_1151 = tpu.memref_slice %arg2[%dma_start3A_1149, %dma_start3A_1150] : memref<10000x128xf32, #tpu.memory_space<hbm>> -> memref<10000x128xf32, #tpu.memory_space<hbm>>
        tpu.enqueue_indirect_dma source(%dma_start3A_1151 : memref<10000x128xf32, #tpu.memory_space<hbm>>) target(%dma_start3A_1145 : memref<80x128xf32, #tpu.memory_space<vmem>>) offsets(%dma_start3A_1148 : memref<80xi32, #tpu.memory_space<vmem>>) semaphore(%arg13 : memref<!tpu.dma_semaphore, #tpu.memory_space<semaphore_mem>>)
      } else {
      }
      %mul3A_449 = arith.constant 20 : i32
      %mul3A_450 = arith.muli %scan3A_219, %mul3A_449 : i32
      %add3A_451 = arith.constant 5 : i32
      %add3A_452 = arith.addi %mul3A_450, %add3A_451 : i32
      %mul3A_453 = arith.constant 4 : i32
      %mul3A_454 = arith.muli %mul3A_453, %scan3A_219 : i32
      %add3A_455 = arith.constant 3 : i32
      %add3A_456 = arith.addi %mul3A_454, %add3A_455 : i32
      %add3A_457 = arith.constant 1 : i32
      %add3A_458 = arith.addi %add3A_456, %add3A_457 : i32
      %lt3A_459 = arith.constant 100 : i32
      %lt3A_460 = arith.cmpi slt, %add3A_458, %lt3A_459 : i32
      %convert_element_type3A_461 = arith.extui %lt3A_460 : i1 to i32
      %cond3A_462 = arith.constant 0 : i32
      %cond3A_463 = arith.cmpi ne, %convert_element_type3A_461, %cond3A_462 : i32
      scf.if %cond3A_463 {
        %dma_start3A_1139 = arith.constant 0 : i32
        %dma_start3A_1140 = arith.constant 0 : i32
        %dma_start3A_1141 = arith.constant 0 : i32
        %dma_start3A_1142 = tpu.memref_slice %arg8[%dma_start3A_1139, %dma_start3A_1140, %dma_start3A_1141] : memref<4x5x80xi32, #tpu.memory_space<vmem>> -> memref<1x5x80xi32, #tpu.memory_space<vmem>>
        %dma_start3A_1143 = tpu.memref_squeeze %dma_start3A_1142 : memref<1x5x80xi32, #tpu.memory_space<vmem>> -> memref<5x80xi32, #tpu.memory_space<vmem>>
        %dma_start3A_1144 = arith.constant 0 : i32
        %dma_start3A_1145 = arith.constant 0 : i32
        %dma_start3A_1146 = tpu.memref_slice %arg3[%add3A, %add3A_458, %dma_start3A_1144, %dma_start3A_1145] : memref<32x100x5x80xi32, #tpu.memory_space<hbm>> -> memref<1x1x5x80xi32, #tpu.memory_space<hbm>>
        %dma_start3A_1147 = tpu.memref_squeeze %dma_start3A_1146 : memref<1x1x5x80xi32, #tpu.memory_space<hbm>> -> memref<5x80xi32, #tpu.memory_space<hbm>>
        %dma_start3A_1148 = arith.constant 0 : i32
        %dma_start3A_1149 = arith.constant 0 : i32
        %dma_start3A_1150 = tpu.memref_slice %arg8[%dma_start3A_1139, %dma_start3A_1148, %dma_start3A_1149] : memref<4x5x80xi32, #tpu.memory_space<vmem>> -> memref<1x5x80xi32, #tpu.memory_space<vmem>>
        %dma_start3A_1151 = tpu.memref_squeeze %dma_start3A_1150 : memref<1x5x80xi32, #tpu.memory_space<vmem>> -> memref<5x80xi32, #tpu.memory_space<vmem>>
        %dma_start3A_1152 = arith.constant 0 : i32
        %dma_start3A_1153 = arith.constant 0 : i32
        %dma_start3A_1154 = tpu.memref_slice %arg3[%add3A, %add3A_458, %dma_start3A_1152, %dma_start3A_1153] : memref<32x100x5x80xi32, #tpu.memory_space<hbm>> -> memref<1x1x5x80xi32, #tpu.memory_space<hbm>>
        %dma_start3A_1155 = tpu.memref_squeeze %dma_start3A_1154 : memref<1x1x5x80xi32, #tpu.memory_space<hbm>> -> memref<5x80xi32, #tpu.memory_space<hbm>>
        tpu.enqueue_dma source(%dma_start3A_1155 : memref<5x80xi32, #tpu.memory_space<hbm>>) target(%dma_start3A_1151 : memref<5x80xi32, #tpu.memory_space<vmem>>) target_semaphore(%arg19 : memref<!tpu.dma_semaphore, #tpu.memory_space<semaphore_mem>>)
        %dma_start3A_1156 = arith.constant 0 : i32
        %dma_start3A_1157 = arith.constant 0 : i32
        %dma_start3A_1158 = arith.constant 0 : i32
        %dma_start3A_1159 = tpu.memref_slice %arg9[%dma_start3A_1156, %dma_start3A_1157, %dma_start3A_1158] : memref<4x5x80xi32, #tpu.memory_space<vmem>> -> memref<1x5x80xi32, #tpu.memory_space<vmem>>
        %dma_start3A_1160 = tpu.memref_squeeze %dma_start3A_1159 : memref<1x5x80xi32, #tpu.memory_space<vmem>> -> memref<5x80xi32, #tpu.memory_space<vmem>>
        %dma_start3A_1161 = arith.constant 0 : i32
        %dma_start3A_1162 = arith.constant 0 : i32
        %dma_start3A_1163 = tpu.memref_slice %arg4[%add3A, %add3A_458, %dma_start3A_1161, %dma_start3A_1162] : memref<32x100x5x80xi32, #tpu.memory_space<hbm>> -> memref<1x1x5x80xi32, #tpu.memory_space<hbm>>
        %dma_start3A_1164 = tpu.memref_squeeze %dma_start3A_1163 : memref<1x1x5x80xi32, #tpu.memory_space<hbm>> -> memref<5x80xi32, #tpu.memory_space<hbm>>
        %dma_start3A_1165 = arith.constant 0 : i32
        %dma_start3A_1166 = arith.constant 0 : i32
        %dma_start3A_1167 = tpu.memref_slice %arg9[%dma_start3A_1156, %dma_start3A_1165, %dma_start3A_1166] : memref<4x5x80xi32, #tpu.memory_space<vmem>> -> memref<1x5x80xi32, #tpu.memory_space<vmem>>
        %dma_start3A_1168 = tpu.memref_squeeze %dma_start3A_1167 : memref<1x5x80xi32, #tpu.memory_space<vmem>> -> memref<5x80xi32, #tpu.memory_space<vmem>>
        %dma_start3A_1169 = arith.constant 0 : i32
        %dma_start3A_1170 = arith.constant 0 : i32
        %dma_start3A_1171 = tpu.memref_slice %arg4[%add3A, %add3A_458, %dma_start3A_1169, %dma_start3A_1170] : memref<32x100x5x80xi32, #tpu.memory_space<hbm>> -> memref<1x1x5x80xi32, #tpu.memory_space<hbm>>
        %dma_start3A_1172 = tpu.memref_squeeze %dma_start3A_1171 : memref<1x1x5x80xi32, #tpu.memory_space<hbm>> -> memref<5x80xi32, #tpu.memory_space<hbm>>
        tpu.enqueue_dma source(%dma_start3A_1172 : memref<5x80xi32, #tpu.memory_space<hbm>>) target(%dma_start3A_1168 : memref<5x80xi32, #tpu.memory_space<vmem>>) target_semaphore(%arg19 : memref<!tpu.dma_semaphore, #tpu.memory_space<semaphore_mem>>)
      } else {
      }
      %dma_wait3A_464 = arith.constant 0 : i32
      %dma_wait3A_465 = arith.constant 0 : i32
      %dma_wait3A_466 = arith.constant 1 : i32
      %dma_wait3A_467 = arith.constant 0 : i32
      %dma_wait3A_468 = arith.constant 0 : i32
      %dma_wait3A_469 = tpu.memref_slice %arg10[%dma_wait3A_466, %dma_wait3A_467, %dma_wait3A_468] : memref<4x80x128xf32, #tpu.memory_space<vmem>> -> memref<1x80x128xf32, #tpu.memory_space<vmem>>
      %dma_wait3A_470 = tpu.memref_squeeze %dma_wait3A_469 : memref<1x80x128xf32, #tpu.memory_space<vmem>> -> memref<80x128xf32, #tpu.memory_space<vmem>>
      %dma_wait3A_471 = arith.constant 0 : i32
      %dma_wait3A_472 = tpu.memref_slice %arg8[%dma_wait3A_464, %dma_wait3A_465, %dma_wait3A_471] : memref<4x5x80xi32, #tpu.memory_space<vmem>> -> memref<1x1x80xi32, #tpu.memory_space<vmem>>
      %dma_wait3A_473 = tpu.memref_squeeze %dma_wait3A_472 : memref<1x1x80xi32, #tpu.memory_space<vmem>> -> memref<80xi32, #tpu.memory_space<vmem>>
      %dma_wait3A_474 = arith.constant 0 : i32
      %dma_wait3A_475 = arith.constant 0 : i32
      %dma_wait3A_476 = tpu.memref_slice %arg2[%dma_wait3A_474, %dma_wait3A_475] : memref<10000x128xf32, #tpu.memory_space<hbm>> -> memref<10000x128xf32, #tpu.memory_space<hbm>>
      tpu.wait_indirect_dma semaphore(%arg12 : memref<!tpu.dma_semaphore, #tpu.memory_space<semaphore_mem>>) src(%dma_wait3A_476 : memref<10000x128xf32, #tpu.memory_space<hbm>>) dst(%dma_wait3A_470 : memref<80x128xf32, #tpu.memory_space<vmem>>)
      %dma_start3A_477 = arith.constant 1 : i32
      %dma_start3A_478 = arith.constant 1 : i32
      %dma_start3A_479 = arith.constant 0 : i32
      %dma_start3A_480 = arith.constant 0 : i32
      %dma_start3A_481 = arith.constant 0 : i32
      %dma_start3A_482 = tpu.memref_slice %arg10[%dma_start3A_477, %dma_start3A_480, %dma_start3A_481] : memref<4x80x128xf32, #tpu.memory_space<vmem>> -> memref<1x80x128xf32, #tpu.memory_space<vmem>>
      %dma_start3A_483 = tpu.memref_squeeze %dma_start3A_482 : memref<1x80x128xf32, #tpu.memory_space<vmem>> -> memref<80x128xf32, #tpu.memory_space<vmem>>
      %dma_start3A_484 = arith.constant 0 : i32
      %dma_start3A_485 = tpu.memref_slice %arg9[%dma_start3A_478, %dma_start3A_479, %dma_start3A_484] : memref<4x5x80xi32, #tpu.memory_space<vmem>> -> memref<1x1x80xi32, #tpu.memory_space<vmem>>
      %dma_start3A_486 = tpu.memref_squeeze %dma_start3A_485 : memref<1x1x80xi32, #tpu.memory_space<vmem>> -> memref<80xi32, #tpu.memory_space<vmem>>
      %dma_start3A_487 = arith.constant 0 : i32
      %dma_start3A_488 = arith.constant 0 : i32
      %dma_start3A_489 = tpu.memref_slice %arg7[%dma_start3A_487, %dma_start3A_488] : memref<10000x128xf32, #tpu.memory_space<vmem_shared>> -> memref<10000x128xf32, #tpu.memory_space<vmem_shared>>
      tpu.enqueue_indirect_dma source(%dma_start3A_483 : memref<80x128xf32, #tpu.memory_space<vmem>>) target(%dma_start3A_489 : memref<10000x128xf32, #tpu.memory_space<vmem_shared>>) offsets(%dma_start3A_486 : memref<80xi32, #tpu.memory_space<vmem>>) semaphore(%arg16 : memref<!tpu.dma_semaphore, #tpu.memory_space<semaphore_mem>>) {add = true}
      %ge3A_490 = arith.constant 2 : i32
      %ge3A_491 = arith.cmpi sge, %add3A_452, %ge3A_490 : i32
      %convert_element_type3A_492 = arith.extui %ge3A_491 : i1 to i32
      %cond3A_493 = arith.constant 0 : i32
      %cond3A_494 = arith.cmpi ne, %convert_element_type3A_492, %cond3A_493 : i32
      scf.if %cond3A_494 {
        %dma_wait3A_1139 = arith.constant 3 : i32
        %dma_wait3A_1140 = arith.constant 0 : i32
        %dma_wait3A_1141 = arith.constant 0 : i32
        %dma_wait3A_1142 = arith.constant 0 : i32
        %dma_wait3A_1143 = arith.constant 0 : i32
        %dma_wait3A_1144 = tpu.memref_slice %arg10[%dma_wait3A_1139, %dma_wait3A_1142, %dma_wait3A_1143] : memref<4x80x128xf32, #tpu.memory_space<vmem>> -> memref<1x80x128xf32, #tpu.memory_space<vmem>>
        %dma_wait3A_1145 = tpu.memref_squeeze %dma_wait3A_1144 : memref<1x80x128xf32, #tpu.memory_space<vmem>> -> memref<80x128xf32, #tpu.memory_space<vmem>>
        %dma_wait3A_1146 = arith.constant 0 : i32
        %dma_wait3A_1147 = tpu.memref_slice %arg9[%dma_wait3A_1140, %dma_wait3A_1141, %dma_wait3A_1146] : memref<4x5x80xi32, #tpu.memory_space<vmem>> -> memref<1x1x80xi32, #tpu.memory_space<vmem>>
        %dma_wait3A_1148 = tpu.memref_squeeze %dma_wait3A_1147 : memref<1x1x80xi32, #tpu.memory_space<vmem>> -> memref<80xi32, #tpu.memory_space<vmem>>
        %dma_wait3A_1149 = arith.constant 0 : i32
        %dma_wait3A_1150 = arith.constant 0 : i32
        %dma_wait3A_1151 = tpu.memref_slice %arg7[%dma_wait3A_1149, %dma_wait3A_1150] : memref<10000x128xf32, #tpu.memory_space<vmem_shared>> -> memref<10000x128xf32, #tpu.memory_space<vmem_shared>>
        tpu.wait_indirect_dma semaphore(%arg18 : memref<!tpu.dma_semaphore, #tpu.memory_space<semaphore_mem>>) src(%dma_wait3A_1145 : memref<80x128xf32, #tpu.memory_space<vmem>>) dst(%dma_wait3A_1151 : memref<10000x128xf32, #tpu.memory_space<vmem_shared>>)
      } else {
      }
      %add3A_495 = arith.constant 2 : i32
      %add3A_496 = arith.addi %add3A_452, %add3A_495 : i32
      %lt3A_497 = arith.constant 500 : i32
      %lt3A_498 = arith.cmpi slt, %add3A_496, %lt3A_497 : i32
      %convert_element_type3A_499 = arith.extui %lt3A_498 : i1 to i32
      %cond3A_500 = arith.constant 0 : i32
      %cond3A_501 = arith.cmpi ne, %convert_element_type3A_499, %cond3A_500 : i32
      scf.if %cond3A_501 {
        %dma_start3A_1139 = arith.constant 1 : i32
        %dma_start3A_1140 = arith.constant 2 : i32
        %dma_start3A_1141 = arith.constant 3 : i32
        %dma_start3A_1142 = arith.constant 0 : i32
        %dma_start3A_1143 = arith.constant 0 : i32
        %dma_start3A_1144 = tpu.memref_slice %arg10[%dma_start3A_1141, %dma_start3A_1142, %dma_start3A_1143] : memref<4x80x128xf32, #tpu.memory_space<vmem>> -> memref<1x80x128xf32, #tpu.memory_space<vmem>>
        %dma_start3A_1145 = tpu.memref_squeeze %dma_start3A_1144 : memref<1x80x128xf32, #tpu.memory_space<vmem>> -> memref<80x128xf32, #tpu.memory_space<vmem>>
        %dma_start3A_1146 = arith.constant 0 : i32
        %dma_start3A_1147 = tpu.memref_slice %arg8[%dma_start3A_1139, %dma_start3A_1140, %dma_start3A_1146] : memref<4x5x80xi32, #tpu.memory_space<vmem>> -> memref<1x1x80xi32, #tpu.memory_space<vmem>>
        %dma_start3A_1148 = tpu.memref_squeeze %dma_start3A_1147 : memref<1x1x80xi32, #tpu.memory_space<vmem>> -> memref<80xi32, #tpu.memory_space<vmem>>
        %dma_start3A_1149 = arith.constant 0 : i32
        %dma_start3A_1150 = arith.constant 0 : i32
        %dma_start3A_1151 = tpu.memref_slice %arg2[%dma_start3A_1149, %dma_start3A_1150] : memref<10000x128xf32, #tpu.memory_space<hbm>> -> memref<10000x128xf32, #tpu.memory_space<hbm>>
        tpu.enqueue_indirect_dma source(%dma_start3A_1151 : memref<10000x128xf32, #tpu.memory_space<hbm>>) target(%dma_start3A_1145 : memref<80x128xf32, #tpu.memory_space<vmem>>) offsets(%dma_start3A_1148 : memref<80xi32, #tpu.memory_space<vmem>>) semaphore(%arg14 : memref<!tpu.dma_semaphore, #tpu.memory_space<semaphore_mem>>)
      } else {
      }
      %mul3A_502 = arith.constant 20 : i32
      %mul3A_503 = arith.muli %scan3A_219, %mul3A_502 : i32
      %add3A_504 = arith.constant 6 : i32
      %add3A_505 = arith.addi %mul3A_503, %add3A_504 : i32
      %dma_wait3A_506 = arith.constant 0 : i32
      %dma_wait3A_507 = arith.constant 0 : i32
      %dma_wait3A_508 = arith.constant 2 : i32
      %dma_wait3A_509 = arith.constant 0 : i32
      %dma_wait3A_510 = arith.constant 0 : i32
      %dma_wait3A_511 = tpu.memref_slice %arg10[%dma_wait3A_508, %dma_wait3A_509, %dma_wait3A_510] : memref<4x80x128xf32, #tpu.memory_space<vmem>> -> memref<1x80x128xf32, #tpu.memory_space<vmem>>
      %dma_wait3A_512 = tpu.memref_squeeze %dma_wait3A_511 : memref<1x80x128xf32, #tpu.memory_space<vmem>> -> memref<80x128xf32, #tpu.memory_space<vmem>>
      %dma_wait3A_513 = arith.constant 0 : i32
      %dma_wait3A_514 = tpu.memref_slice %arg8[%dma_wait3A_506, %dma_wait3A_507, %dma_wait3A_513] : memref<4x5x80xi32, #tpu.memory_space<vmem>> -> memref<1x1x80xi32, #tpu.memory_space<vmem>>
      %dma_wait3A_515 = tpu.memref_squeeze %dma_wait3A_514 : memref<1x1x80xi32, #tpu.memory_space<vmem>> -> memref<80xi32, #tpu.memory_space<vmem>>
      %dma_wait3A_516 = arith.constant 0 : i32
      %dma_wait3A_517 = arith.constant 0 : i32
      %dma_wait3A_518 = tpu.memref_slice %arg2[%dma_wait3A_516, %dma_wait3A_517] : memref<10000x128xf32, #tpu.memory_space<hbm>> -> memref<10000x128xf32, #tpu.memory_space<hbm>>
      tpu.wait_indirect_dma semaphore(%arg13 : memref<!tpu.dma_semaphore, #tpu.memory_space<semaphore_mem>>) src(%dma_wait3A_518 : memref<10000x128xf32, #tpu.memory_space<hbm>>) dst(%dma_wait3A_512 : memref<80x128xf32, #tpu.memory_space<vmem>>)
      %dma_start3A_519 = arith.constant 2 : i32
      %dma_start3A_520 = arith.constant 1 : i32
      %dma_start3A_521 = arith.constant 1 : i32
      %dma_start3A_522 = arith.constant 0 : i32
      %dma_start3A_523 = arith.constant 0 : i32
      %dma_start3A_524 = tpu.memref_slice %arg10[%dma_start3A_519, %dma_start3A_522, %dma_start3A_523] : memref<4x80x128xf32, #tpu.memory_space<vmem>> -> memref<1x80x128xf32, #tpu.memory_space<vmem>>
      %dma_start3A_525 = tpu.memref_squeeze %dma_start3A_524 : memref<1x80x128xf32, #tpu.memory_space<vmem>> -> memref<80x128xf32, #tpu.memory_space<vmem>>
      %dma_start3A_526 = arith.constant 0 : i32
      %dma_start3A_527 = tpu.memref_slice %arg9[%dma_start3A_520, %dma_start3A_521, %dma_start3A_526] : memref<4x5x80xi32, #tpu.memory_space<vmem>> -> memref<1x1x80xi32, #tpu.memory_space<vmem>>
      %dma_start3A_528 = tpu.memref_squeeze %dma_start3A_527 : memref<1x1x80xi32, #tpu.memory_space<vmem>> -> memref<80xi32, #tpu.memory_space<vmem>>
      %dma_start3A_529 = arith.constant 0 : i32
      %dma_start3A_530 = arith.constant 0 : i32
      %dma_start3A_531 = tpu.memref_slice %arg7[%dma_start3A_529, %dma_start3A_530] : memref<10000x128xf32, #tpu.memory_space<vmem_shared>> -> memref<10000x128xf32, #tpu.memory_space<vmem_shared>>
      tpu.enqueue_indirect_dma source(%dma_start3A_525 : memref<80x128xf32, #tpu.memory_space<vmem>>) target(%dma_start3A_531 : memref<10000x128xf32, #tpu.memory_space<vmem_shared>>) offsets(%dma_start3A_528 : memref<80xi32, #tpu.memory_space<vmem>>) semaphore(%arg17 : memref<!tpu.dma_semaphore, #tpu.memory_space<semaphore_mem>>) {add = true}
      %ge3A_532 = arith.constant 2 : i32
      %ge3A_533 = arith.cmpi sge, %add3A_505, %ge3A_532 : i32
      %convert_element_type3A_534 = arith.extui %ge3A_533 : i1 to i32
      %cond3A_535 = arith.constant 0 : i32
      %cond3A_536 = arith.cmpi ne, %convert_element_type3A_534, %cond3A_535 : i32
      scf.if %cond3A_536 {
        %dma_wait3A_1139 = arith.constant 0 : i32
        %dma_wait3A_1140 = arith.constant 0 : i32
        %dma_wait3A_1141 = arith.constant 0 : i32
        %dma_wait3A_1142 = arith.constant 0 : i32
        %dma_wait3A_1143 = arith.constant 0 : i32
        %dma_wait3A_1144 = tpu.memref_slice %arg10[%dma_wait3A_1139, %dma_wait3A_1142, %dma_wait3A_1143] : memref<4x80x128xf32, #tpu.memory_space<vmem>> -> memref<1x80x128xf32, #tpu.memory_space<vmem>>
        %dma_wait3A_1145 = tpu.memref_squeeze %dma_wait3A_1144 : memref<1x80x128xf32, #tpu.memory_space<vmem>> -> memref<80x128xf32, #tpu.memory_space<vmem>>
        %dma_wait3A_1146 = arith.constant 0 : i32
        %dma_wait3A_1147 = tpu.memref_slice %arg9[%dma_wait3A_1140, %dma_wait3A_1141, %dma_wait3A_1146] : memref<4x5x80xi32, #tpu.memory_space<vmem>> -> memref<1x1x80xi32, #tpu.memory_space<vmem>>
        %dma_wait3A_1148 = tpu.memref_squeeze %dma_wait3A_1147 : memref<1x1x80xi32, #tpu.memory_space<vmem>> -> memref<80xi32, #tpu.memory_space<vmem>>
        %dma_wait3A_1149 = arith.constant 0 : i32
        %dma_wait3A_1150 = arith.constant 0 : i32
        %dma_wait3A_1151 = tpu.memref_slice %arg7[%dma_wait3A_1149, %dma_wait3A_1150] : memref<10000x128xf32, #tpu.memory_space<vmem_shared>> -> memref<10000x128xf32, #tpu.memory_space<vmem_shared>>
        tpu.wait_indirect_dma semaphore(%arg15 : memref<!tpu.dma_semaphore, #tpu.memory_space<semaphore_mem>>) src(%dma_wait3A_1145 : memref<80x128xf32, #tpu.memory_space<vmem>>) dst(%dma_wait3A_1151 : memref<10000x128xf32, #tpu.memory_space<vmem_shared>>)
      } else {
      }
      %add3A_537 = arith.constant 2 : i32
      %add3A_538 = arith.addi %add3A_505, %add3A_537 : i32
      %lt3A_539 = arith.constant 500 : i32
      %lt3A_540 = arith.cmpi slt, %add3A_538, %lt3A_539 : i32
      %convert_element_type3A_541 = arith.extui %lt3A_540 : i1 to i32
      %cond3A_542 = arith.constant 0 : i32
      %cond3A_543 = arith.cmpi ne, %convert_element_type3A_541, %cond3A_542 : i32
      scf.if %cond3A_543 {
        %dma_start3A_1139 = arith.constant 1 : i32
        %dma_start3A_1140 = arith.constant 3 : i32
        %dma_start3A_1141 = arith.constant 0 : i32
        %dma_start3A_1142 = arith.constant 0 : i32
        %dma_start3A_1143 = arith.constant 0 : i32
        %dma_start3A_1144 = tpu.memref_slice %arg10[%dma_start3A_1141, %dma_start3A_1142, %dma_start3A_1143] : memref<4x80x128xf32, #tpu.memory_space<vmem>> -> memref<1x80x128xf32, #tpu.memory_space<vmem>>
        %dma_start3A_1145 = tpu.memref_squeeze %dma_start3A_1144 : memref<1x80x128xf32, #tpu.memory_space<vmem>> -> memref<80x128xf32, #tpu.memory_space<vmem>>
        %dma_start3A_1146 = arith.constant 0 : i32
        %dma_start3A_1147 = tpu.memref_slice %arg8[%dma_start3A_1139, %dma_start3A_1140, %dma_start3A_1146] : memref<4x5x80xi32, #tpu.memory_space<vmem>> -> memref<1x1x80xi32, #tpu.memory_space<vmem>>
        %dma_start3A_1148 = tpu.memref_squeeze %dma_start3A_1147 : memref<1x1x80xi32, #tpu.memory_space<vmem>> -> memref<80xi32, #tpu.memory_space<vmem>>
        %dma_start3A_1149 = arith.constant 0 : i32
        %dma_start3A_1150 = arith.constant 0 : i32
        %dma_start3A_1151 = tpu.memref_slice %arg2[%dma_start3A_1149, %dma_start3A_1150] : memref<10000x128xf32, #tpu.memory_space<hbm>> -> memref<10000x128xf32, #tpu.memory_space<hbm>>
        tpu.enqueue_indirect_dma source(%dma_start3A_1151 : memref<10000x128xf32, #tpu.memory_space<hbm>>) target(%dma_start3A_1145 : memref<80x128xf32, #tpu.memory_space<vmem>>) offsets(%dma_start3A_1148 : memref<80xi32, #tpu.memory_space<vmem>>) semaphore(%arg11 : memref<!tpu.dma_semaphore, #tpu.memory_space<semaphore_mem>>)
      } else {
      }
      %mul3A_544 = arith.constant 20 : i32
      %mul3A_545 = arith.muli %scan3A_219, %mul3A_544 : i32
      %add3A_546 = arith.constant 7 : i32
      %add3A_547 = arith.addi %mul3A_545, %add3A_546 : i32
      %dma_wait3A_548 = arith.constant 0 : i32
      %dma_wait3A_549 = arith.constant 0 : i32
      %dma_wait3A_550 = arith.constant 3 : i32
      %dma_wait3A_551 = arith.constant 0 : i32
      %dma_wait3A_552 = arith.constant 0 : i32
      %dma_wait3A_553 = tpu.memref_slice %arg10[%dma_wait3A_550, %dma_wait3A_551, %dma_wait3A_552] : memref<4x80x128xf32, #tpu.memory_space<vmem>> -> memref<1x80x128xf32, #tpu.memory_space<vmem>>
      %dma_wait3A_554 = tpu.memref_squeeze %dma_wait3A_553 : memref<1x80x128xf32, #tpu.memory_space<vmem>> -> memref<80x128xf32, #tpu.memory_space<vmem>>
      %dma_wait3A_555 = arith.constant 0 : i32
      %dma_wait3A_556 = tpu.memref_slice %arg8[%dma_wait3A_548, %dma_wait3A_549, %dma_wait3A_555] : memref<4x5x80xi32, #tpu.memory_space<vmem>> -> memref<1x1x80xi32, #tpu.memory_space<vmem>>
      %dma_wait3A_557 = tpu.memref_squeeze %dma_wait3A_556 : memref<1x1x80xi32, #tpu.memory_space<vmem>> -> memref<80xi32, #tpu.memory_space<vmem>>
      %dma_wait3A_558 = arith.constant 0 : i32
      %dma_wait3A_559 = arith.constant 0 : i32
      %dma_wait3A_560 = tpu.memref_slice %arg2[%dma_wait3A_558, %dma_wait3A_559] : memref<10000x128xf32, #tpu.memory_space<hbm>> -> memref<10000x128xf32, #tpu.memory_space<hbm>>
      tpu.wait_indirect_dma semaphore(%arg14 : memref<!tpu.dma_semaphore, #tpu.memory_space<semaphore_mem>>) src(%dma_wait3A_560 : memref<10000x128xf32, #tpu.memory_space<hbm>>) dst(%dma_wait3A_554 : memref<80x128xf32, #tpu.memory_space<vmem>>)
      %dma_start3A_561 = arith.constant 3 : i32
      %dma_start3A_562 = arith.constant 1 : i32
      %dma_start3A_563 = arith.constant 2 : i32
      %dma_start3A_564 = arith.constant 0 : i32
      %dma_start3A_565 = arith.constant 0 : i32
      %dma_start3A_566 = tpu.memref_slice %arg10[%dma_start3A_561, %dma_start3A_564, %dma_start3A_565] : memref<4x80x128xf32, #tpu.memory_space<vmem>> -> memref<1x80x128xf32, #tpu.memory_space<vmem>>
      %dma_start3A_567 = tpu.memref_squeeze %dma_start3A_566 : memref<1x80x128xf32, #tpu.memory_space<vmem>> -> memref<80x128xf32, #tpu.memory_space<vmem>>
      %dma_start3A_568 = arith.constant 0 : i32
      %dma_start3A_569 = tpu.memref_slice %arg9[%dma_start3A_562, %dma_start3A_563, %dma_start3A_568] : memref<4x5x80xi32, #tpu.memory_space<vmem>> -> memref<1x1x80xi32, #tpu.memory_space<vmem>>
      %dma_start3A_570 = tpu.memref_squeeze %dma_start3A_569 : memref<1x1x80xi32, #tpu.memory_space<vmem>> -> memref<80xi32, #tpu.memory_space<vmem>>
      %dma_start3A_571 = arith.constant 0 : i32
      %dma_start3A_572 = arith.constant 0 : i32
      %dma_start3A_573 = tpu.memref_slice %arg7[%dma_start3A_571, %dma_start3A_572] : memref<10000x128xf32, #tpu.memory_space<vmem_shared>> -> memref<10000x128xf32, #tpu.memory_space<vmem_shared>>
      tpu.enqueue_indirect_dma source(%dma_start3A_567 : memref<80x128xf32, #tpu.memory_space<vmem>>) target(%dma_start3A_573 : memref<10000x128xf32, #tpu.memory_space<vmem_shared>>) offsets(%dma_start3A_570 : memref<80xi32, #tpu.memory_space<vmem>>) semaphore(%arg18 : memref<!tpu.dma_semaphore, #tpu.memory_space<semaphore_mem>>) {add = true}
      %ge3A_574 = arith.constant 2 : i32
      %ge3A_575 = arith.cmpi sge, %add3A_547, %ge3A_574 : i32
      %convert_element_type3A_576 = arith.extui %ge3A_575 : i1 to i32
      %cond3A_577 = arith.constant 0 : i32
      %cond3A_578 = arith.cmpi ne, %convert_element_type3A_576, %cond3A_577 : i32
      scf.if %cond3A_578 {
        %dma_wait3A_1139 = arith.constant 1 : i32
        %dma_wait3A_1140 = arith.constant 0 : i32
        %dma_wait3A_1141 = arith.constant 0 : i32
        %dma_wait3A_1142 = arith.constant 0 : i32
        %dma_wait3A_1143 = arith.constant 0 : i32
        %dma_wait3A_1144 = tpu.memref_slice %arg10[%dma_wait3A_1139, %dma_wait3A_1142, %dma_wait3A_1143] : memref<4x80x128xf32, #tpu.memory_space<vmem>> -> memref<1x80x128xf32, #tpu.memory_space<vmem>>
        %dma_wait3A_1145 = tpu.memref_squeeze %dma_wait3A_1144 : memref<1x80x128xf32, #tpu.memory_space<vmem>> -> memref<80x128xf32, #tpu.memory_space<vmem>>
        %dma_wait3A_1146 = arith.constant 0 : i32
        %dma_wait3A_1147 = tpu.memref_slice %arg9[%dma_wait3A_1140, %dma_wait3A_1141, %dma_wait3A_1146] : memref<4x5x80xi32, #tpu.memory_space<vmem>> -> memref<1x1x80xi32, #tpu.memory_space<vmem>>
        %dma_wait3A_1148 = tpu.memref_squeeze %dma_wait3A_1147 : memref<1x1x80xi32, #tpu.memory_space<vmem>> -> memref<80xi32, #tpu.memory_space<vmem>>
        %dma_wait3A_1149 = arith.constant 0 : i32
        %dma_wait3A_1150 = arith.constant 0 : i32
        %dma_wait3A_1151 = tpu.memref_slice %arg7[%dma_wait3A_1149, %dma_wait3A_1150] : memref<10000x128xf32, #tpu.memory_space<vmem_shared>> -> memref<10000x128xf32, #tpu.memory_space<vmem_shared>>
        tpu.wait_indirect_dma semaphore(%arg16 : memref<!tpu.dma_semaphore, #tpu.memory_space<semaphore_mem>>) src(%dma_wait3A_1145 : memref<80x128xf32, #tpu.memory_space<vmem>>) dst(%dma_wait3A_1151 : memref<10000x128xf32, #tpu.memory_space<vmem_shared>>)
      } else {
      }
      %add3A_579 = arith.constant 2 : i32
      %add3A_580 = arith.addi %add3A_547, %add3A_579 : i32
      %lt3A_581 = arith.constant 500 : i32
      %lt3A_582 = arith.cmpi slt, %add3A_580, %lt3A_581 : i32
      %convert_element_type3A_583 = arith.extui %lt3A_582 : i1 to i32
      %cond3A_584 = arith.constant 0 : i32
      %cond3A_585 = arith.cmpi ne, %convert_element_type3A_583, %cond3A_584 : i32
      scf.if %cond3A_585 {
        %dma_start3A_1139 = arith.constant 1 : i32
        %dma_start3A_1140 = arith.constant 4 : i32
        %dma_start3A_1141 = arith.constant 1 : i32
        %dma_start3A_1142 = arith.constant 0 : i32
        %dma_start3A_1143 = arith.constant 0 : i32
        %dma_start3A_1144 = tpu.memref_slice %arg10[%dma_start3A_1141, %dma_start3A_1142, %dma_start3A_1143] : memref<4x80x128xf32, #tpu.memory_space<vmem>> -> memref<1x80x128xf32, #tpu.memory_space<vmem>>
        %dma_start3A_1145 = tpu.memref_squeeze %dma_start3A_1144 : memref<1x80x128xf32, #tpu.memory_space<vmem>> -> memref<80x128xf32, #tpu.memory_space<vmem>>
        %dma_start3A_1146 = arith.constant 0 : i32
        %dma_start3A_1147 = tpu.memref_slice %arg8[%dma_start3A_1139, %dma_start3A_1140, %dma_start3A_1146] : memref<4x5x80xi32, #tpu.memory_space<vmem>> -> memref<1x1x80xi32, #tpu.memory_space<vmem>>
        %dma_start3A_1148 = tpu.memref_squeeze %dma_start3A_1147 : memref<1x1x80xi32, #tpu.memory_space<vmem>> -> memref<80xi32, #tpu.memory_space<vmem>>
        %dma_start3A_1149 = arith.constant 0 : i32
        %dma_start3A_1150 = arith.constant 0 : i32
        %dma_start3A_1151 = tpu.memref_slice %arg2[%dma_start3A_1149, %dma_start3A_1150] : memref<10000x128xf32, #tpu.memory_space<hbm>> -> memref<10000x128xf32, #tpu.memory_space<hbm>>
        tpu.enqueue_indirect_dma source(%dma_start3A_1151 : memref<10000x128xf32, #tpu.memory_space<hbm>>) target(%dma_start3A_1145 : memref<80x128xf32, #tpu.memory_space<vmem>>) offsets(%dma_start3A_1148 : memref<80xi32, #tpu.memory_space<vmem>>) semaphore(%arg12 : memref<!tpu.dma_semaphore, #tpu.memory_space<semaphore_mem>>)
      } else {
      }
      %mul3A_586 = arith.constant 20 : i32
      %mul3A_587 = arith.muli %scan3A_219, %mul3A_586 : i32
      %add3A_588 = arith.constant 8 : i32
      %add3A_589 = arith.addi %mul3A_587, %add3A_588 : i32
      %dma_wait3A_590 = arith.constant 0 : i32
      %dma_wait3A_591 = arith.constant 0 : i32
      %dma_wait3A_592 = arith.constant 0 : i32
      %dma_wait3A_593 = arith.constant 0 : i32
      %dma_wait3A_594 = arith.constant 0 : i32
      %dma_wait3A_595 = tpu.memref_slice %arg10[%dma_wait3A_592, %dma_wait3A_593, %dma_wait3A_594] : memref<4x80x128xf32, #tpu.memory_space<vmem>> -> memref<1x80x128xf32, #tpu.memory_space<vmem>>
      %dma_wait3A_596 = tpu.memref_squeeze %dma_wait3A_595 : memref<1x80x128xf32, #tpu.memory_space<vmem>> -> memref<80x128xf32, #tpu.memory_space<vmem>>
      %dma_wait3A_597 = arith.constant 0 : i32
      %dma_wait3A_598 = tpu.memref_slice %arg8[%dma_wait3A_590, %dma_wait3A_591, %dma_wait3A_597] : memref<4x5x80xi32, #tpu.memory_space<vmem>> -> memref<1x1x80xi32, #tpu.memory_space<vmem>>
      %dma_wait3A_599 = tpu.memref_squeeze %dma_wait3A_598 : memref<1x1x80xi32, #tpu.memory_space<vmem>> -> memref<80xi32, #tpu.memory_space<vmem>>
      %dma_wait3A_600 = arith.constant 0 : i32
      %dma_wait3A_601 = arith.constant 0 : i32
      %dma_wait3A_602 = tpu.memref_slice %arg2[%dma_wait3A_600, %dma_wait3A_601] : memref<10000x128xf32, #tpu.memory_space<hbm>> -> memref<10000x128xf32, #tpu.memory_space<hbm>>
      tpu.wait_indirect_dma semaphore(%arg11 : memref<!tpu.dma_semaphore, #tpu.memory_space<semaphore_mem>>) src(%dma_wait3A_602 : memref<10000x128xf32, #tpu.memory_space<hbm>>) dst(%dma_wait3A_596 : memref<80x128xf32, #tpu.memory_space<vmem>>)
      %dma_start3A_603 = arith.constant 0 : i32
      %dma_start3A_604 = arith.constant 1 : i32
      %dma_start3A_605 = arith.constant 3 : i32
      %dma_start3A_606 = arith.constant 0 : i32
      %dma_start3A_607 = arith.constant 0 : i32
      %dma_start3A_608 = tpu.memref_slice %arg10[%dma_start3A_603, %dma_start3A_606, %dma_start3A_607] : memref<4x80x128xf32, #tpu.memory_space<vmem>> -> memref<1x80x128xf32, #tpu.memory_space<vmem>>
      %dma_start3A_609 = tpu.memref_squeeze %dma_start3A_608 : memref<1x80x128xf32, #tpu.memory_space<vmem>> -> memref<80x128xf32, #tpu.memory_space<vmem>>
      %dma_start3A_610 = arith.constant 0 : i32
      %dma_start3A_611 = tpu.memref_slice %arg9[%dma_start3A_604, %dma_start3A_605, %dma_start3A_610] : memref<4x5x80xi32, #tpu.memory_space<vmem>> -> memref<1x1x80xi32, #tpu.memory_space<vmem>>
      %dma_start3A_612 = tpu.memref_squeeze %dma_start3A_611 : memref<1x1x80xi32, #tpu.memory_space<vmem>> -> memref<80xi32, #tpu.memory_space<vmem>>
      %dma_start3A_613 = arith.constant 0 : i32
      %dma_start3A_614 = arith.constant 0 : i32
      %dma_start3A_615 = tpu.memref_slice %arg7[%dma_start3A_613, %dma_start3A_614] : memref<10000x128xf32, #tpu.memory_space<vmem_shared>> -> memref<10000x128xf32, #tpu.memory_space<vmem_shared>>
      tpu.enqueue_indirect_dma source(%dma_start3A_609 : memref<80x128xf32, #tpu.memory_space<vmem>>) target(%dma_start3A_615 : memref<10000x128xf32, #tpu.memory_space<vmem_shared>>) offsets(%dma_start3A_612 : memref<80xi32, #tpu.memory_space<vmem>>) semaphore(%arg15 : memref<!tpu.dma_semaphore, #tpu.memory_space<semaphore_mem>>) {add = true}
      %ge3A_616 = arith.constant 2 : i32
      %ge3A_617 = arith.cmpi sge, %add3A_589, %ge3A_616 : i32
      %convert_element_type3A_618 = arith.extui %ge3A_617 : i1 to i32
      %cond3A_619 = arith.constant 0 : i32
      %cond3A_620 = arith.cmpi ne, %convert_element_type3A_618, %cond3A_619 : i32
      scf.if %cond3A_620 {
        %dma_wait3A_1139 = arith.constant 2 : i32
        %dma_wait3A_1140 = arith.constant 0 : i32
        %dma_wait3A_1141 = arith.constant 0 : i32
        %dma_wait3A_1142 = arith.constant 0 : i32
        %dma_wait3A_1143 = arith.constant 0 : i32
        %dma_wait3A_1144 = tpu.memref_slice %arg10[%dma_wait3A_1139, %dma_wait3A_1142, %dma_wait3A_1143] : memref<4x80x128xf32, #tpu.memory_space<vmem>> -> memref<1x80x128xf32, #tpu.memory_space<vmem>>
        %dma_wait3A_1145 = tpu.memref_squeeze %dma_wait3A_1144 : memref<1x80x128xf32, #tpu.memory_space<vmem>> -> memref<80x128xf32, #tpu.memory_space<vmem>>
        %dma_wait3A_1146 = arith.constant 0 : i32
        %dma_wait3A_1147 = tpu.memref_slice %arg9[%dma_wait3A_1140, %dma_wait3A_1141, %dma_wait3A_1146] : memref<4x5x80xi32, #tpu.memory_space<vmem>> -> memref<1x1x80xi32, #tpu.memory_space<vmem>>
        %dma_wait3A_1148 = tpu.memref_squeeze %dma_wait3A_1147 : memref<1x1x80xi32, #tpu.memory_space<vmem>> -> memref<80xi32, #tpu.memory_space<vmem>>
        %dma_wait3A_1149 = arith.constant 0 : i32
        %dma_wait3A_1150 = arith.constant 0 : i32
        %dma_wait3A_1151 = tpu.memref_slice %arg7[%dma_wait3A_1149, %dma_wait3A_1150] : memref<10000x128xf32, #tpu.memory_space<vmem_shared>> -> memref<10000x128xf32, #tpu.memory_space<vmem_shared>>
        tpu.wait_indirect_dma semaphore(%arg17 : memref<!tpu.dma_semaphore, #tpu.memory_space<semaphore_mem>>) src(%dma_wait3A_1145 : memref<80x128xf32, #tpu.memory_space<vmem>>) dst(%dma_wait3A_1151 : memref<10000x128xf32, #tpu.memory_space<vmem_shared>>)
      } else {
      }
      %mul3A_621 = arith.constant 4 : i32
      %mul3A_622 = arith.muli %mul3A_621, %scan3A_219 : i32
      %add3A_623 = arith.constant 2 : i32
      %add3A_624 = arith.addi %mul3A_622, %add3A_623 : i32
      %lt3A_625 = arith.constant 100 : i32
      %lt3A_626 = arith.cmpi slt, %add3A_624, %lt3A_625 : i32
      %convert_element_type3A_627 = arith.extui %lt3A_626 : i1 to i32
      %cond3A_628 = arith.constant 0 : i32
      %cond3A_629 = arith.cmpi ne, %convert_element_type3A_627, %cond3A_628 : i32
      scf.if %cond3A_629 {
        %dma_wait3A_1139 = arith.constant 0 : i32
        %dma_wait3A_1140 = arith.constant 0 : i32
        %dma_wait3A_1141 = arith.constant 0 : i32
        %dma_wait3A_1142 = arith.constant 0 : i32
        %dma_wait3A_1143 = arith.constant 0 : i32
        %dma_wait3A_1144 = tpu.memref_slice %arg8[%dma_wait3A_1141, %dma_wait3A_1142, %dma_wait3A_1143] : memref<4x5x80xi32, #tpu.memory_space<vmem>> -> memref<1x5x80xi32, #tpu.memory_space<vmem>>
        %dma_wait3A_1145 = tpu.memref_squeeze %dma_wait3A_1144 : memref<1x5x80xi32, #tpu.memory_space<vmem>> -> memref<5x80xi32, #tpu.memory_space<vmem>>
        %dma_wait3A_1146 = arith.constant 0 : i32
        %dma_wait3A_1147 = arith.constant 0 : i32
        %dma_wait3A_1148 = tpu.memref_slice %arg3[%dma_wait3A_1139, %dma_wait3A_1140, %dma_wait3A_1146, %dma_wait3A_1147] : memref<32x100x5x80xi32, #tpu.memory_space<hbm>> -> memref<1x1x5x80xi32, #tpu.memory_space<hbm>>
        %dma_wait3A_1149 = tpu.memref_squeeze %dma_wait3A_1148 : memref<1x1x5x80xi32, #tpu.memory_space<hbm>> -> memref<5x80xi32, #tpu.memory_space<hbm>>
        %dma_wait3A_1150 = arith.constant 0 : i32
        %dma_wait3A_1151 = arith.constant 0 : i32
        %dma_wait3A_1152 = tpu.memref_slice %arg8[%dma_wait3A_1141, %dma_wait3A_1150, %dma_wait3A_1151] : memref<4x5x80xi32, #tpu.memory_space<vmem>> -> memref<1x5x80xi32, #tpu.memory_space<vmem>>
        %dma_wait3A_1153 = tpu.memref_squeeze %dma_wait3A_1152 : memref<1x5x80xi32, #tpu.memory_space<vmem>> -> memref<5x80xi32, #tpu.memory_space<vmem>>
        %dma_wait3A_1154 = arith.constant 0 : i32
        %dma_wait3A_1155 = arith.constant 0 : i32
        %dma_wait3A_1156 = tpu.memref_slice %arg3[%dma_wait3A_1139, %dma_wait3A_1140, %dma_wait3A_1154, %dma_wait3A_1155] : memref<32x100x5x80xi32, #tpu.memory_space<hbm>> -> memref<1x1x5x80xi32, #tpu.memory_space<hbm>>
        %dma_wait3A_1157 = tpu.memref_squeeze %dma_wait3A_1156 : memref<1x1x5x80xi32, #tpu.memory_space<hbm>> -> memref<5x80xi32, #tpu.memory_space<hbm>>
        tpu.wait_dma2 semaphore(%arg21 : memref<!tpu.dma_semaphore, #tpu.memory_space<semaphore_mem>>) src(%dma_wait3A_1157 : memref<5x80xi32, #tpu.memory_space<hbm>>) dst(%dma_wait3A_1153 : memref<5x80xi32, #tpu.memory_space<vmem>>)
        %dma_wait3A_1158 = arith.constant 0 : i32
        %dma_wait3A_1159 = arith.constant 0 : i32
        %dma_wait3A_1160 = arith.constant 0 : i32
        %dma_wait3A_1161 = arith.constant 0 : i32
        %dma_wait3A_1162 = arith.constant 0 : i32
        %dma_wait3A_1163 = tpu.memref_slice %arg9[%dma_wait3A_1160, %dma_wait3A_1161, %dma_wait3A_1162] : memref<4x5x80xi32, #tpu.memory_space<vmem>> -> memref<1x5x80xi32, #tpu.memory_space<vmem>>
        %dma_wait3A_1164 = tpu.memref_squeeze %dma_wait3A_1163 : memref<1x5x80xi32, #tpu.memory_space<vmem>> -> memref<5x80xi32, #tpu.memory_space<vmem>>
        %dma_wait3A_1165 = arith.constant 0 : i32
        %dma_wait3A_1166 = arith.constant 0 : i32
        %dma_wait3A_1167 = tpu.memref_slice %arg4[%dma_wait3A_1158, %dma_wait3A_1159, %dma_wait3A_1165, %dma_wait3A_1166] : memref<32x100x5x80xi32, #tpu.memory_space<hbm>> -> memref<1x1x5x80xi32, #tpu.memory_space<hbm>>
        %dma_wait3A_1168 = tpu.memref_squeeze %dma_wait3A_1167 : memref<1x1x5x80xi32, #tpu.memory_space<hbm>> -> memref<5x80xi32, #tpu.memory_space<hbm>>
        %dma_wait3A_1169 = arith.constant 0 : i32
        %dma_wait3A_1170 = arith.constant 0 : i32
        %dma_wait3A_1171 = tpu.memref_slice %arg9[%dma_wait3A_1160, %dma_wait3A_1169, %dma_wait3A_1170] : memref<4x5x80xi32, #tpu.memory_space<vmem>> -> memref<1x5x80xi32, #tpu.memory_space<vmem>>
        %dma_wait3A_1172 = tpu.memref_squeeze %dma_wait3A_1171 : memref<1x5x80xi32, #tpu.memory_space<vmem>> -> memref<5x80xi32, #tpu.memory_space<vmem>>
        %dma_wait3A_1173 = arith.constant 0 : i32
        %dma_wait3A_1174 = arith.constant 0 : i32
        %dma_wait3A_1175 = tpu.memref_slice %arg4[%dma_wait3A_1158, %dma_wait3A_1159, %dma_wait3A_1173, %dma_wait3A_1174] : memref<32x100x5x80xi32, #tpu.memory_space<hbm>> -> memref<1x1x5x80xi32, #tpu.memory_space<hbm>>
        %dma_wait3A_1176 = tpu.memref_squeeze %dma_wait3A_1175 : memref<1x1x5x80xi32, #tpu.memory_space<hbm>> -> memref<5x80xi32, #tpu.memory_space<hbm>>
        tpu.wait_dma2 semaphore(%arg21 : memref<!tpu.dma_semaphore, #tpu.memory_space<semaphore_mem>>) src(%dma_wait3A_1176 : memref<5x80xi32, #tpu.memory_space<hbm>>) dst(%dma_wait3A_1172 : memref<5x80xi32, #tpu.memory_space<vmem>>)
      } else {
      }
      %add3A_630 = arith.constant 2 : i32
      %add3A_631 = arith.addi %add3A_589, %add3A_630 : i32
      %lt3A_632 = arith.constant 500 : i32
      %lt3A_633 = arith.cmpi slt, %add3A_631, %lt3A_632 : i32
      %convert_element_type3A_634 = arith.extui %lt3A_633 : i1 to i32
      %cond3A_635 = arith.constant 0 : i32
      %cond3A_636 = arith.cmpi ne, %convert_element_type3A_634, %cond3A_635 : i32
      scf.if %cond3A_636 {
        %dma_start3A_1139 = arith.constant 2 : i32
        %dma_start3A_1140 = arith.constant 0 : i32
        %dma_start3A_1141 = arith.constant 2 : i32
        %dma_start3A_1142 = arith.constant 0 : i32
        %dma_start3A_1143 = arith.constant 0 : i32
        %dma_start3A_1144 = tpu.memref_slice %arg10[%dma_start3A_1141, %dma_start3A_1142, %dma_start3A_1143] : memref<4x80x128xf32, #tpu.memory_space<vmem>> -> memref<1x80x128xf32, #tpu.memory_space<vmem>>
        %dma_start3A_1145 = tpu.memref_squeeze %dma_start3A_1144 : memref<1x80x128xf32, #tpu.memory_space<vmem>> -> memref<80x128xf32, #tpu.memory_space<vmem>>
        %dma_start3A_1146 = arith.constant 0 : i32
        %dma_start3A_1147 = tpu.memref_slice %arg8[%dma_start3A_1139, %dma_start3A_1140, %dma_start3A_1146] : memref<4x5x80xi32, #tpu.memory_space<vmem>> -> memref<1x1x80xi32, #tpu.memory_space<vmem>>
        %dma_start3A_1148 = tpu.memref_squeeze %dma_start3A_1147 : memref<1x1x80xi32, #tpu.memory_space<vmem>> -> memref<80xi32, #tpu.memory_space<vmem>>
        %dma_start3A_1149 = arith.constant 0 : i32
        %dma_start3A_1150 = arith.constant 0 : i32
        %dma_start3A_1151 = tpu.memref_slice %arg2[%dma_start3A_1149, %dma_start3A_1150] : memref<10000x128xf32, #tpu.memory_space<hbm>> -> memref<10000x128xf32, #tpu.memory_space<hbm>>
        tpu.enqueue_indirect_dma source(%dma_start3A_1151 : memref<10000x128xf32, #tpu.memory_space<hbm>>) target(%dma_start3A_1145 : memref<80x128xf32, #tpu.memory_space<vmem>>) offsets(%dma_start3A_1148 : memref<80xi32, #tpu.memory_space<vmem>>) semaphore(%arg13 : memref<!tpu.dma_semaphore, #tpu.memory_space<semaphore_mem>>)
      } else {
      }
      %mul3A_637 = arith.constant 20 : i32
      %mul3A_638 = arith.muli %scan3A_219, %mul3A_637 : i32
      %add3A_639 = arith.constant 9 : i32
      %add3A_640 = arith.addi %mul3A_638, %add3A_639 : i32
      %dma_wait3A_641 = arith.constant 0 : i32
      %dma_wait3A_642 = arith.constant 0 : i32
      %dma_wait3A_643 = arith.constant 1 : i32
      %dma_wait3A_644 = arith.constant 0 : i32
      %dma_wait3A_645 = arith.constant 0 : i32
      %dma_wait3A_646 = tpu.memref_slice %arg10[%dma_wait3A_643, %dma_wait3A_644, %dma_wait3A_645] : memref<4x80x128xf32, #tpu.memory_space<vmem>> -> memref<1x80x128xf32, #tpu.memory_space<vmem>>
      %dma_wait3A_647 = tpu.memref_squeeze %dma_wait3A_646 : memref<1x80x128xf32, #tpu.memory_space<vmem>> -> memref<80x128xf32, #tpu.memory_space<vmem>>
      %dma_wait3A_648 = arith.constant 0 : i32
      %dma_wait3A_649 = tpu.memref_slice %arg8[%dma_wait3A_641, %dma_wait3A_642, %dma_wait3A_648] : memref<4x5x80xi32, #tpu.memory_space<vmem>> -> memref<1x1x80xi32, #tpu.memory_space<vmem>>
      %dma_wait3A_650 = tpu.memref_squeeze %dma_wait3A_649 : memref<1x1x80xi32, #tpu.memory_space<vmem>> -> memref<80xi32, #tpu.memory_space<vmem>>
      %dma_wait3A_651 = arith.constant 0 : i32
      %dma_wait3A_652 = arith.constant 0 : i32
      %dma_wait3A_653 = tpu.memref_slice %arg2[%dma_wait3A_651, %dma_wait3A_652] : memref<10000x128xf32, #tpu.memory_space<hbm>> -> memref<10000x128xf32, #tpu.memory_space<hbm>>
      tpu.wait_indirect_dma semaphore(%arg12 : memref<!tpu.dma_semaphore, #tpu.memory_space<semaphore_mem>>) src(%dma_wait3A_653 : memref<10000x128xf32, #tpu.memory_space<hbm>>) dst(%dma_wait3A_647 : memref<80x128xf32, #tpu.memory_space<vmem>>)
      %dma_start3A_654 = arith.constant 1 : i32
      %dma_start3A_655 = arith.constant 1 : i32
      %dma_start3A_656 = arith.constant 4 : i32
      %dma_start3A_657 = arith.constant 0 : i32
      %dma_start3A_658 = arith.constant 0 : i32
      %dma_start3A_659 = tpu.memref_slice %arg10[%dma_start3A_654, %dma_start3A_657, %dma_start3A_658] : memref<4x80x128xf32, #tpu.memory_space<vmem>> -> memref<1x80x128xf32, #tpu.memory_space<vmem>>
      %dma_start3A_660 = tpu.memref_squeeze %dma_start3A_659 : memref<1x80x128xf32, #tpu.memory_space<vmem>> -> memref<80x128xf32, #tpu.memory_space<vmem>>
      %dma_start3A_661 = arith.constant 0 : i32
      %dma_start3A_662 = tpu.memref_slice %arg9[%dma_start3A_655, %dma_start3A_656, %dma_start3A_661] : memref<4x5x80xi32, #tpu.memory_space<vmem>> -> memref<1x1x80xi32, #tpu.memory_space<vmem>>
      %dma_start3A_663 = tpu.memref_squeeze %dma_start3A_662 : memref<1x1x80xi32, #tpu.memory_space<vmem>> -> memref<80xi32, #tpu.memory_space<vmem>>
      %dma_start3A_664 = arith.constant 0 : i32
      %dma_start3A_665 = arith.constant 0 : i32
      %dma_start3A_666 = tpu.memref_slice %arg7[%dma_start3A_664, %dma_start3A_665] : memref<10000x128xf32, #tpu.memory_space<vmem_shared>> -> memref<10000x128xf32, #tpu.memory_space<vmem_shared>>
      tpu.enqueue_indirect_dma source(%dma_start3A_660 : memref<80x128xf32, #tpu.memory_space<vmem>>) target(%dma_start3A_666 : memref<10000x128xf32, #tpu.memory_space<vmem_shared>>) offsets(%dma_start3A_663 : memref<80xi32, #tpu.memory_space<vmem>>) semaphore(%arg16 : memref<!tpu.dma_semaphore, #tpu.memory_space<semaphore_mem>>) {add = true}
      %ge3A_667 = arith.constant 2 : i32
      %ge3A_668 = arith.cmpi sge, %add3A_640, %ge3A_667 : i32
      %convert_element_type3A_669 = arith.extui %ge3A_668 : i1 to i32
      %cond3A_670 = arith.constant 0 : i32
      %cond3A_671 = arith.cmpi ne, %convert_element_type3A_669, %cond3A_670 : i32
      scf.if %cond3A_671 {
        %dma_wait3A_1139 = arith.constant 3 : i32
        %dma_wait3A_1140 = arith.constant 0 : i32
        %dma_wait3A_1141 = arith.constant 0 : i32
        %dma_wait3A_1142 = arith.constant 0 : i32
        %dma_wait3A_1143 = arith.constant 0 : i32
        %dma_wait3A_1144 = tpu.memref_slice %arg10[%dma_wait3A_1139, %dma_wait3A_1142, %dma_wait3A_1143] : memref<4x80x128xf32, #tpu.memory_space<vmem>> -> memref<1x80x128xf32, #tpu.memory_space<vmem>>
        %dma_wait3A_1145 = tpu.memref_squeeze %dma_wait3A_1144 : memref<1x80x128xf32, #tpu.memory_space<vmem>> -> memref<80x128xf32, #tpu.memory_space<vmem>>
        %dma_wait3A_1146 = arith.constant 0 : i32
        %dma_wait3A_1147 = tpu.memref_slice %arg9[%dma_wait3A_1140, %dma_wait3A_1141, %dma_wait3A_1146] : memref<4x5x80xi32, #tpu.memory_space<vmem>> -> memref<1x1x80xi32, #tpu.memory_space<vmem>>
        %dma_wait3A_1148 = tpu.memref_squeeze %dma_wait3A_1147 : memref<1x1x80xi32, #tpu.memory_space<vmem>> -> memref<80xi32, #tpu.memory_space<vmem>>
        %dma_wait3A_1149 = arith.constant 0 : i32
        %dma_wait3A_1150 = arith.constant 0 : i32
        %dma_wait3A_1151 = tpu.memref_slice %arg7[%dma_wait3A_1149, %dma_wait3A_1150] : memref<10000x128xf32, #tpu.memory_space<vmem_shared>> -> memref<10000x128xf32, #tpu.memory_space<vmem_shared>>
        tpu.wait_indirect_dma semaphore(%arg18 : memref<!tpu.dma_semaphore, #tpu.memory_space<semaphore_mem>>) src(%dma_wait3A_1145 : memref<80x128xf32, #tpu.memory_space<vmem>>) dst(%dma_wait3A_1151 : memref<10000x128xf32, #tpu.memory_space<vmem_shared>>)
      } else {
      }
      %add3A_672 = arith.constant 2 : i32
      %add3A_673 = arith.addi %add3A_640, %add3A_672 : i32
      %lt3A_674 = arith.constant 500 : i32
      %lt3A_675 = arith.cmpi slt, %add3A_673, %lt3A_674 : i32
      %convert_element_type3A_676 = arith.extui %lt3A_675 : i1 to i32
      %cond3A_677 = arith.constant 0 : i32
      %cond3A_678 = arith.cmpi ne, %convert_element_type3A_676, %cond3A_677 : i32
      scf.if %cond3A_678 {
        %dma_start3A_1139 = arith.constant 2 : i32
        %dma_start3A_1140 = arith.constant 1 : i32
        %dma_start3A_1141 = arith.constant 3 : i32
        %dma_start3A_1142 = arith.constant 0 : i32
        %dma_start3A_1143 = arith.constant 0 : i32
        %dma_start3A_1144 = tpu.memref_slice %arg10[%dma_start3A_1141, %dma_start3A_1142, %dma_start3A_1143] : memref<4x80x128xf32, #tpu.memory_space<vmem>> -> memref<1x80x128xf32, #tpu.memory_space<vmem>>
        %dma_start3A_1145 = tpu.memref_squeeze %dma_start3A_1144 : memref<1x80x128xf32, #tpu.memory_space<vmem>> -> memref<80x128xf32, #tpu.memory_space<vmem>>
        %dma_start3A_1146 = arith.constant 0 : i32
        %dma_start3A_1147 = tpu.memref_slice %arg8[%dma_start3A_1139, %dma_start3A_1140, %dma_start3A_1146] : memref<4x5x80xi32, #tpu.memory_space<vmem>> -> memref<1x1x80xi32, #tpu.memory_space<vmem>>
        %dma_start3A_1148 = tpu.memref_squeeze %dma_start3A_1147 : memref<1x1x80xi32, #tpu.memory_space<vmem>> -> memref<80xi32, #tpu.memory_space<vmem>>
        %dma_start3A_1149 = arith.constant 0 : i32
        %dma_start3A_1150 = arith.constant 0 : i32
        %dma_start3A_1151 = tpu.memref_slice %arg2[%dma_start3A_1149, %dma_start3A_1150] : memref<10000x128xf32, #tpu.memory_space<hbm>> -> memref<10000x128xf32, #tpu.memory_space<hbm>>
        tpu.enqueue_indirect_dma source(%dma_start3A_1151 : memref<10000x128xf32, #tpu.memory_space<hbm>>) target(%dma_start3A_1145 : memref<80x128xf32, #tpu.memory_space<vmem>>) offsets(%dma_start3A_1148 : memref<80xi32, #tpu.memory_space<vmem>>) semaphore(%arg14 : memref<!tpu.dma_semaphore, #tpu.memory_space<semaphore_mem>>)
      } else {
      }
      %mul3A_679 = arith.constant 20 : i32
      %mul3A_680 = arith.muli %scan3A_219, %mul3A_679 : i32
      %add3A_681 = arith.constant 10 : i32
      %add3A_682 = arith.addi %mul3A_680, %add3A_681 : i32
      %mul3A_683 = arith.constant 4 : i32
      %mul3A_684 = arith.muli %mul3A_683, %scan3A_219 : i32
      %add3A_685 = arith.constant 3 : i32
      %add3A_686 = arith.addi %mul3A_684, %add3A_685 : i32
      %add3A_687 = arith.constant 2 : i32
      %add3A_688 = arith.addi %add3A_686, %add3A_687 : i32
      %lt3A_689 = arith.constant 100 : i32
      %lt3A_690 = arith.cmpi slt, %add3A_688, %lt3A_689 : i32
      %convert_element_type3A_691 = arith.extui %lt3A_690 : i1 to i32
      %cond3A_692 = arith.constant 0 : i32
      %cond3A_693 = arith.cmpi ne, %convert_element_type3A_691, %cond3A_692 : i32
      scf.if %cond3A_693 {
        %dma_start3A_1139 = arith.constant 1 : i32
        %dma_start3A_1140 = arith.constant 0 : i32
        %dma_start3A_1141 = arith.constant 0 : i32
        %dma_start3A_1142 = tpu.memref_slice %arg8[%dma_start3A_1139, %dma_start3A_1140, %dma_start3A_1141] : memref<4x5x80xi32, #tpu.memory_space<vmem>> -> memref<1x5x80xi32, #tpu.memory_space<vmem>>
        %dma_start3A_1143 = tpu.memref_squeeze %dma_start3A_1142 : memref<1x5x80xi32, #tpu.memory_space<vmem>> -> memref<5x80xi32, #tpu.memory_space<vmem>>
        %dma_start3A_1144 = arith.constant 0 : i32
        %dma_start3A_1145 = arith.constant 0 : i32
        %dma_start3A_1146 = tpu.memref_slice %arg3[%add3A, %add3A_688, %dma_start3A_1144, %dma_start3A_1145] : memref<32x100x5x80xi32, #tpu.memory_space<hbm>> -> memref<1x1x5x80xi32, #tpu.memory_space<hbm>>
        %dma_start3A_1147 = tpu.memref_squeeze %dma_start3A_1146 : memref<1x1x5x80xi32, #tpu.memory_space<hbm>> -> memref<5x80xi32, #tpu.memory_space<hbm>>
        %dma_start3A_1148 = arith.constant 0 : i32
        %dma_start3A_1149 = arith.constant 0 : i32
        %dma_start3A_1150 = tpu.memref_slice %arg8[%dma_start3A_1139, %dma_start3A_1148, %dma_start3A_1149] : memref<4x5x80xi32, #tpu.memory_space<vmem>> -> memref<1x5x80xi32, #tpu.memory_space<vmem>>
        %dma_start3A_1151 = tpu.memref_squeeze %dma_start3A_1150 : memref<1x5x80xi32, #tpu.memory_space<vmem>> -> memref<5x80xi32, #tpu.memory_space<vmem>>
        %dma_start3A_1152 = arith.constant 0 : i32
        %dma_start3A_1153 = arith.constant 0 : i32
        %dma_start3A_1154 = tpu.memref_slice %arg3[%add3A, %add3A_688, %dma_start3A_1152, %dma_start3A_1153] : memref<32x100x5x80xi32, #tpu.memory_space<hbm>> -> memref<1x1x5x80xi32, #tpu.memory_space<hbm>>
        %dma_start3A_1155 = tpu.memref_squeeze %dma_start3A_1154 : memref<1x1x5x80xi32, #tpu.memory_space<hbm>> -> memref<5x80xi32, #tpu.memory_space<hbm>>
        tpu.enqueue_dma source(%dma_start3A_1155 : memref<5x80xi32, #tpu.memory_space<hbm>>) target(%dma_start3A_1151 : memref<5x80xi32, #tpu.memory_space<vmem>>) target_semaphore(%arg20 : memref<!tpu.dma_semaphore, #tpu.memory_space<semaphore_mem>>)
        %dma_start3A_1156 = arith.constant 1 : i32
        %dma_start3A_1157 = arith.constant 0 : i32
        %dma_start3A_1158 = arith.constant 0 : i32
        %dma_start3A_1159 = tpu.memref_slice %arg9[%dma_start3A_1156, %dma_start3A_1157, %dma_start3A_1158] : memref<4x5x80xi32, #tpu.memory_space<vmem>> -> memref<1x5x80xi32, #tpu.memory_space<vmem>>
        %dma_start3A_1160 = tpu.memref_squeeze %dma_start3A_1159 : memref<1x5x80xi32, #tpu.memory_space<vmem>> -> memref<5x80xi32, #tpu.memory_space<vmem>>
        %dma_start3A_1161 = arith.constant 0 : i32
        %dma_start3A_1162 = arith.constant 0 : i32
        %dma_start3A_1163 = tpu.memref_slice %arg4[%add3A, %add3A_688, %dma_start3A_1161, %dma_start3A_1162] : memref<32x100x5x80xi32, #tpu.memory_space<hbm>> -> memref<1x1x5x80xi32, #tpu.memory_space<hbm>>
        %dma_start3A_1164 = tpu.memref_squeeze %dma_start3A_1163 : memref<1x1x5x80xi32, #tpu.memory_space<hbm>> -> memref<5x80xi32, #tpu.memory_space<hbm>>
        %dma_start3A_1165 = arith.constant 0 : i32
        %dma_start3A_1166 = arith.constant 0 : i32
        %dma_start3A_1167 = tpu.memref_slice %arg9[%dma_start3A_1156, %dma_start3A_1165, %dma_start3A_1166] : memref<4x5x80xi32, #tpu.memory_space<vmem>> -> memref<1x5x80xi32, #tpu.memory_space<vmem>>
        %dma_start3A_1168 = tpu.memref_squeeze %dma_start3A_1167 : memref<1x5x80xi32, #tpu.memory_space<vmem>> -> memref<5x80xi32, #tpu.memory_space<vmem>>
        %dma_start3A_1169 = arith.constant 0 : i32
        %dma_start3A_1170 = arith.constant 0 : i32
        %dma_start3A_1171 = tpu.memref_slice %arg4[%add3A, %add3A_688, %dma_start3A_1169, %dma_start3A_1170] : memref<32x100x5x80xi32, #tpu.memory_space<hbm>> -> memref<1x1x5x80xi32, #tpu.memory_space<hbm>>
        %dma_start3A_1172 = tpu.memref_squeeze %dma_start3A_1171 : memref<1x1x5x80xi32, #tpu.memory_space<hbm>> -> memref<5x80xi32, #tpu.memory_space<hbm>>
        tpu.enqueue_dma source(%dma_start3A_1172 : memref<5x80xi32, #tpu.memory_space<hbm>>) target(%dma_start3A_1168 : memref<5x80xi32, #tpu.memory_space<vmem>>) target_semaphore(%arg20 : memref<!tpu.dma_semaphore, #tpu.memory_space<semaphore_mem>>)
      } else {
      }
      %dma_wait3A_694 = arith.constant 0 : i32
      %dma_wait3A_695 = arith.constant 0 : i32
      %dma_wait3A_696 = arith.constant 2 : i32
      %dma_wait3A_697 = arith.constant 0 : i32
      %dma_wait3A_698 = arith.constant 0 : i32
      %dma_wait3A_699 = tpu.memref_slice %arg10[%dma_wait3A_696, %dma_wait3A_697, %dma_wait3A_698] : memref<4x80x128xf32, #tpu.memory_space<vmem>> -> memref<1x80x128xf32, #tpu.memory_space<vmem>>
      %dma_wait3A_700 = tpu.memref_squeeze %dma_wait3A_699 : memref<1x80x128xf32, #tpu.memory_space<vmem>> -> memref<80x128xf32, #tpu.memory_space<vmem>>
      %dma_wait3A_701 = arith.constant 0 : i32
      %dma_wait3A_702 = tpu.memref_slice %arg8[%dma_wait3A_694, %dma_wait3A_695, %dma_wait3A_701] : memref<4x5x80xi32, #tpu.memory_space<vmem>> -> memref<1x1x80xi32, #tpu.memory_space<vmem>>
      %dma_wait3A_703 = tpu.memref_squeeze %dma_wait3A_702 : memref<1x1x80xi32, #tpu.memory_space<vmem>> -> memref<80xi32, #tpu.memory_space<vmem>>
      %dma_wait3A_704 = arith.constant 0 : i32
      %dma_wait3A_705 = arith.constant 0 : i32
      %dma_wait3A_706 = tpu.memref_slice %arg2[%dma_wait3A_704, %dma_wait3A_705] : memref<10000x128xf32, #tpu.memory_space<hbm>> -> memref<10000x128xf32, #tpu.memory_space<hbm>>
      tpu.wait_indirect_dma semaphore(%arg13 : memref<!tpu.dma_semaphore, #tpu.memory_space<semaphore_mem>>) src(%dma_wait3A_706 : memref<10000x128xf32, #tpu.memory_space<hbm>>) dst(%dma_wait3A_700 : memref<80x128xf32, #tpu.memory_space<vmem>>)
      %dma_start3A_707 = arith.constant 2 : i32
      %dma_start3A_708 = arith.constant 2 : i32
      %dma_start3A_709 = arith.constant 0 : i32
      %dma_start3A_710 = arith.constant 0 : i32
      %dma_start3A_711 = arith.constant 0 : i32
      %dma_start3A_712 = tpu.memref_slice %arg10[%dma_start3A_707, %dma_start3A_710, %dma_start3A_711] : memref<4x80x128xf32, #tpu.memory_space<vmem>> -> memref<1x80x128xf32, #tpu.memory_space<vmem>>
      %dma_start3A_713 = tpu.memref_squeeze %dma_start3A_712 : memref<1x80x128xf32, #tpu.memory_space<vmem>> -> memref<80x128xf32, #tpu.memory_space<vmem>>
      %dma_start3A_714 = arith.constant 0 : i32
      %dma_start3A_715 = tpu.memref_slice %arg9[%dma_start3A_708, %dma_start3A_709, %dma_start3A_714] : memref<4x5x80xi32, #tpu.memory_space<vmem>> -> memref<1x1x80xi32, #tpu.memory_space<vmem>>
      %dma_start3A_716 = tpu.memref_squeeze %dma_start3A_715 : memref<1x1x80xi32, #tpu.memory_space<vmem>> -> memref<80xi32, #tpu.memory_space<vmem>>
      %dma_start3A_717 = arith.constant 0 : i32
      %dma_start3A_718 = arith.constant 0 : i32
      %dma_start3A_719 = tpu.memref_slice %arg7[%dma_start3A_717, %dma_start3A_718] : memref<10000x128xf32, #tpu.memory_space<vmem_shared>> -> memref<10000x128xf32, #tpu.memory_space<vmem_shared>>
      tpu.enqueue_indirect_dma source(%dma_start3A_713 : memref<80x128xf32, #tpu.memory_space<vmem>>) target(%dma_start3A_719 : memref<10000x128xf32, #tpu.memory_space<vmem_shared>>) offsets(%dma_start3A_716 : memref<80xi32, #tpu.memory_space<vmem>>) semaphore(%arg17 : memref<!tpu.dma_semaphore, #tpu.memory_space<semaphore_mem>>) {add = true}
      %ge3A_720 = arith.constant 2 : i32
      %ge3A_721 = arith.cmpi sge, %add3A_682, %ge3A_720 : i32
      %convert_element_type3A_722 = arith.extui %ge3A_721 : i1 to i32
      %cond3A_723 = arith.constant 0 : i32
      %cond3A_724 = arith.cmpi ne, %convert_element_type3A_722, %cond3A_723 : i32
      scf.if %cond3A_724 {
        %dma_wait3A_1139 = arith.constant 0 : i32
        %dma_wait3A_1140 = arith.constant 0 : i32
        %dma_wait3A_1141 = arith.constant 0 : i32
        %dma_wait3A_1142 = arith.constant 0 : i32
        %dma_wait3A_1143 = arith.constant 0 : i32
        %dma_wait3A_1144 = tpu.memref_slice %arg10[%dma_wait3A_1139, %dma_wait3A_1142, %dma_wait3A_1143] : memref<4x80x128xf32, #tpu.memory_space<vmem>> -> memref<1x80x128xf32, #tpu.memory_space<vmem>>
        %dma_wait3A_1145 = tpu.memref_squeeze %dma_wait3A_1144 : memref<1x80x128xf32, #tpu.memory_space<vmem>> -> memref<80x128xf32, #tpu.memory_space<vmem>>
        %dma_wait3A_1146 = arith.constant 0 : i32
        %dma_wait3A_1147 = tpu.memref_slice %arg9[%dma_wait3A_1140, %dma_wait3A_1141, %dma_wait3A_1146] : memref<4x5x80xi32, #tpu.memory_space<vmem>> -> memref<1x1x80xi32, #tpu.memory_space<vmem>>
        %dma_wait3A_1148 = tpu.memref_squeeze %dma_wait3A_1147 : memref<1x1x80xi32, #tpu.memory_space<vmem>> -> memref<80xi32, #tpu.memory_space<vmem>>
        %dma_wait3A_1149 = arith.constant 0 : i32
        %dma_wait3A_1150 = arith.constant 0 : i32
        %dma_wait3A_1151 = tpu.memref_slice %arg7[%dma_wait3A_1149, %dma_wait3A_1150] : memref<10000x128xf32, #tpu.memory_space<vmem_shared>> -> memref<10000x128xf32, #tpu.memory_space<vmem_shared>>
        tpu.wait_indirect_dma semaphore(%arg15 : memref<!tpu.dma_semaphore, #tpu.memory_space<semaphore_mem>>) src(%dma_wait3A_1145 : memref<80x128xf32, #tpu.memory_space<vmem>>) dst(%dma_wait3A_1151 : memref<10000x128xf32, #tpu.memory_space<vmem_shared>>)
      } else {
      }
      %add3A_725 = arith.constant 2 : i32
      %add3A_726 = arith.addi %add3A_682, %add3A_725 : i32
      %lt3A_727 = arith.constant 500 : i32
      %lt3A_728 = arith.cmpi slt, %add3A_726, %lt3A_727 : i32
      %convert_element_type3A_729 = arith.extui %lt3A_728 : i1 to i32
      %cond3A_730 = arith.constant 0 : i32
      %cond3A_731 = arith.cmpi ne, %convert_element_type3A_729, %cond3A_730 : i32
      scf.if %cond3A_731 {
        %dma_start3A_1139 = arith.constant 2 : i32
        %dma_start3A_1140 = arith.constant 2 : i32
        %dma_start3A_1141 = arith.constant 0 : i32
        %dma_start3A_1142 = arith.constant 0 : i32
        %dma_start3A_1143 = arith.constant 0 : i32
        %dma_start3A_1144 = tpu.memref_slice %arg10[%dma_start3A_1141, %dma_start3A_1142, %dma_start3A_1143] : memref<4x80x128xf32, #tpu.memory_space<vmem>> -> memref<1x80x128xf32, #tpu.memory_space<vmem>>
        %dma_start3A_1145 = tpu.memref_squeeze %dma_start3A_1144 : memref<1x80x128xf32, #tpu.memory_space<vmem>> -> memref<80x128xf32, #tpu.memory_space<vmem>>
        %dma_start3A_1146 = arith.constant 0 : i32
        %dma_start3A_1147 = tpu.memref_slice %arg8[%dma_start3A_1139, %dma_start3A_1140, %dma_start3A_1146] : memref<4x5x80xi32, #tpu.memory_space<vmem>> -> memref<1x1x80xi32, #tpu.memory_space<vmem>>
        %dma_start3A_1148 = tpu.memref_squeeze %dma_start3A_1147 : memref<1x1x80xi32, #tpu.memory_space<vmem>> -> memref<80xi32, #tpu.memory_space<vmem>>
        %dma_start3A_1149 = arith.constant 0 : i32
        %dma_start3A_1150 = arith.constant 0 : i32
        %dma_start3A_1151 = tpu.memref_slice %arg2[%dma_start3A_1149, %dma_start3A_1150] : memref<10000x128xf32, #tpu.memory_space<hbm>> -> memref<10000x128xf32, #tpu.memory_space<hbm>>
        tpu.enqueue_indirect_dma source(%dma_start3A_1151 : memref<10000x128xf32, #tpu.memory_space<hbm>>) target(%dma_start3A_1145 : memref<80x128xf32, #tpu.memory_space<vmem>>) offsets(%dma_start3A_1148 : memref<80xi32, #tpu.memory_space<vmem>>) semaphore(%arg11 : memref<!tpu.dma_semaphore, #tpu.memory_space<semaphore_mem>>)
      } else {
      }
      %mul3A_732 = arith.constant 20 : i32
      %mul3A_733 = arith.muli %scan3A_219, %mul3A_732 : i32
      %add3A_734 = arith.constant 11 : i32
      %add3A_735 = arith.addi %mul3A_733, %add3A_734 : i32
      %dma_wait3A_736 = arith.constant 0 : i32
      %dma_wait3A_737 = arith.constant 0 : i32
      %dma_wait3A_738 = arith.constant 3 : i32
      %dma_wait3A_739 = arith.constant 0 : i32
      %dma_wait3A_740 = arith.constant 0 : i32
      %dma_wait3A_741 = tpu.memref_slice %arg10[%dma_wait3A_738, %dma_wait3A_739, %dma_wait3A_740] : memref<4x80x128xf32, #tpu.memory_space<vmem>> -> memref<1x80x128xf32, #tpu.memory_space<vmem>>
      %dma_wait3A_742 = tpu.memref_squeeze %dma_wait3A_741 : memref<1x80x128xf32, #tpu.memory_space<vmem>> -> memref<80x128xf32, #tpu.memory_space<vmem>>
      %dma_wait3A_743 = arith.constant 0 : i32
      %dma_wait3A_744 = tpu.memref_slice %arg8[%dma_wait3A_736, %dma_wait3A_737, %dma_wait3A_743] : memref<4x5x80xi32, #tpu.memory_space<vmem>> -> memref<1x1x80xi32, #tpu.memory_space<vmem>>
      %dma_wait3A_745 = tpu.memref_squeeze %dma_wait3A_744 : memref<1x1x80xi32, #tpu.memory_space<vmem>> -> memref<80xi32, #tpu.memory_space<vmem>>
      %dma_wait3A_746 = arith.constant 0 : i32
      %dma_wait3A_747 = arith.constant 0 : i32
      %dma_wait3A_748 = tpu.memref_slice %arg2[%dma_wait3A_746, %dma_wait3A_747] : memref<10000x128xf32, #tpu.memory_space<hbm>> -> memref<10000x128xf32, #tpu.memory_space<hbm>>
      tpu.wait_indirect_dma semaphore(%arg14 : memref<!tpu.dma_semaphore, #tpu.memory_space<semaphore_mem>>) src(%dma_wait3A_748 : memref<10000x128xf32, #tpu.memory_space<hbm>>) dst(%dma_wait3A_742 : memref<80x128xf32, #tpu.memory_space<vmem>>)
      %dma_start3A_749 = arith.constant 3 : i32
      %dma_start3A_750 = arith.constant 2 : i32
      %dma_start3A_751 = arith.constant 1 : i32
      %dma_start3A_752 = arith.constant 0 : i32
      %dma_start3A_753 = arith.constant 0 : i32
      %dma_start3A_754 = tpu.memref_slice %arg10[%dma_start3A_749, %dma_start3A_752, %dma_start3A_753] : memref<4x80x128xf32, #tpu.memory_space<vmem>> -> memref<1x80x128xf32, #tpu.memory_space<vmem>>
      %dma_start3A_755 = tpu.memref_squeeze %dma_start3A_754 : memref<1x80x128xf32, #tpu.memory_space<vmem>> -> memref<80x128xf32, #tpu.memory_space<vmem>>
      %dma_start3A_756 = arith.constant 0 : i32
      %dma_start3A_757 = tpu.memref_slice %arg9[%dma_start3A_750, %dma_start3A_751, %dma_start3A_756] : memref<4x5x80xi32, #tpu.memory_space<vmem>> -> memref<1x1x80xi32, #tpu.memory_space<vmem>>
      %dma_start3A_758 = tpu.memref_squeeze %dma_start3A_757 : memref<1x1x80xi32, #tpu.memory_space<vmem>> -> memref<80xi32, #tpu.memory_space<vmem>>
      %dma_start3A_759 = arith.constant 0 : i32
      %dma_start3A_760 = arith.constant 0 : i32
      %dma_start3A_761 = tpu.memref_slice %arg7[%dma_start3A_759, %dma_start3A_760] : memref<10000x128xf32, #tpu.memory_space<vmem_shared>> -> memref<10000x128xf32, #tpu.memory_space<vmem_shared>>
      tpu.enqueue_indirect_dma source(%dma_start3A_755 : memref<80x128xf32, #tpu.memory_space<vmem>>) target(%dma_start3A_761 : memref<10000x128xf32, #tpu.memory_space<vmem_shared>>) offsets(%dma_start3A_758 : memref<80xi32, #tpu.memory_space<vmem>>) semaphore(%arg18 : memref<!tpu.dma_semaphore, #tpu.memory_space<semaphore_mem>>) {add = true}
      %ge3A_762 = arith.constant 2 : i32
      %ge3A_763 = arith.cmpi sge, %add3A_735, %ge3A_762 : i32
      %convert_element_type3A_764 = arith.extui %ge3A_763 : i1 to i32
      %cond3A_765 = arith.constant 0 : i32
      %cond3A_766 = arith.cmpi ne, %convert_element_type3A_764, %cond3A_765 : i32
      scf.if %cond3A_766 {
        %dma_wait3A_1139 = arith.constant 1 : i32
        %dma_wait3A_1140 = arith.constant 0 : i32
        %dma_wait3A_1141 = arith.constant 0 : i32
        %dma_wait3A_1142 = arith.constant 0 : i32
        %dma_wait3A_1143 = arith.constant 0 : i32
        %dma_wait3A_1144 = tpu.memref_slice %arg10[%dma_wait3A_1139, %dma_wait3A_1142, %dma_wait3A_1143] : memref<4x80x128xf32, #tpu.memory_space<vmem>> -> memref<1x80x128xf32, #tpu.memory_space<vmem>>
        %dma_wait3A_1145 = tpu.memref_squeeze %dma_wait3A_1144 : memref<1x80x128xf32, #tpu.memory_space<vmem>> -> memref<80x128xf32, #tpu.memory_space<vmem>>
        %dma_wait3A_1146 = arith.constant 0 : i32
        %dma_wait3A_1147 = tpu.memref_slice %arg9[%dma_wait3A_1140, %dma_wait3A_1141, %dma_wait3A_1146] : memref<4x5x80xi32, #tpu.memory_space<vmem>> -> memref<1x1x80xi32, #tpu.memory_space<vmem>>
        %dma_wait3A_1148 = tpu.memref_squeeze %dma_wait3A_1147 : memref<1x1x80xi32, #tpu.memory_space<vmem>> -> memref<80xi32, #tpu.memory_space<vmem>>
        %dma_wait3A_1149 = arith.constant 0 : i32
        %dma_wait3A_1150 = arith.constant 0 : i32
        %dma_wait3A_1151 = tpu.memref_slice %arg7[%dma_wait3A_1149, %dma_wait3A_1150] : memref<10000x128xf32, #tpu.memory_space<vmem_shared>> -> memref<10000x128xf32, #tpu.memory_space<vmem_shared>>
        tpu.wait_indirect_dma semaphore(%arg16 : memref<!tpu.dma_semaphore, #tpu.memory_space<semaphore_mem>>) src(%dma_wait3A_1145 : memref<80x128xf32, #tpu.memory_space<vmem>>) dst(%dma_wait3A_1151 : memref<10000x128xf32, #tpu.memory_space<vmem_shared>>)
      } else {
      }
      %add3A_767 = arith.constant 2 : i32
      %add3A_768 = arith.addi %add3A_735, %add3A_767 : i32
      %lt3A_769 = arith.constant 500 : i32
      %lt3A_770 = arith.cmpi slt, %add3A_768, %lt3A_769 : i32
      %convert_element_type3A_771 = arith.extui %lt3A_770 : i1 to i32
      %cond3A_772 = arith.constant 0 : i32
      %cond3A_773 = arith.cmpi ne, %convert_element_type3A_771, %cond3A_772 : i32
      scf.if %cond3A_773 {
        %dma_start3A_1139 = arith.constant 2 : i32
        %dma_start3A_1140 = arith.constant 3 : i32
        %dma_start3A_1141 = arith.constant 1 : i32
        %dma_start3A_1142 = arith.constant 0 : i32
        %dma_start3A_1143 = arith.constant 0 : i32
        %dma_start3A_1144 = tpu.memref_slice %arg10[%dma_start3A_1141, %dma_start3A_1142, %dma_start3A_1143] : memref<4x80x128xf32, #tpu.memory_space<vmem>> -> memref<1x80x128xf32, #tpu.memory_space<vmem>>
        %dma_start3A_1145 = tpu.memref_squeeze %dma_start3A_1144 : memref<1x80x128xf32, #tpu.memory_space<vmem>> -> memref<80x128xf32, #tpu.memory_space<vmem>>
        %dma_start3A_1146 = arith.constant 0 : i32
        %dma_start3A_1147 = tpu.memref_slice %arg8[%dma_start3A_1139, %dma_start3A_1140, %dma_start3A_1146] : memref<4x5x80xi32, #tpu.memory_space<vmem>> -> memref<1x1x80xi32, #tpu.memory_space<vmem>>
        %dma_start3A_1148 = tpu.memref_squeeze %dma_start3A_1147 : memref<1x1x80xi32, #tpu.memory_space<vmem>> -> memref<80xi32, #tpu.memory_space<vmem>>
        %dma_start3A_1149 = arith.constant 0 : i32
        %dma_start3A_1150 = arith.constant 0 : i32
        %dma_start3A_1151 = tpu.memref_slice %arg2[%dma_start3A_1149, %dma_start3A_1150] : memref<10000x128xf32, #tpu.memory_space<hbm>> -> memref<10000x128xf32, #tpu.memory_space<hbm>>
        tpu.enqueue_indirect_dma source(%dma_start3A_1151 : memref<10000x128xf32, #tpu.memory_space<hbm>>) target(%dma_start3A_1145 : memref<80x128xf32, #tpu.memory_space<vmem>>) offsets(%dma_start3A_1148 : memref<80xi32, #tpu.memory_space<vmem>>) semaphore(%arg12 : memref<!tpu.dma_semaphore, #tpu.memory_space<semaphore_mem>>)
      } else {
      }
      %mul3A_774 = arith.constant 20 : i32
      %mul3A_775 = arith.muli %scan3A_219, %mul3A_774 : i32
      %add3A_776 = arith.constant 12 : i32
      %add3A_777 = arith.addi %mul3A_775, %add3A_776 : i32
      %dma_wait3A_778 = arith.constant 0 : i32
      %dma_wait3A_779 = arith.constant 0 : i32
      %dma_wait3A_780 = arith.constant 0 : i32
      %dma_wait3A_781 = arith.constant 0 : i32
      %dma_wait3A_782 = arith.constant 0 : i32
      %dma_wait3A_783 = tpu.memref_slice %arg10[%dma_wait3A_780, %dma_wait3A_781, %dma_wait3A_782] : memref<4x80x128xf32, #tpu.memory_space<vmem>> -> memref<1x80x128xf32, #tpu.memory_space<vmem>>
      %dma_wait3A_784 = tpu.memref_squeeze %dma_wait3A_783 : memref<1x80x128xf32, #tpu.memory_space<vmem>> -> memref<80x128xf32, #tpu.memory_space<vmem>>
      %dma_wait3A_785 = arith.constant 0 : i32
      %dma_wait3A_786 = tpu.memref_slice %arg8[%dma_wait3A_778, %dma_wait3A_779, %dma_wait3A_785] : memref<4x5x80xi32, #tpu.memory_space<vmem>> -> memref<1x1x80xi32, #tpu.memory_space<vmem>>
      %dma_wait3A_787 = tpu.memref_squeeze %dma_wait3A_786 : memref<1x1x80xi32, #tpu.memory_space<vmem>> -> memref<80xi32, #tpu.memory_space<vmem>>
      %dma_wait3A_788 = arith.constant 0 : i32
      %dma_wait3A_789 = arith.constant 0 : i32
      %dma_wait3A_790 = tpu.memref_slice %arg2[%dma_wait3A_788, %dma_wait3A_789] : memref<10000x128xf32, #tpu.memory_space<hbm>> -> memref<10000x128xf32, #tpu.memory_space<hbm>>
      tpu.wait_indirect_dma semaphore(%arg11 : memref<!tpu.dma_semaphore, #tpu.memory_space<semaphore_mem>>) src(%dma_wait3A_790 : memref<10000x128xf32, #tpu.memory_space<hbm>>) dst(%dma_wait3A_784 : memref<80x128xf32, #tpu.memory_space<vmem>>)
      %dma_start3A_791 = arith.constant 0 : i32
      %dma_start3A_792 = arith.constant 2 : i32
      %dma_start3A_793 = arith.constant 2 : i32
      %dma_start3A_794 = arith.constant 0 : i32
      %dma_start3A_795 = arith.constant 0 : i32
      %dma_start3A_796 = tpu.memref_slice %arg10[%dma_start3A_791, %dma_start3A_794, %dma_start3A_795] : memref<4x80x128xf32, #tpu.memory_space<vmem>> -> memref<1x80x128xf32, #tpu.memory_space<vmem>>
      %dma_start3A_797 = tpu.memref_squeeze %dma_start3A_796 : memref<1x80x128xf32, #tpu.memory_space<vmem>> -> memref<80x128xf32, #tpu.memory_space<vmem>>
      %dma_start3A_798 = arith.constant 0 : i32
      %dma_start3A_799 = tpu.memref_slice %arg9[%dma_start3A_792, %dma_start3A_793, %dma_start3A_798] : memref<4x5x80xi32, #tpu.memory_space<vmem>> -> memref<1x1x80xi32, #tpu.memory_space<vmem>>
      %dma_start3A_800 = tpu.memref_squeeze %dma_start3A_799 : memref<1x1x80xi32, #tpu.memory_space<vmem>> -> memref<80xi32, #tpu.memory_space<vmem>>
      %dma_start3A_801 = arith.constant 0 : i32
      %dma_start3A_802 = arith.constant 0 : i32
      %dma_start3A_803 = tpu.memref_slice %arg7[%dma_start3A_801, %dma_start3A_802] : memref<10000x128xf32, #tpu.memory_space<vmem_shared>> -> memref<10000x128xf32, #tpu.memory_space<vmem_shared>>
      tpu.enqueue_indirect_dma source(%dma_start3A_797 : memref<80x128xf32, #tpu.memory_space<vmem>>) target(%dma_start3A_803 : memref<10000x128xf32, #tpu.memory_space<vmem_shared>>) offsets(%dma_start3A_800 : memref<80xi32, #tpu.memory_space<vmem>>) semaphore(%arg15 : memref<!tpu.dma_semaphore, #tpu.memory_space<semaphore_mem>>) {add = true}
      %ge3A_804 = arith.constant 2 : i32
      %ge3A_805 = arith.cmpi sge, %add3A_777, %ge3A_804 : i32
      %convert_element_type3A_806 = arith.extui %ge3A_805 : i1 to i32
      %cond3A_807 = arith.constant 0 : i32
      %cond3A_808 = arith.cmpi ne, %convert_element_type3A_806, %cond3A_807 : i32
      scf.if %cond3A_808 {
        %dma_wait3A_1139 = arith.constant 2 : i32
        %dma_wait3A_1140 = arith.constant 0 : i32
        %dma_wait3A_1141 = arith.constant 0 : i32
        %dma_wait3A_1142 = arith.constant 0 : i32
        %dma_wait3A_1143 = arith.constant 0 : i32
        %dma_wait3A_1144 = tpu.memref_slice %arg10[%dma_wait3A_1139, %dma_wait3A_1142, %dma_wait3A_1143] : memref<4x80x128xf32, #tpu.memory_space<vmem>> -> memref<1x80x128xf32, #tpu.memory_space<vmem>>
        %dma_wait3A_1145 = tpu.memref_squeeze %dma_wait3A_1144 : memref<1x80x128xf32, #tpu.memory_space<vmem>> -> memref<80x128xf32, #tpu.memory_space<vmem>>
        %dma_wait3A_1146 = arith.constant 0 : i32
        %dma_wait3A_1147 = tpu.memref_slice %arg9[%dma_wait3A_1140, %dma_wait3A_1141, %dma_wait3A_1146] : memref<4x5x80xi32, #tpu.memory_space<vmem>> -> memref<1x1x80xi32, #tpu.memory_space<vmem>>
        %dma_wait3A_1148 = tpu.memref_squeeze %dma_wait3A_1147 : memref<1x1x80xi32, #tpu.memory_space<vmem>> -> memref<80xi32, #tpu.memory_space<vmem>>
        %dma_wait3A_1149 = arith.constant 0 : i32
        %dma_wait3A_1150 = arith.constant 0 : i32
        %dma_wait3A_1151 = tpu.memref_slice %arg7[%dma_wait3A_1149, %dma_wait3A_1150] : memref<10000x128xf32, #tpu.memory_space<vmem_shared>> -> memref<10000x128xf32, #tpu.memory_space<vmem_shared>>
        tpu.wait_indirect_dma semaphore(%arg17 : memref<!tpu.dma_semaphore, #tpu.memory_space<semaphore_mem>>) src(%dma_wait3A_1145 : memref<80x128xf32, #tpu.memory_space<vmem>>) dst(%dma_wait3A_1151 : memref<10000x128xf32, #tpu.memory_space<vmem_shared>>)
      } else {
      }
      %add3A_809 = arith.constant 2 : i32
      %add3A_810 = arith.addi %add3A_777, %add3A_809 : i32
      %lt3A_811 = arith.constant 500 : i32
      %lt3A_812 = arith.cmpi slt, %add3A_810, %lt3A_811 : i32
      %convert_element_type3A_813 = arith.extui %lt3A_812 : i1 to i32
      %cond3A_814 = arith.constant 0 : i32
      %cond3A_815 = arith.cmpi ne, %convert_element_type3A_813, %cond3A_814 : i32
      scf.if %cond3A_815 {
        %dma_start3A_1139 = arith.constant 2 : i32
        %dma_start3A_1140 = arith.constant 4 : i32
        %dma_start3A_1141 = arith.constant 2 : i32
        %dma_start3A_1142 = arith.constant 0 : i32
        %dma_start3A_1143 = arith.constant 0 : i32
        %dma_start3A_1144 = tpu.memref_slice %arg10[%dma_start3A_1141, %dma_start3A_1142, %dma_start3A_1143] : memref<4x80x128xf32, #tpu.memory_space<vmem>> -> memref<1x80x128xf32, #tpu.memory_space<vmem>>
        %dma_start3A_1145 = tpu.memref_squeeze %dma_start3A_1144 : memref<1x80x128xf32, #tpu.memory_space<vmem>> -> memref<80x128xf32, #tpu.memory_space<vmem>>
        %dma_start3A_1146 = arith.constant 0 : i32
        %dma_start3A_1147 = tpu.memref_slice %arg8[%dma_start3A_1139, %dma_start3A_1140, %dma_start3A_1146] : memref<4x5x80xi32, #tpu.memory_space<vmem>> -> memref<1x1x80xi32, #tpu.memory_space<vmem>>
        %dma_start3A_1148 = tpu.memref_squeeze %dma_start3A_1147 : memref<1x1x80xi32, #tpu.memory_space<vmem>> -> memref<80xi32, #tpu.memory_space<vmem>>
        %dma_start3A_1149 = arith.constant 0 : i32
        %dma_start3A_1150 = arith.constant 0 : i32
        %dma_start3A_1151 = tpu.memref_slice %arg2[%dma_start3A_1149, %dma_start3A_1150] : memref<10000x128xf32, #tpu.memory_space<hbm>> -> memref<10000x128xf32, #tpu.memory_space<hbm>>
        tpu.enqueue_indirect_dma source(%dma_start3A_1151 : memref<10000x128xf32, #tpu.memory_space<hbm>>) target(%dma_start3A_1145 : memref<80x128xf32, #tpu.memory_space<vmem>>) offsets(%dma_start3A_1148 : memref<80xi32, #tpu.memory_space<vmem>>) semaphore(%arg13 : memref<!tpu.dma_semaphore, #tpu.memory_space<semaphore_mem>>)
      } else {
      }
      %mul3A_816 = arith.constant 20 : i32
      %mul3A_817 = arith.muli %scan3A_219, %mul3A_816 : i32
      %add3A_818 = arith.constant 13 : i32
      %add3A_819 = arith.addi %mul3A_817, %add3A_818 : i32
      %dma_wait3A_820 = arith.constant 0 : i32
      %dma_wait3A_821 = arith.constant 0 : i32
      %dma_wait3A_822 = arith.constant 1 : i32
      %dma_wait3A_823 = arith.constant 0 : i32
      %dma_wait3A_824 = arith.constant 0 : i32
      %dma_wait3A_825 = tpu.memref_slice %arg10[%dma_wait3A_822, %dma_wait3A_823, %dma_wait3A_824] : memref<4x80x128xf32, #tpu.memory_space<vmem>> -> memref<1x80x128xf32, #tpu.memory_space<vmem>>
      %dma_wait3A_826 = tpu.memref_squeeze %dma_wait3A_825 : memref<1x80x128xf32, #tpu.memory_space<vmem>> -> memref<80x128xf32, #tpu.memory_space<vmem>>
      %dma_wait3A_827 = arith.constant 0 : i32
      %dma_wait3A_828 = tpu.memref_slice %arg8[%dma_wait3A_820, %dma_wait3A_821, %dma_wait3A_827] : memref<4x5x80xi32, #tpu.memory_space<vmem>> -> memref<1x1x80xi32, #tpu.memory_space<vmem>>
      %dma_wait3A_829 = tpu.memref_squeeze %dma_wait3A_828 : memref<1x1x80xi32, #tpu.memory_space<vmem>> -> memref<80xi32, #tpu.memory_space<vmem>>
      %dma_wait3A_830 = arith.constant 0 : i32
      %dma_wait3A_831 = arith.constant 0 : i32
      %dma_wait3A_832 = tpu.memref_slice %arg2[%dma_wait3A_830, %dma_wait3A_831] : memref<10000x128xf32, #tpu.memory_space<hbm>> -> memref<10000x128xf32, #tpu.memory_space<hbm>>
      tpu.wait_indirect_dma semaphore(%arg12 : memref<!tpu.dma_semaphore, #tpu.memory_space<semaphore_mem>>) src(%dma_wait3A_832 : memref<10000x128xf32, #tpu.memory_space<hbm>>) dst(%dma_wait3A_826 : memref<80x128xf32, #tpu.memory_space<vmem>>)
      %dma_start3A_833 = arith.constant 1 : i32
      %dma_start3A_834 = arith.constant 2 : i32
      %dma_start3A_835 = arith.constant 3 : i32
      %dma_start3A_836 = arith.constant 0 : i32
      %dma_start3A_837 = arith.constant 0 : i32
      %dma_start3A_838 = tpu.memref_slice %arg10[%dma_start3A_833, %dma_start3A_836, %dma_start3A_837] : memref<4x80x128xf32, #tpu.memory_space<vmem>> -> memref<1x80x128xf32, #tpu.memory_space<vmem>>
      %dma_start3A_839 = tpu.memref_squeeze %dma_start3A_838 : memref<1x80x128xf32, #tpu.memory_space<vmem>> -> memref<80x128xf32, #tpu.memory_space<vmem>>
      %dma_start3A_840 = arith.constant 0 : i32
      %dma_start3A_841 = tpu.memref_slice %arg9[%dma_start3A_834, %dma_start3A_835, %dma_start3A_840] : memref<4x5x80xi32, #tpu.memory_space<vmem>> -> memref<1x1x80xi32, #tpu.memory_space<vmem>>
      %dma_start3A_842 = tpu.memref_squeeze %dma_start3A_841 : memref<1x1x80xi32, #tpu.memory_space<vmem>> -> memref<80xi32, #tpu.memory_space<vmem>>
      %dma_start3A_843 = arith.constant 0 : i32
      %dma_start3A_844 = arith.constant 0 : i32
      %dma_start3A_845 = tpu.memref_slice %arg7[%dma_start3A_843, %dma_start3A_844] : memref<10000x128xf32, #tpu.memory_space<vmem_shared>> -> memref<10000x128xf32, #tpu.memory_space<vmem_shared>>
      tpu.enqueue_indirect_dma source(%dma_start3A_839 : memref<80x128xf32, #tpu.memory_space<vmem>>) target(%dma_start3A_845 : memref<10000x128xf32, #tpu.memory_space<vmem_shared>>) offsets(%dma_start3A_842 : memref<80xi32, #tpu.memory_space<vmem>>) semaphore(%arg16 : memref<!tpu.dma_semaphore, #tpu.memory_space<semaphore_mem>>) {add = true}
      %ge3A_846 = arith.constant 2 : i32
      %ge3A_847 = arith.cmpi sge, %add3A_819, %ge3A_846 : i32
      %convert_element_type3A_848 = arith.extui %ge3A_847 : i1 to i32
      %cond3A_849 = arith.constant 0 : i32
      %cond3A_850 = arith.cmpi ne, %convert_element_type3A_848, %cond3A_849 : i32
      scf.if %cond3A_850 {
        %dma_wait3A_1139 = arith.constant 3 : i32
        %dma_wait3A_1140 = arith.constant 0 : i32
        %dma_wait3A_1141 = arith.constant 0 : i32
        %dma_wait3A_1142 = arith.constant 0 : i32
        %dma_wait3A_1143 = arith.constant 0 : i32
        %dma_wait3A_1144 = tpu.memref_slice %arg10[%dma_wait3A_1139, %dma_wait3A_1142, %dma_wait3A_1143] : memref<4x80x128xf32, #tpu.memory_space<vmem>> -> memref<1x80x128xf32, #tpu.memory_space<vmem>>
        %dma_wait3A_1145 = tpu.memref_squeeze %dma_wait3A_1144 : memref<1x80x128xf32, #tpu.memory_space<vmem>> -> memref<80x128xf32, #tpu.memory_space<vmem>>
        %dma_wait3A_1146 = arith.constant 0 : i32
        %dma_wait3A_1147 = tpu.memref_slice %arg9[%dma_wait3A_1140, %dma_wait3A_1141, %dma_wait3A_1146] : memref<4x5x80xi32, #tpu.memory_space<vmem>> -> memref<1x1x80xi32, #tpu.memory_space<vmem>>
        %dma_wait3A_1148 = tpu.memref_squeeze %dma_wait3A_1147 : memref<1x1x80xi32, #tpu.memory_space<vmem>> -> memref<80xi32, #tpu.memory_space<vmem>>
        %dma_wait3A_1149 = arith.constant 0 : i32
        %dma_wait3A_1150 = arith.constant 0 : i32
        %dma_wait3A_1151 = tpu.memref_slice %arg7[%dma_wait3A_1149, %dma_wait3A_1150] : memref<10000x128xf32, #tpu.memory_space<vmem_shared>> -> memref<10000x128xf32, #tpu.memory_space<vmem_shared>>
        tpu.wait_indirect_dma semaphore(%arg18 : memref<!tpu.dma_semaphore, #tpu.memory_space<semaphore_mem>>) src(%dma_wait3A_1145 : memref<80x128xf32, #tpu.memory_space<vmem>>) dst(%dma_wait3A_1151 : memref<10000x128xf32, #tpu.memory_space<vmem_shared>>)
      } else {
      }
      %mul3A_851 = arith.constant 4 : i32
      %mul3A_852 = arith.muli %mul3A_851, %scan3A_219 : i32
      %add3A_853 = arith.constant 3 : i32
      %add3A_854 = arith.addi %mul3A_852, %add3A_853 : i32
      %lt3A_855 = arith.constant 100 : i32
      %lt3A_856 = arith.cmpi slt, %add3A_854, %lt3A_855 : i32
      %convert_element_type3A_857 = arith.extui %lt3A_856 : i1 to i32
      %cond3A_858 = arith.constant 0 : i32
      %cond3A_859 = arith.cmpi ne, %convert_element_type3A_857, %cond3A_858 : i32
      scf.if %cond3A_859 {
        %dma_wait3A_1139 = arith.constant 0 : i32
        %dma_wait3A_1140 = arith.constant 0 : i32
        %dma_wait3A_1141 = arith.constant 0 : i32
        %dma_wait3A_1142 = arith.constant 0 : i32
        %dma_wait3A_1143 = arith.constant 0 : i32
        %dma_wait3A_1144 = tpu.memref_slice %arg8[%dma_wait3A_1141, %dma_wait3A_1142, %dma_wait3A_1143] : memref<4x5x80xi32, #tpu.memory_space<vmem>> -> memref<1x5x80xi32, #tpu.memory_space<vmem>>
        %dma_wait3A_1145 = tpu.memref_squeeze %dma_wait3A_1144 : memref<1x5x80xi32, #tpu.memory_space<vmem>> -> memref<5x80xi32, #tpu.memory_space<vmem>>
        %dma_wait3A_1146 = arith.constant 0 : i32
        %dma_wait3A_1147 = arith.constant 0 : i32
        %dma_wait3A_1148 = tpu.memref_slice %arg3[%dma_wait3A_1139, %dma_wait3A_1140, %dma_wait3A_1146, %dma_wait3A_1147] : memref<32x100x5x80xi32, #tpu.memory_space<hbm>> -> memref<1x1x5x80xi32, #tpu.memory_space<hbm>>
        %dma_wait3A_1149 = tpu.memref_squeeze %dma_wait3A_1148 : memref<1x1x5x80xi32, #tpu.memory_space<hbm>> -> memref<5x80xi32, #tpu.memory_space<hbm>>
        %dma_wait3A_1150 = arith.constant 0 : i32
        %dma_wait3A_1151 = arith.constant 0 : i32
        %dma_wait3A_1152 = tpu.memref_slice %arg8[%dma_wait3A_1141, %dma_wait3A_1150, %dma_wait3A_1151] : memref<4x5x80xi32, #tpu.memory_space<vmem>> -> memref<1x5x80xi32, #tpu.memory_space<vmem>>
        %dma_wait3A_1153 = tpu.memref_squeeze %dma_wait3A_1152 : memref<1x5x80xi32, #tpu.memory_space<vmem>> -> memref<5x80xi32, #tpu.memory_space<vmem>>
        %dma_wait3A_1154 = arith.constant 0 : i32
        %dma_wait3A_1155 = arith.constant 0 : i32
        %dma_wait3A_1156 = tpu.memref_slice %arg3[%dma_wait3A_1139, %dma_wait3A_1140, %dma_wait3A_1154, %dma_wait3A_1155] : memref<32x100x5x80xi32, #tpu.memory_space<hbm>> -> memref<1x1x5x80xi32, #tpu.memory_space<hbm>>
        %dma_wait3A_1157 = tpu.memref_squeeze %dma_wait3A_1156 : memref<1x1x5x80xi32, #tpu.memory_space<hbm>> -> memref<5x80xi32, #tpu.memory_space<hbm>>
        tpu.wait_dma2 semaphore(%arg22 : memref<!tpu.dma_semaphore, #tpu.memory_space<semaphore_mem>>) src(%dma_wait3A_1157 : memref<5x80xi32, #tpu.memory_space<hbm>>) dst(%dma_wait3A_1153 : memref<5x80xi32, #tpu.memory_space<vmem>>)
        %dma_wait3A_1158 = arith.constant 0 : i32
        %dma_wait3A_1159 = arith.constant 0 : i32
        %dma_wait3A_1160 = arith.constant 0 : i32
        %dma_wait3A_1161 = arith.constant 0 : i32
        %dma_wait3A_1162 = arith.constant 0 : i32
        %dma_wait3A_1163 = tpu.memref_slice %arg9[%dma_wait3A_1160, %dma_wait3A_1161, %dma_wait3A_1162] : memref<4x5x80xi32, #tpu.memory_space<vmem>> -> memref<1x5x80xi32, #tpu.memory_space<vmem>>
        %dma_wait3A_1164 = tpu.memref_squeeze %dma_wait3A_1163 : memref<1x5x80xi32, #tpu.memory_space<vmem>> -> memref<5x80xi32, #tpu.memory_space<vmem>>
        %dma_wait3A_1165 = arith.constant 0 : i32
        %dma_wait3A_1166 = arith.constant 0 : i32
        %dma_wait3A_1167 = tpu.memref_slice %arg4[%dma_wait3A_1158, %dma_wait3A_1159, %dma_wait3A_1165, %dma_wait3A_1166] : memref<32x100x5x80xi32, #tpu.memory_space<hbm>> -> memref<1x1x5x80xi32, #tpu.memory_space<hbm>>
        %dma_wait3A_1168 = tpu.memref_squeeze %dma_wait3A_1167 : memref<1x1x5x80xi32, #tpu.memory_space<hbm>> -> memref<5x80xi32, #tpu.memory_space<hbm>>
        %dma_wait3A_1169 = arith.constant 0 : i32
        %dma_wait3A_1170 = arith.constant 0 : i32
        %dma_wait3A_1171 = tpu.memref_slice %arg9[%dma_wait3A_1160, %dma_wait3A_1169, %dma_wait3A_1170] : memref<4x5x80xi32, #tpu.memory_space<vmem>> -> memref<1x5x80xi32, #tpu.memory_space<vmem>>
        %dma_wait3A_1172 = tpu.memref_squeeze %dma_wait3A_1171 : memref<1x5x80xi32, #tpu.memory_space<vmem>> -> memref<5x80xi32, #tpu.memory_space<vmem>>
        %dma_wait3A_1173 = arith.constant 0 : i32
        %dma_wait3A_1174 = arith.constant 0 : i32
        %dma_wait3A_1175 = tpu.memref_slice %arg4[%dma_wait3A_1158, %dma_wait3A_1159, %dma_wait3A_1173, %dma_wait3A_1174] : memref<32x100x5x80xi32, #tpu.memory_space<hbm>> -> memref<1x1x5x80xi32, #tpu.memory_space<hbm>>
        %dma_wait3A_1176 = tpu.memref_squeeze %dma_wait3A_1175 : memref<1x1x5x80xi32, #tpu.memory_space<hbm>> -> memref<5x80xi32, #tpu.memory_space<hbm>>
        tpu.wait_dma2 semaphore(%arg22 : memref<!tpu.dma_semaphore, #tpu.memory_space<semaphore_mem>>) src(%dma_wait3A_1176 : memref<5x80xi32, #tpu.memory_space<hbm>>) dst(%dma_wait3A_1172 : memref<5x80xi32, #tpu.memory_space<vmem>>)
      } else {
      }
      %add3A_860 = arith.constant 2 : i32
      %add3A_861 = arith.addi %add3A_819, %add3A_860 : i32
      %lt3A_862 = arith.constant 500 : i32
      %lt3A_863 = arith.cmpi slt, %add3A_861, %lt3A_862 : i32
      %convert_element_type3A_864 = arith.extui %lt3A_863 : i1 to i32
      %cond3A_865 = arith.constant 0 : i32
      %cond3A_866 = arith.cmpi ne, %convert_element_type3A_864, %cond3A_865 : i32
      scf.if %cond3A_866 {
        %dma_start3A_1139 = arith.constant 3 : i32
        %dma_start3A_1140 = arith.constant 0 : i32
        %dma_start3A_1141 = arith.constant 3 : i32
        %dma_start3A_1142 = arith.constant 0 : i32
        %dma_start3A_1143 = arith.constant 0 : i32
        %dma_start3A_1144 = tpu.memref_slice %arg10[%dma_start3A_1141, %dma_start3A_1142, %dma_start3A_1143] : memref<4x80x128xf32, #tpu.memory_space<vmem>> -> memref<1x80x128xf32, #tpu.memory_space<vmem>>
        %dma_start3A_1145 = tpu.memref_squeeze %dma_start3A_1144 : memref<1x80x128xf32, #tpu.memory_space<vmem>> -> memref<80x128xf32, #tpu.memory_space<vmem>>
        %dma_start3A_1146 = arith.constant 0 : i32
        %dma_start3A_1147 = tpu.memref_slice %arg8[%dma_start3A_1139, %dma_start3A_1140, %dma_start3A_1146] : memref<4x5x80xi32, #tpu.memory_space<vmem>> -> memref<1x1x80xi32, #tpu.memory_space<vmem>>
        %dma_start3A_1148 = tpu.memref_squeeze %dma_start3A_1147 : memref<1x1x80xi32, #tpu.memory_space<vmem>> -> memref<80xi32, #tpu.memory_space<vmem>>
        %dma_start3A_1149 = arith.constant 0 : i32
        %dma_start3A_1150 = arith.constant 0 : i32
        %dma_start3A_1151 = tpu.memref_slice %arg2[%dma_start3A_1149, %dma_start3A_1150] : memref<10000x128xf32, #tpu.memory_space<hbm>> -> memref<10000x128xf32, #tpu.memory_space<hbm>>
        tpu.enqueue_indirect_dma source(%dma_start3A_1151 : memref<10000x128xf32, #tpu.memory_space<hbm>>) target(%dma_start3A_1145 : memref<80x128xf32, #tpu.memory_space<vmem>>) offsets(%dma_start3A_1148 : memref<80xi32, #tpu.memory_space<vmem>>) semaphore(%arg14 : memref<!tpu.dma_semaphore, #tpu.memory_space<semaphore_mem>>)
      } else {
      }
      %mul3A_867 = arith.constant 20 : i32
      %mul3A_868 = arith.muli %scan3A_219, %mul3A_867 : i32
      %add3A_869 = arith.constant 14 : i32
      %add3A_870 = arith.addi %mul3A_868, %add3A_869 : i32
      %dma_wait3A_871 = arith.constant 0 : i32
      %dma_wait3A_872 = arith.constant 0 : i32
      %dma_wait3A_873 = arith.constant 2 : i32
      %dma_wait3A_874 = arith.constant 0 : i32
      %dma_wait3A_875 = arith.constant 0 : i32
      %dma_wait3A_876 = tpu.memref_slice %arg10[%dma_wait3A_873, %dma_wait3A_874, %dma_wait3A_875] : memref<4x80x128xf32, #tpu.memory_space<vmem>> -> memref<1x80x128xf32, #tpu.memory_space<vmem>>
      %dma_wait3A_877 = tpu.memref_squeeze %dma_wait3A_876 : memref<1x80x128xf32, #tpu.memory_space<vmem>> -> memref<80x128xf32, #tpu.memory_space<vmem>>
      %dma_wait3A_878 = arith.constant 0 : i32
      %dma_wait3A_879 = tpu.memref_slice %arg8[%dma_wait3A_871, %dma_wait3A_872, %dma_wait3A_878] : memref<4x5x80xi32, #tpu.memory_space<vmem>> -> memref<1x1x80xi32, #tpu.memory_space<vmem>>
      %dma_wait3A_880 = tpu.memref_squeeze %dma_wait3A_879 : memref<1x1x80xi32, #tpu.memory_space<vmem>> -> memref<80xi32, #tpu.memory_space<vmem>>
      %dma_wait3A_881 = arith.constant 0 : i32
      %dma_wait3A_882 = arith.constant 0 : i32
      %dma_wait3A_883 = tpu.memref_slice %arg2[%dma_wait3A_881, %dma_wait3A_882] : memref<10000x128xf32, #tpu.memory_space<hbm>> -> memref<10000x128xf32, #tpu.memory_space<hbm>>
      tpu.wait_indirect_dma semaphore(%arg13 : memref<!tpu.dma_semaphore, #tpu.memory_space<semaphore_mem>>) src(%dma_wait3A_883 : memref<10000x128xf32, #tpu.memory_space<hbm>>) dst(%dma_wait3A_877 : memref<80x128xf32, #tpu.memory_space<vmem>>)
      %dma_start3A_884 = arith.constant 2 : i32
      %dma_start3A_885 = arith.constant 2 : i32
      %dma_start3A_886 = arith.constant 4 : i32
      %dma_start3A_887 = arith.constant 0 : i32
      %dma_start3A_888 = arith.constant 0 : i32
      %dma_start3A_889 = tpu.memref_slice %arg10[%dma_start3A_884, %dma_start3A_887, %dma_start3A_888] : memref<4x80x128xf32, #tpu.memory_space<vmem>> -> memref<1x80x128xf32, #tpu.memory_space<vmem>>
      %dma_start3A_890 = tpu.memref_squeeze %dma_start3A_889 : memref<1x80x128xf32, #tpu.memory_space<vmem>> -> memref<80x128xf32, #tpu.memory_space<vmem>>
      %dma_start3A_891 = arith.constant 0 : i32
      %dma_start3A_892 = tpu.memref_slice %arg9[%dma_start3A_885, %dma_start3A_886, %dma_start3A_891] : memref<4x5x80xi32, #tpu.memory_space<vmem>> -> memref<1x1x80xi32, #tpu.memory_space<vmem>>
      %dma_start3A_893 = tpu.memref_squeeze %dma_start3A_892 : memref<1x1x80xi32, #tpu.memory_space<vmem>> -> memref<80xi32, #tpu.memory_space<vmem>>
      %dma_start3A_894 = arith.constant 0 : i32
      %dma_start3A_895 = arith.constant 0 : i32
      %dma_start3A_896 = tpu.memref_slice %arg7[%dma_start3A_894, %dma_start3A_895] : memref<10000x128xf32, #tpu.memory_space<vmem_shared>> -> memref<10000x128xf32, #tpu.memory_space<vmem_shared>>
      tpu.enqueue_indirect_dma source(%dma_start3A_890 : memref<80x128xf32, #tpu.memory_space<vmem>>) target(%dma_start3A_896 : memref<10000x128xf32, #tpu.memory_space<vmem_shared>>) offsets(%dma_start3A_893 : memref<80xi32, #tpu.memory_space<vmem>>) semaphore(%arg17 : memref<!tpu.dma_semaphore, #tpu.memory_space<semaphore_mem>>) {add = true}
      %ge3A_897 = arith.constant 2 : i32
      %ge3A_898 = arith.cmpi sge, %add3A_870, %ge3A_897 : i32
      %convert_element_type3A_899 = arith.extui %ge3A_898 : i1 to i32
      %cond3A_900 = arith.constant 0 : i32
      %cond3A_901 = arith.cmpi ne, %convert_element_type3A_899, %cond3A_900 : i32
      scf.if %cond3A_901 {
        %dma_wait3A_1139 = arith.constant 0 : i32
        %dma_wait3A_1140 = arith.constant 0 : i32
        %dma_wait3A_1141 = arith.constant 0 : i32
        %dma_wait3A_1142 = arith.constant 0 : i32
        %dma_wait3A_1143 = arith.constant 0 : i32
        %dma_wait3A_1144 = tpu.memref_slice %arg10[%dma_wait3A_1139, %dma_wait3A_1142, %dma_wait3A_1143] : memref<4x80x128xf32, #tpu.memory_space<vmem>> -> memref<1x80x128xf32, #tpu.memory_space<vmem>>
        %dma_wait3A_1145 = tpu.memref_squeeze %dma_wait3A_1144 : memref<1x80x128xf32, #tpu.memory_space<vmem>> -> memref<80x128xf32, #tpu.memory_space<vmem>>
        %dma_wait3A_1146 = arith.constant 0 : i32
        %dma_wait3A_1147 = tpu.memref_slice %arg9[%dma_wait3A_1140, %dma_wait3A_1141, %dma_wait3A_1146] : memref<4x5x80xi32, #tpu.memory_space<vmem>> -> memref<1x1x80xi32, #tpu.memory_space<vmem>>
        %dma_wait3A_1148 = tpu.memref_squeeze %dma_wait3A_1147 : memref<1x1x80xi32, #tpu.memory_space<vmem>> -> memref<80xi32, #tpu.memory_space<vmem>>
        %dma_wait3A_1149 = arith.constant 0 : i32
        %dma_wait3A_1150 = arith.constant 0 : i32
        %dma_wait3A_1151 = tpu.memref_slice %arg7[%dma_wait3A_1149, %dma_wait3A_1150] : memref<10000x128xf32, #tpu.memory_space<vmem_shared>> -> memref<10000x128xf32, #tpu.memory_space<vmem_shared>>
        tpu.wait_indirect_dma semaphore(%arg15 : memref<!tpu.dma_semaphore, #tpu.memory_space<semaphore_mem>>) src(%dma_wait3A_1145 : memref<80x128xf32, #tpu.memory_space<vmem>>) dst(%dma_wait3A_1151 : memref<10000x128xf32, #tpu.memory_space<vmem_shared>>)
      } else {
      }
      %add3A_902 = arith.constant 2 : i32
      %add3A_903 = arith.addi %add3A_870, %add3A_902 : i32
      %lt3A_904 = arith.constant 500 : i32
      %lt3A_905 = arith.cmpi slt, %add3A_903, %lt3A_904 : i32
      %convert_element_type3A_906 = arith.extui %lt3A_905 : i1 to i32
      %cond3A_907 = arith.constant 0 : i32
      %cond3A_908 = arith.cmpi ne, %convert_element_type3A_906, %cond3A_907 : i32
      scf.if %cond3A_908 {
        %dma_start3A_1139 = arith.constant 3 : i32
        %dma_start3A_1140 = arith.constant 1 : i32
        %dma_start3A_1141 = arith.constant 0 : i32
        %dma_start3A_1142 = arith.constant 0 : i32
        %dma_start3A_1143 = arith.constant 0 : i32
        %dma_start3A_1144 = tpu.memref_slice %arg10[%dma_start3A_1141, %dma_start3A_1142, %dma_start3A_1143] : memref<4x80x128xf32, #tpu.memory_space<vmem>> -> memref<1x80x128xf32, #tpu.memory_space<vmem>>
        %dma_start3A_1145 = tpu.memref_squeeze %dma_start3A_1144 : memref<1x80x128xf32, #tpu.memory_space<vmem>> -> memref<80x128xf32, #tpu.memory_space<vmem>>
        %dma_start3A_1146 = arith.constant 0 : i32
        %dma_start3A_1147 = tpu.memref_slice %arg8[%dma_start3A_1139, %dma_start3A_1140, %dma_start3A_1146] : memref<4x5x80xi32, #tpu.memory_space<vmem>> -> memref<1x1x80xi32, #tpu.memory_space<vmem>>
        %dma_start3A_1148 = tpu.memref_squeeze %dma_start3A_1147 : memref<1x1x80xi32, #tpu.memory_space<vmem>> -> memref<80xi32, #tpu.memory_space<vmem>>
        %dma_start3A_1149 = arith.constant 0 : i32
        %dma_start3A_1150 = arith.constant 0 : i32
        %dma_start3A_1151 = tpu.memref_slice %arg2[%dma_start3A_1149, %dma_start3A_1150] : memref<10000x128xf32, #tpu.memory_space<hbm>> -> memref<10000x128xf32, #tpu.memory_space<hbm>>
        tpu.enqueue_indirect_dma source(%dma_start3A_1151 : memref<10000x128xf32, #tpu.memory_space<hbm>>) target(%dma_start3A_1145 : memref<80x128xf32, #tpu.memory_space<vmem>>) offsets(%dma_start3A_1148 : memref<80xi32, #tpu.memory_space<vmem>>) semaphore(%arg11 : memref<!tpu.dma_semaphore, #tpu.memory_space<semaphore_mem>>)
      } else {
      }
      %mul3A_909 = arith.constant 20 : i32
      %mul3A_910 = arith.muli %scan3A_219, %mul3A_909 : i32
      %add3A_911 = arith.constant 15 : i32
      %add3A_912 = arith.addi %mul3A_910, %add3A_911 : i32
      %mul3A_913 = arith.constant 4 : i32
      %mul3A_914 = arith.muli %mul3A_913, %scan3A_219 : i32
      %add3A_915 = arith.constant 3 : i32
      %add3A_916 = arith.addi %mul3A_914, %add3A_915 : i32
      %add3A_917 = arith.constant 3 : i32
      %add3A_918 = arith.addi %add3A_916, %add3A_917 : i32
      %lt3A_919 = arith.constant 100 : i32
      %lt3A_920 = arith.cmpi slt, %add3A_918, %lt3A_919 : i32
      %convert_element_type3A_921 = arith.extui %lt3A_920 : i1 to i32
      %cond3A_922 = arith.constant 0 : i32
      %cond3A_923 = arith.cmpi ne, %convert_element_type3A_921, %cond3A_922 : i32
      scf.if %cond3A_923 {
        %dma_start3A_1139 = arith.constant 2 : i32
        %dma_start3A_1140 = arith.constant 0 : i32
        %dma_start3A_1141 = arith.constant 0 : i32
        %dma_start3A_1142 = tpu.memref_slice %arg8[%dma_start3A_1139, %dma_start3A_1140, %dma_start3A_1141] : memref<4x5x80xi32, #tpu.memory_space<vmem>> -> memref<1x5x80xi32, #tpu.memory_space<vmem>>
        %dma_start3A_1143 = tpu.memref_squeeze %dma_start3A_1142 : memref<1x5x80xi32, #tpu.memory_space<vmem>> -> memref<5x80xi32, #tpu.memory_space<vmem>>
        %dma_start3A_1144 = arith.constant 0 : i32
        %dma_start3A_1145 = arith.constant 0 : i32
        %dma_start3A_1146 = tpu.memref_slice %arg3[%add3A, %add3A_918, %dma_start3A_1144, %dma_start3A_1145] : memref<32x100x5x80xi32, #tpu.memory_space<hbm>> -> memref<1x1x5x80xi32, #tpu.memory_space<hbm>>
        %dma_start3A_1147 = tpu.memref_squeeze %dma_start3A_1146 : memref<1x1x5x80xi32, #tpu.memory_space<hbm>> -> memref<5x80xi32, #tpu.memory_space<hbm>>
        %dma_start3A_1148 = arith.constant 0 : i32
        %dma_start3A_1149 = arith.constant 0 : i32
        %dma_start3A_1150 = tpu.memref_slice %arg8[%dma_start3A_1139, %dma_start3A_1148, %dma_start3A_1149] : memref<4x5x80xi32, #tpu.memory_space<vmem>> -> memref<1x5x80xi32, #tpu.memory_space<vmem>>
        %dma_start3A_1151 = tpu.memref_squeeze %dma_start3A_1150 : memref<1x5x80xi32, #tpu.memory_space<vmem>> -> memref<5x80xi32, #tpu.memory_space<vmem>>
        %dma_start3A_1152 = arith.constant 0 : i32
        %dma_start3A_1153 = arith.constant 0 : i32
        %dma_start3A_1154 = tpu.memref_slice %arg3[%add3A, %add3A_918, %dma_start3A_1152, %dma_start3A_1153] : memref<32x100x5x80xi32, #tpu.memory_space<hbm>> -> memref<1x1x5x80xi32, #tpu.memory_space<hbm>>
        %dma_start3A_1155 = tpu.memref_squeeze %dma_start3A_1154 : memref<1x1x5x80xi32, #tpu.memory_space<hbm>> -> memref<5x80xi32, #tpu.memory_space<hbm>>
        tpu.enqueue_dma source(%dma_start3A_1155 : memref<5x80xi32, #tpu.memory_space<hbm>>) target(%dma_start3A_1151 : memref<5x80xi32, #tpu.memory_space<vmem>>) target_semaphore(%arg21 : memref<!tpu.dma_semaphore, #tpu.memory_space<semaphore_mem>>)
        %dma_start3A_1156 = arith.constant 2 : i32
        %dma_start3A_1157 = arith.constant 0 : i32
        %dma_start3A_1158 = arith.constant 0 : i32
        %dma_start3A_1159 = tpu.memref_slice %arg9[%dma_start3A_1156, %dma_start3A_1157, %dma_start3A_1158] : memref<4x5x80xi32, #tpu.memory_space<vmem>> -> memref<1x5x80xi32, #tpu.memory_space<vmem>>
        %dma_start3A_1160 = tpu.memref_squeeze %dma_start3A_1159 : memref<1x5x80xi32, #tpu.memory_space<vmem>> -> memref<5x80xi32, #tpu.memory_space<vmem>>
        %dma_start3A_1161 = arith.constant 0 : i32
        %dma_start3A_1162 = arith.constant 0 : i32
        %dma_start3A_1163 = tpu.memref_slice %arg4[%add3A, %add3A_918, %dma_start3A_1161, %dma_start3A_1162] : memref<32x100x5x80xi32, #tpu.memory_space<hbm>> -> memref<1x1x5x80xi32, #tpu.memory_space<hbm>>
        %dma_start3A_1164 = tpu.memref_squeeze %dma_start3A_1163 : memref<1x1x5x80xi32, #tpu.memory_space<hbm>> -> memref<5x80xi32, #tpu.memory_space<hbm>>
        %dma_start3A_1165 = arith.constant 0 : i32
        %dma_start3A_1166 = arith.constant 0 : i32
        %dma_start3A_1167 = tpu.memref_slice %arg9[%dma_start3A_1156, %dma_start3A_1165, %dma_start3A_1166] : memref<4x5x80xi32, #tpu.memory_space<vmem>> -> memref<1x5x80xi32, #tpu.memory_space<vmem>>
        %dma_start3A_1168 = tpu.memref_squeeze %dma_start3A_1167 : memref<1x5x80xi32, #tpu.memory_space<vmem>> -> memref<5x80xi32, #tpu.memory_space<vmem>>
        %dma_start3A_1169 = arith.constant 0 : i32
        %dma_start3A_1170 = arith.constant 0 : i32
        %dma_start3A_1171 = tpu.memref_slice %arg4[%add3A, %add3A_918, %dma_start3A_1169, %dma_start3A_1170] : memref<32x100x5x80xi32, #tpu.memory_space<hbm>> -> memref<1x1x5x80xi32, #tpu.memory_space<hbm>>
        %dma_start3A_1172 = tpu.memref_squeeze %dma_start3A_1171 : memref<1x1x5x80xi32, #tpu.memory_space<hbm>> -> memref<5x80xi32, #tpu.memory_space<hbm>>
        tpu.enqueue_dma source(%dma_start3A_1172 : memref<5x80xi32, #tpu.memory_space<hbm>>) target(%dma_start3A_1168 : memref<5x80xi32, #tpu.memory_space<vmem>>) target_semaphore(%arg21 : memref<!tpu.dma_semaphore, #tpu.memory_space<semaphore_mem>>)
      } else {
      }
      %dma_wait3A_924 = arith.constant 0 : i32
      %dma_wait3A_925 = arith.constant 0 : i32
      %dma_wait3A_926 = arith.constant 3 : i32
      %dma_wait3A_927 = arith.constant 0 : i32
      %dma_wait3A_928 = arith.constant 0 : i32
      %dma_wait3A_929 = tpu.memref_slice %arg10[%dma_wait3A_926, %dma_wait3A_927, %dma_wait3A_928] : memref<4x80x128xf32, #tpu.memory_space<vmem>> -> memref<1x80x128xf32, #tpu.memory_space<vmem>>
      %dma_wait3A_930 = tpu.memref_squeeze %dma_wait3A_929 : memref<1x80x128xf32, #tpu.memory_space<vmem>> -> memref<80x128xf32, #tpu.memory_space<vmem>>
      %dma_wait3A_931 = arith.constant 0 : i32
      %dma_wait3A_932 = tpu.memref_slice %arg8[%dma_wait3A_924, %dma_wait3A_925, %dma_wait3A_931] : memref<4x5x80xi32, #tpu.memory_space<vmem>> -> memref<1x1x80xi32, #tpu.memory_space<vmem>>
      %dma_wait3A_933 = tpu.memref_squeeze %dma_wait3A_932 : memref<1x1x80xi32, #tpu.memory_space<vmem>> -> memref<80xi32, #tpu.memory_space<vmem>>
      %dma_wait3A_934 = arith.constant 0 : i32
      %dma_wait3A_935 = arith.constant 0 : i32
      %dma_wait3A_936 = tpu.memref_slice %arg2[%dma_wait3A_934, %dma_wait3A_935] : memref<10000x128xf32, #tpu.memory_space<hbm>> -> memref<10000x128xf32, #tpu.memory_space<hbm>>
      tpu.wait_indirect_dma semaphore(%arg14 : memref<!tpu.dma_semaphore, #tpu.memory_space<semaphore_mem>>) src(%dma_wait3A_936 : memref<10000x128xf32, #tpu.memory_space<hbm>>) dst(%dma_wait3A_930 : memref<80x128xf32, #tpu.memory_space<vmem>>)
      %dma_start3A_937 = arith.constant 3 : i32
      %dma_start3A_938 = arith.constant 3 : i32
      %dma_start3A_939 = arith.constant 0 : i32
      %dma_start3A_940 = arith.constant 0 : i32
      %dma_start3A_941 = arith.constant 0 : i32
      %dma_start3A_942 = tpu.memref_slice %arg10[%dma_start3A_937, %dma_start3A_940, %dma_start3A_941] : memref<4x80x128xf32, #tpu.memory_space<vmem>> -> memref<1x80x128xf32, #tpu.memory_space<vmem>>
      %dma_start3A_943 = tpu.memref_squeeze %dma_start3A_942 : memref<1x80x128xf32, #tpu.memory_space<vmem>> -> memref<80x128xf32, #tpu.memory_space<vmem>>
      %dma_start3A_944 = arith.constant 0 : i32
      %dma_start3A_945 = tpu.memref_slice %arg9[%dma_start3A_938, %dma_start3A_939, %dma_start3A_944] : memref<4x5x80xi32, #tpu.memory_space<vmem>> -> memref<1x1x80xi32, #tpu.memory_space<vmem>>
      %dma_start3A_946 = tpu.memref_squeeze %dma_start3A_945 : memref<1x1x80xi32, #tpu.memory_space<vmem>> -> memref<80xi32, #tpu.memory_space<vmem>>
      %dma_start3A_947 = arith.constant 0 : i32
      %dma_start3A_948 = arith.constant 0 : i32
      %dma_start3A_949 = tpu.memref_slice %arg7[%dma_start3A_947, %dma_start3A_948] : memref<10000x128xf32, #tpu.memory_space<vmem_shared>> -> memref<10000x128xf32, #tpu.memory_space<vmem_shared>>
      tpu.enqueue_indirect_dma source(%dma_start3A_943 : memref<80x128xf32, #tpu.memory_space<vmem>>) target(%dma_start3A_949 : memref<10000x128xf32, #tpu.memory_space<vmem_shared>>) offsets(%dma_start3A_946 : memref<80xi32, #tpu.memory_space<vmem>>) semaphore(%arg18 : memref<!tpu.dma_semaphore, #tpu.memory_space<semaphore_mem>>) {add = true}
      %ge3A_950 = arith.constant 2 : i32
      %ge3A_951 = arith.cmpi sge, %add3A_912, %ge3A_950 : i32
      %convert_element_type3A_952 = arith.extui %ge3A_951 : i1 to i32
      %cond3A_953 = arith.constant 0 : i32
      %cond3A_954 = arith.cmpi ne, %convert_element_type3A_952, %cond3A_953 : i32
      scf.if %cond3A_954 {
        %dma_wait3A_1139 = arith.constant 1 : i32
        %dma_wait3A_1140 = arith.constant 0 : i32
        %dma_wait3A_1141 = arith.constant 0 : i32
        %dma_wait3A_1142 = arith.constant 0 : i32
        %dma_wait3A_1143 = arith.constant 0 : i32
        %dma_wait3A_1144 = tpu.memref_slice %arg10[%dma_wait3A_1139, %dma_wait3A_1142, %dma_wait3A_1143] : memref<4x80x128xf32, #tpu.memory_space<vmem>> -> memref<1x80x128xf32, #tpu.memory_space<vmem>>
        %dma_wait3A_1145 = tpu.memref_squeeze %dma_wait3A_1144 : memref<1x80x128xf32, #tpu.memory_space<vmem>> -> memref<80x128xf32, #tpu.memory_space<vmem>>
        %dma_wait3A_1146 = arith.constant 0 : i32
        %dma_wait3A_1147 = tpu.memref_slice %arg9[%dma_wait3A_1140, %dma_wait3A_1141, %dma_wait3A_1146] : memref<4x5x80xi32, #tpu.memory_space<vmem>> -> memref<1x1x80xi32, #tpu.memory_space<vmem>>
        %dma_wait3A_1148 = tpu.memref_squeeze %dma_wait3A_1147 : memref<1x1x80xi32, #tpu.memory_space<vmem>> -> memref<80xi32, #tpu.memory_space<vmem>>
        %dma_wait3A_1149 = arith.constant 0 : i32
        %dma_wait3A_1150 = arith.constant 0 : i32
        %dma_wait3A_1151 = tpu.memref_slice %arg7[%dma_wait3A_1149, %dma_wait3A_1150] : memref<10000x128xf32, #tpu.memory_space<vmem_shared>> -> memref<10000x128xf32, #tpu.memory_space<vmem_shared>>
        tpu.wait_indirect_dma semaphore(%arg16 : memref<!tpu.dma_semaphore, #tpu.memory_space<semaphore_mem>>) src(%dma_wait3A_1145 : memref<80x128xf32, #tpu.memory_space<vmem>>) dst(%dma_wait3A_1151 : memref<10000x128xf32, #tpu.memory_space<vmem_shared>>)
      } else {
      }
      %add3A_955 = arith.constant 2 : i32
      %add3A_956 = arith.addi %add3A_912, %add3A_955 : i32
      %lt3A_957 = arith.constant 500 : i32
      %lt3A_958 = arith.cmpi slt, %add3A_956, %lt3A_957 : i32
      %convert_element_type3A_959 = arith.extui %lt3A_958 : i1 to i32
      %cond3A_960 = arith.constant 0 : i32
      %cond3A_961 = arith.cmpi ne, %convert_element_type3A_959, %cond3A_960 : i32
      scf.if %cond3A_961 {
        %dma_start3A_1139 = arith.constant 3 : i32
        %dma_start3A_1140 = arith.constant 2 : i32
        %dma_start3A_1141 = arith.constant 1 : i32
        %dma_start3A_1142 = arith.constant 0 : i32
        %dma_start3A_1143 = arith.constant 0 : i32
        %dma_start3A_1144 = tpu.memref_slice %arg10[%dma_start3A_1141, %dma_start3A_1142, %dma_start3A_1143] : memref<4x80x128xf32, #tpu.memory_space<vmem>> -> memref<1x80x128xf32, #tpu.memory_space<vmem>>
        %dma_start3A_1145 = tpu.memref_squeeze %dma_start3A_1144 : memref<1x80x128xf32, #tpu.memory_space<vmem>> -> memref<80x128xf32, #tpu.memory_space<vmem>>
        %dma_start3A_1146 = arith.constant 0 : i32
        %dma_start3A_1147 = tpu.memref_slice %arg8[%dma_start3A_1139, %dma_start3A_1140, %dma_start3A_1146] : memref<4x5x80xi32, #tpu.memory_space<vmem>> -> memref<1x1x80xi32, #tpu.memory_space<vmem>>
        %dma_start3A_1148 = tpu.memref_squeeze %dma_start3A_1147 : memref<1x1x80xi32, #tpu.memory_space<vmem>> -> memref<80xi32, #tpu.memory_space<vmem>>
        %dma_start3A_1149 = arith.constant 0 : i32
        %dma_start3A_1150 = arith.constant 0 : i32
        %dma_start3A_1151 = tpu.memref_slice %arg2[%dma_start3A_1149, %dma_start3A_1150] : memref<10000x128xf32, #tpu.memory_space<hbm>> -> memref<10000x128xf32, #tpu.memory_space<hbm>>
        tpu.enqueue_indirect_dma source(%dma_start3A_1151 : memref<10000x128xf32, #tpu.memory_space<hbm>>) target(%dma_start3A_1145 : memref<80x128xf32, #tpu.memory_space<vmem>>) offsets(%dma_start3A_1148 : memref<80xi32, #tpu.memory_space<vmem>>) semaphore(%arg12 : memref<!tpu.dma_semaphore, #tpu.memory_space<semaphore_mem>>)
      } else {
      }
      %mul3A_962 = arith.constant 20 : i32
      %mul3A_963 = arith.muli %scan3A_219, %mul3A_962 : i32
      %add3A_964 = arith.constant 16 : i32
      %add3A_965 = arith.addi %mul3A_963, %add3A_964 : i32
      %dma_wait3A_966 = arith.constant 0 : i32
      %dma_wait3A_967 = arith.constant 0 : i32
      %dma_wait3A_968 = arith.constant 0 : i32
      %dma_wait3A_969 = arith.constant 0 : i32
      %dma_wait3A_970 = arith.constant 0 : i32
      %dma_wait3A_971 = tpu.memref_slice %arg10[%dma_wait3A_968, %dma_wait3A_969, %dma_wait3A_970] : memref<4x80x128xf32, #tpu.memory_space<vmem>> -> memref<1x80x128xf32, #tpu.memory_space<vmem>>
      %dma_wait3A_972 = tpu.memref_squeeze %dma_wait3A_971 : memref<1x80x128xf32, #tpu.memory_space<vmem>> -> memref<80x128xf32, #tpu.memory_space<vmem>>
      %dma_wait3A_973 = arith.constant 0 : i32
      %dma_wait3A_974 = tpu.memref_slice %arg8[%dma_wait3A_966, %dma_wait3A_967, %dma_wait3A_973] : memref<4x5x80xi32, #tpu.memory_space<vmem>> -> memref<1x1x80xi32, #tpu.memory_space<vmem>>
      %dma_wait3A_975 = tpu.memref_squeeze %dma_wait3A_974 : memref<1x1x80xi32, #tpu.memory_space<vmem>> -> memref<80xi32, #tpu.memory_space<vmem>>
      %dma_wait3A_976 = arith.constant 0 : i32
      %dma_wait3A_977 = arith.constant 0 : i32
      %dma_wait3A_978 = tpu.memref_slice %arg2[%dma_wait3A_976, %dma_wait3A_977] : memref<10000x128xf32, #tpu.memory_space<hbm>> -> memref<10000x128xf32, #tpu.memory_space<hbm>>
      tpu.wait_indirect_dma semaphore(%arg11 : memref<!tpu.dma_semaphore, #tpu.memory_space<semaphore_mem>>) src(%dma_wait3A_978 : memref<10000x128xf32, #tpu.memory_space<hbm>>) dst(%dma_wait3A_972 : memref<80x128xf32, #tpu.memory_space<vmem>>)
      %dma_start3A_979 = arith.constant 0 : i32
      %dma_start3A_980 = arith.constant 3 : i32
      %dma_start3A_981 = arith.constant 1 : i32
      %dma_start3A_982 = arith.constant 0 : i32
      %dma_start3A_983 = arith.constant 0 : i32
      %dma_start3A_984 = tpu.memref_slice %arg10[%dma_start3A_979, %dma_start3A_982, %dma_start3A_983] : memref<4x80x128xf32, #tpu.memory_space<vmem>> -> memref<1x80x128xf32, #tpu.memory_space<vmem>>
      %dma_start3A_985 = tpu.memref_squeeze %dma_start3A_984 : memref<1x80x128xf32, #tpu.memory_space<vmem>> -> memref<80x128xf32, #tpu.memory_space<vmem>>
      %dma_start3A_986 = arith.constant 0 : i32
      %dma_start3A_987 = tpu.memref_slice %arg9[%dma_start3A_980, %dma_start3A_981, %dma_start3A_986] : memref<4x5x80xi32, #tpu.memory_space<vmem>> -> memref<1x1x80xi32, #tpu.memory_space<vmem>>
      %dma_start3A_988 = tpu.memref_squeeze %dma_start3A_987 : memref<1x1x80xi32, #tpu.memory_space<vmem>> -> memref<80xi32, #tpu.memory_space<vmem>>
      %dma_start3A_989 = arith.constant 0 : i32
      %dma_start3A_990 = arith.constant 0 : i32
      %dma_start3A_991 = tpu.memref_slice %arg7[%dma_start3A_989, %dma_start3A_990] : memref<10000x128xf32, #tpu.memory_space<vmem_shared>> -> memref<10000x128xf32, #tpu.memory_space<vmem_shared>>
      tpu.enqueue_indirect_dma source(%dma_start3A_985 : memref<80x128xf32, #tpu.memory_space<vmem>>) target(%dma_start3A_991 : memref<10000x128xf32, #tpu.memory_space<vmem_shared>>) offsets(%dma_start3A_988 : memref<80xi32, #tpu.memory_space<vmem>>) semaphore(%arg15 : memref<!tpu.dma_semaphore, #tpu.memory_space<semaphore_mem>>) {add = true}
      %ge3A_992 = arith.constant 2 : i32
      %ge3A_993 = arith.cmpi sge, %add3A_965, %ge3A_992 : i32
      %convert_element_type3A_994 = arith.extui %ge3A_993 : i1 to i32
      %cond3A_995 = arith.constant 0 : i32
      %cond3A_996 = arith.cmpi ne, %convert_element_type3A_994, %cond3A_995 : i32
      scf.if %cond3A_996 {
        %dma_wait3A_1139 = arith.constant 2 : i32
        %dma_wait3A_1140 = arith.constant 0 : i32
        %dma_wait3A_1141 = arith.constant 0 : i32
        %dma_wait3A_1142 = arith.constant 0 : i32
        %dma_wait3A_1143 = arith.constant 0 : i32
        %dma_wait3A_1144 = tpu.memref_slice %arg10[%dma_wait3A_1139, %dma_wait3A_1142, %dma_wait3A_1143] : memref<4x80x128xf32, #tpu.memory_space<vmem>> -> memref<1x80x128xf32, #tpu.memory_space<vmem>>
        %dma_wait3A_1145 = tpu.memref_squeeze %dma_wait3A_1144 : memref<1x80x128xf32, #tpu.memory_space<vmem>> -> memref<80x128xf32, #tpu.memory_space<vmem>>
        %dma_wait3A_1146 = arith.constant 0 : i32
        %dma_wait3A_1147 = tpu.memref_slice %arg9[%dma_wait3A_1140, %dma_wait3A_1141, %dma_wait3A_1146] : memref<4x5x80xi32, #tpu.memory_space<vmem>> -> memref<1x1x80xi32, #tpu.memory_space<vmem>>
        %dma_wait3A_1148 = tpu.memref_squeeze %dma_wait3A_1147 : memref<1x1x80xi32, #tpu.memory_space<vmem>> -> memref<80xi32, #tpu.memory_space<vmem>>
        %dma_wait3A_1149 = arith.constant 0 : i32
        %dma_wait3A_1150 = arith.constant 0 : i32
        %dma_wait3A_1151 = tpu.memref_slice %arg7[%dma_wait3A_1149, %dma_wait3A_1150] : memref<10000x128xf32, #tpu.memory_space<vmem_shared>> -> memref<10000x128xf32, #tpu.memory_space<vmem_shared>>
        tpu.wait_indirect_dma semaphore(%arg17 : memref<!tpu.dma_semaphore, #tpu.memory_space<semaphore_mem>>) src(%dma_wait3A_1145 : memref<80x128xf32, #tpu.memory_space<vmem>>) dst(%dma_wait3A_1151 : memref<10000x128xf32, #tpu.memory_space<vmem_shared>>)
      } else {
      }
      %add3A_997 = arith.constant 2 : i32
      %add3A_998 = arith.addi %add3A_965, %add3A_997 : i32
      %lt3A_999 = arith.constant 500 : i32
      %lt3A_1000 = arith.cmpi slt, %add3A_998, %lt3A_999 : i32
      %convert_element_type3A_1001 = arith.extui %lt3A_1000 : i1 to i32
      %cond3A_1002 = arith.constant 0 : i32
      %cond3A_1003 = arith.cmpi ne, %convert_element_type3A_1001, %cond3A_1002 : i32
      scf.if %cond3A_1003 {
        %dma_start3A_1139 = arith.constant 3 : i32
        %dma_start3A_1140 = arith.constant 3 : i32
        %dma_start3A_1141 = arith.constant 2 : i32
        %dma_start3A_1142 = arith.constant 0 : i32
        %dma_start3A_1143 = arith.constant 0 : i32
        %dma_start3A_1144 = tpu.memref_slice %arg10[%dma_start3A_1141, %dma_start3A_1142, %dma_start3A_1143] : memref<4x80x128xf32, #tpu.memory_space<vmem>> -> memref<1x80x128xf32, #tpu.memory_space<vmem>>
        %dma_start3A_1145 = tpu.memref_squeeze %dma_start3A_1144 : memref<1x80x128xf32, #tpu.memory_space<vmem>> -> memref<80x128xf32, #tpu.memory_space<vmem>>
        %dma_start3A_1146 = arith.constant 0 : i32
        %dma_start3A_1147 = tpu.memref_slice %arg8[%dma_start3A_1139, %dma_start3A_1140, %dma_start3A_1146] : memref<4x5x80xi32, #tpu.memory_space<vmem>> -> memref<1x1x80xi32, #tpu.memory_space<vmem>>
        %dma_start3A_1148 = tpu.memref_squeeze %dma_start3A_1147 : memref<1x1x80xi32, #tpu.memory_space<vmem>> -> memref<80xi32, #tpu.memory_space<vmem>>
        %dma_start3A_1149 = arith.constant 0 : i32
        %dma_start3A_1150 = arith.constant 0 : i32
        %dma_start3A_1151 = tpu.memref_slice %arg2[%dma_start3A_1149, %dma_start3A_1150] : memref<10000x128xf32, #tpu.memory_space<hbm>> -> memref<10000x128xf32, #tpu.memory_space<hbm>>
        tpu.enqueue_indirect_dma source(%dma_start3A_1151 : memref<10000x128xf32, #tpu.memory_space<hbm>>) target(%dma_start3A_1145 : memref<80x128xf32, #tpu.memory_space<vmem>>) offsets(%dma_start3A_1148 : memref<80xi32, #tpu.memory_space<vmem>>) semaphore(%arg13 : memref<!tpu.dma_semaphore, #tpu.memory_space<semaphore_mem>>)
      } else {
      }
      %mul3A_1004 = arith.constant 20 : i32
      %mul3A_1005 = arith.muli %scan3A_219, %mul3A_1004 : i32
      %add3A_1006 = arith.constant 17 : i32
      %add3A_1007 = arith.addi %mul3A_1005, %add3A_1006 : i32
      %dma_wait3A_1008 = arith.constant 0 : i32
      %dma_wait3A_1009 = arith.constant 0 : i32
      %dma_wait3A_1010 = arith.constant 1 : i32
      %dma_wait3A_1011 = arith.constant 0 : i32
      %dma_wait3A_1012 = arith.constant 0 : i32
      %dma_wait3A_1013 = tpu.memref_slice %arg10[%dma_wait3A_1010, %dma_wait3A_1011, %dma_wait3A_1012] : memref<4x80x128xf32, #tpu.memory_space<vmem>> -> memref<1x80x128xf32, #tpu.memory_space<vmem>>
      %dma_wait3A_1014 = tpu.memref_squeeze %dma_wait3A_1013 : memref<1x80x128xf32, #tpu.memory_space<vmem>> -> memref<80x128xf32, #tpu.memory_space<vmem>>
      %dma_wait3A_1015 = arith.constant 0 : i32
      %dma_wait3A_1016 = tpu.memref_slice %arg8[%dma_wait3A_1008, %dma_wait3A_1009, %dma_wait3A_1015] : memref<4x5x80xi32, #tpu.memory_space<vmem>> -> memref<1x1x80xi32, #tpu.memory_space<vmem>>
      %dma_wait3A_1017 = tpu.memref_squeeze %dma_wait3A_1016 : memref<1x1x80xi32, #tpu.memory_space<vmem>> -> memref<80xi32, #tpu.memory_space<vmem>>
      %dma_wait3A_1018 = arith.constant 0 : i32
      %dma_wait3A_1019 = arith.constant 0 : i32
      %dma_wait3A_1020 = tpu.memref_slice %arg2[%dma_wait3A_1018, %dma_wait3A_1019] : memref<10000x128xf32, #tpu.memory_space<hbm>> -> memref<10000x128xf32, #tpu.memory_space<hbm>>
      tpu.wait_indirect_dma semaphore(%arg12 : memref<!tpu.dma_semaphore, #tpu.memory_space<semaphore_mem>>) src(%dma_wait3A_1020 : memref<10000x128xf32, #tpu.memory_space<hbm>>) dst(%dma_wait3A_1014 : memref<80x128xf32, #tpu.memory_space<vmem>>)
      %dma_start3A_1021 = arith.constant 1 : i32
      %dma_start3A_1022 = arith.constant 3 : i32
      %dma_start3A_1023 = arith.constant 2 : i32
      %dma_start3A_1024 = arith.constant 0 : i32
      %dma_start3A_1025 = arith.constant 0 : i32
      %dma_start3A_1026 = tpu.memref_slice %arg10[%dma_start3A_1021, %dma_start3A_1024, %dma_start3A_1025] : memref<4x80x128xf32, #tpu.memory_space<vmem>> -> memref<1x80x128xf32, #tpu.memory_space<vmem>>
      %dma_start3A_1027 = tpu.memref_squeeze %dma_start3A_1026 : memref<1x80x128xf32, #tpu.memory_space<vmem>> -> memref<80x128xf32, #tpu.memory_space<vmem>>
      %dma_start3A_1028 = arith.constant 0 : i32
      %dma_start3A_1029 = tpu.memref_slice %arg9[%dma_start3A_1022, %dma_start3A_1023, %dma_start3A_1028] : memref<4x5x80xi32, #tpu.memory_space<vmem>> -> memref<1x1x80xi32, #tpu.memory_space<vmem>>
      %dma_start3A_1030 = tpu.memref_squeeze %dma_start3A_1029 : memref<1x1x80xi32, #tpu.memory_space<vmem>> -> memref<80xi32, #tpu.memory_space<vmem>>
      %dma_start3A_1031 = arith.constant 0 : i32
      %dma_start3A_1032 = arith.constant 0 : i32
      %dma_start3A_1033 = tpu.memref_slice %arg7[%dma_start3A_1031, %dma_start3A_1032] : memref<10000x128xf32, #tpu.memory_space<vmem_shared>> -> memref<10000x128xf32, #tpu.memory_space<vmem_shared>>
      tpu.enqueue_indirect_dma source(%dma_start3A_1027 : memref<80x128xf32, #tpu.memory_space<vmem>>) target(%dma_start3A_1033 : memref<10000x128xf32, #tpu.memory_space<vmem_shared>>) offsets(%dma_start3A_1030 : memref<80xi32, #tpu.memory_space<vmem>>) semaphore(%arg16 : memref<!tpu.dma_semaphore, #tpu.memory_space<semaphore_mem>>) {add = true}
      %ge3A_1034 = arith.constant 2 : i32
      %ge3A_1035 = arith.cmpi sge, %add3A_1007, %ge3A_1034 : i32
      %convert_element_type3A_1036 = arith.extui %ge3A_1035 : i1 to i32
      %cond3A_1037 = arith.constant 0 : i32
      %cond3A_1038 = arith.cmpi ne, %convert_element_type3A_1036, %cond3A_1037 : i32
      scf.if %cond3A_1038 {
        %dma_wait3A_1139 = arith.constant 3 : i32
        %dma_wait3A_1140 = arith.constant 0 : i32
        %dma_wait3A_1141 = arith.constant 0 : i32
        %dma_wait3A_1142 = arith.constant 0 : i32
        %dma_wait3A_1143 = arith.constant 0 : i32
        %dma_wait3A_1144 = tpu.memref_slice %arg10[%dma_wait3A_1139, %dma_wait3A_1142, %dma_wait3A_1143] : memref<4x80x128xf32, #tpu.memory_space<vmem>> -> memref<1x80x128xf32, #tpu.memory_space<vmem>>
        %dma_wait3A_1145 = tpu.memref_squeeze %dma_wait3A_1144 : memref<1x80x128xf32, #tpu.memory_space<vmem>> -> memref<80x128xf32, #tpu.memory_space<vmem>>
        %dma_wait3A_1146 = arith.constant 0 : i32
        %dma_wait3A_1147 = tpu.memref_slice %arg9[%dma_wait3A_1140, %dma_wait3A_1141, %dma_wait3A_1146] : memref<4x5x80xi32, #tpu.memory_space<vmem>> -> memref<1x1x80xi32, #tpu.memory_space<vmem>>
        %dma_wait3A_1148 = tpu.memref_squeeze %dma_wait3A_1147 : memref<1x1x80xi32, #tpu.memory_space<vmem>> -> memref<80xi32, #tpu.memory_space<vmem>>
        %dma_wait3A_1149 = arith.constant 0 : i32
        %dma_wait3A_1150 = arith.constant 0 : i32
        %dma_wait3A_1151 = tpu.memref_slice %arg7[%dma_wait3A_1149, %dma_wait3A_1150] : memref<10000x128xf32, #tpu.memory_space<vmem_shared>> -> memref<10000x128xf32, #tpu.memory_space<vmem_shared>>
        tpu.wait_indirect_dma semaphore(%arg18 : memref<!tpu.dma_semaphore, #tpu.memory_space<semaphore_mem>>) src(%dma_wait3A_1145 : memref<80x128xf32, #tpu.memory_space<vmem>>) dst(%dma_wait3A_1151 : memref<10000x128xf32, #tpu.memory_space<vmem_shared>>)
      } else {
      }
      %add3A_1039 = arith.constant 2 : i32
      %add3A_1040 = arith.addi %add3A_1007, %add3A_1039 : i32
      %lt3A_1041 = arith.constant 500 : i32
      %lt3A_1042 = arith.cmpi slt, %add3A_1040, %lt3A_1041 : i32
      %convert_element_type3A_1043 = arith.extui %lt3A_1042 : i1 to i32
      %cond3A_1044 = arith.constant 0 : i32
      %cond3A_1045 = arith.cmpi ne, %convert_element_type3A_1043, %cond3A_1044 : i32
      scf.if %cond3A_1045 {
        %dma_start3A_1139 = arith.constant 3 : i32
        %dma_start3A_1140 = arith.constant 4 : i32
        %dma_start3A_1141 = arith.constant 3 : i32
        %dma_start3A_1142 = arith.constant 0 : i32
        %dma_start3A_1143 = arith.constant 0 : i32
        %dma_start3A_1144 = tpu.memref_slice %arg10[%dma_start3A_1141, %dma_start3A_1142, %dma_start3A_1143] : memref<4x80x128xf32, #tpu.memory_space<vmem>> -> memref<1x80x128xf32, #tpu.memory_space<vmem>>
        %dma_start3A_1145 = tpu.memref_squeeze %dma_start3A_1144 : memref<1x80x128xf32, #tpu.memory_space<vmem>> -> memref<80x128xf32, #tpu.memory_space<vmem>>
        %dma_start3A_1146 = arith.constant 0 : i32
        %dma_start3A_1147 = tpu.memref_slice %arg8[%dma_start3A_1139, %dma_start3A_1140, %dma_start3A_1146] : memref<4x5x80xi32, #tpu.memory_space<vmem>> -> memref<1x1x80xi32, #tpu.memory_space<vmem>>
        %dma_start3A_1148 = tpu.memref_squeeze %dma_start3A_1147 : memref<1x1x80xi32, #tpu.memory_space<vmem>> -> memref<80xi32, #tpu.memory_space<vmem>>
        %dma_start3A_1149 = arith.constant 0 : i32
        %dma_start3A_1150 = arith.constant 0 : i32
        %dma_start3A_1151 = tpu.memref_slice %arg2[%dma_start3A_1149, %dma_start3A_1150] : memref<10000x128xf32, #tpu.memory_space<hbm>> -> memref<10000x128xf32, #tpu.memory_space<hbm>>
        tpu.enqueue_indirect_dma source(%dma_start3A_1151 : memref<10000x128xf32, #tpu.memory_space<hbm>>) target(%dma_start3A_1145 : memref<80x128xf32, #tpu.memory_space<vmem>>) offsets(%dma_start3A_1148 : memref<80xi32, #tpu.memory_space<vmem>>) semaphore(%arg14 : memref<!tpu.dma_semaphore, #tpu.memory_space<semaphore_mem>>)
      } else {
      }
      %mul3A_1046 = arith.constant 20 : i32
      %mul3A_1047 = arith.muli %scan3A_219, %mul3A_1046 : i32
      %add3A_1048 = arith.constant 18 : i32
      %add3A_1049 = arith.addi %mul3A_1047, %add3A_1048 : i32
      %dma_wait3A_1050 = arith.constant 0 : i32
      %dma_wait3A_1051 = arith.constant 0 : i32
      %dma_wait3A_1052 = arith.constant 2 : i32
      %dma_wait3A_1053 = arith.constant 0 : i32
      %dma_wait3A_1054 = arith.constant 0 : i32
      %dma_wait3A_1055 = tpu.memref_slice %arg10[%dma_wait3A_1052, %dma_wait3A_1053, %dma_wait3A_1054] : memref<4x80x128xf32, #tpu.memory_space<vmem>> -> memref<1x80x128xf32, #tpu.memory_space<vmem>>
      %dma_wait3A_1056 = tpu.memref_squeeze %dma_wait3A_1055 : memref<1x80x128xf32, #tpu.memory_space<vmem>> -> memref<80x128xf32, #tpu.memory_space<vmem>>
      %dma_wait3A_1057 = arith.constant 0 : i32
      %dma_wait3A_1058 = tpu.memref_slice %arg8[%dma_wait3A_1050, %dma_wait3A_1051, %dma_wait3A_1057] : memref<4x5x80xi32, #tpu.memory_space<vmem>> -> memref<1x1x80xi32, #tpu.memory_space<vmem>>
      %dma_wait3A_1059 = tpu.memref_squeeze %dma_wait3A_1058 : memref<1x1x80xi32, #tpu.memory_space<vmem>> -> memref<80xi32, #tpu.memory_space<vmem>>
      %dma_wait3A_1060 = arith.constant 0 : i32
      %dma_wait3A_1061 = arith.constant 0 : i32
      %dma_wait3A_1062 = tpu.memref_slice %arg2[%dma_wait3A_1060, %dma_wait3A_1061] : memref<10000x128xf32, #tpu.memory_space<hbm>> -> memref<10000x128xf32, #tpu.memory_space<hbm>>
      tpu.wait_indirect_dma semaphore(%arg13 : memref<!tpu.dma_semaphore, #tpu.memory_space<semaphore_mem>>) src(%dma_wait3A_1062 : memref<10000x128xf32, #tpu.memory_space<hbm>>) dst(%dma_wait3A_1056 : memref<80x128xf32, #tpu.memory_space<vmem>>)
      %dma_start3A_1063 = arith.constant 2 : i32
      %dma_start3A_1064 = arith.constant 3 : i32
      %dma_start3A_1065 = arith.constant 3 : i32
      %dma_start3A_1066 = arith.constant 0 : i32
      %dma_start3A_1067 = arith.constant 0 : i32
      %dma_start3A_1068 = tpu.memref_slice %arg10[%dma_start3A_1063, %dma_start3A_1066, %dma_start3A_1067] : memref<4x80x128xf32, #tpu.memory_space<vmem>> -> memref<1x80x128xf32, #tpu.memory_space<vmem>>
      %dma_start3A_1069 = tpu.memref_squeeze %dma_start3A_1068 : memref<1x80x128xf32, #tpu.memory_space<vmem>> -> memref<80x128xf32, #tpu.memory_space<vmem>>
      %dma_start3A_1070 = arith.constant 0 : i32
      %dma_start3A_1071 = tpu.memref_slice %arg9[%dma_start3A_1064, %dma_start3A_1065, %dma_start3A_1070] : memref<4x5x80xi32, #tpu.memory_space<vmem>> -> memref<1x1x80xi32, #tpu.memory_space<vmem>>
      %dma_start3A_1072 = tpu.memref_squeeze %dma_start3A_1071 : memref<1x1x80xi32, #tpu.memory_space<vmem>> -> memref<80xi32, #tpu.memory_space<vmem>>
      %dma_start3A_1073 = arith.constant 0 : i32
      %dma_start3A_1074 = arith.constant 0 : i32
      %dma_start3A_1075 = tpu.memref_slice %arg7[%dma_start3A_1073, %dma_start3A_1074] : memref<10000x128xf32, #tpu.memory_space<vmem_shared>> -> memref<10000x128xf32, #tpu.memory_space<vmem_shared>>
      tpu.enqueue_indirect_dma source(%dma_start3A_1069 : memref<80x128xf32, #tpu.memory_space<vmem>>) target(%dma_start3A_1075 : memref<10000x128xf32, #tpu.memory_space<vmem_shared>>) offsets(%dma_start3A_1072 : memref<80xi32, #tpu.memory_space<vmem>>) semaphore(%arg17 : memref<!tpu.dma_semaphore, #tpu.memory_space<semaphore_mem>>) {add = true}
      %ge3A_1076 = arith.constant 2 : i32
      %ge3A_1077 = arith.cmpi sge, %add3A_1049, %ge3A_1076 : i32
      %convert_element_type3A_1078 = arith.extui %ge3A_1077 : i1 to i32
      %cond3A_1079 = arith.constant 0 : i32
      %cond3A_1080 = arith.cmpi ne, %convert_element_type3A_1078, %cond3A_1079 : i32
      scf.if %cond3A_1080 {
        %dma_wait3A_1139 = arith.constant 0 : i32
        %dma_wait3A_1140 = arith.constant 0 : i32
        %dma_wait3A_1141 = arith.constant 0 : i32
        %dma_wait3A_1142 = arith.constant 0 : i32
        %dma_wait3A_1143 = arith.constant 0 : i32
        %dma_wait3A_1144 = tpu.memref_slice %arg10[%dma_wait3A_1139, %dma_wait3A_1142, %dma_wait3A_1143] : memref<4x80x128xf32, #tpu.memory_space<vmem>> -> memref<1x80x128xf32, #tpu.memory_space<vmem>>
        %dma_wait3A_1145 = tpu.memref_squeeze %dma_wait3A_1144 : memref<1x80x128xf32, #tpu.memory_space<vmem>> -> memref<80x128xf32, #tpu.memory_space<vmem>>
        %dma_wait3A_1146 = arith.constant 0 : i32
        %dma_wait3A_1147 = tpu.memref_slice %arg9[%dma_wait3A_1140, %dma_wait3A_1141, %dma_wait3A_1146] : memref<4x5x80xi32, #tpu.memory_space<vmem>> -> memref<1x1x80xi32, #tpu.memory_space<vmem>>
        %dma_wait3A_1148 = tpu.memref_squeeze %dma_wait3A_1147 : memref<1x1x80xi32, #tpu.memory_space<vmem>> -> memref<80xi32, #tpu.memory_space<vmem>>
        %dma_wait3A_1149 = arith.constant 0 : i32
        %dma_wait3A_1150 = arith.constant 0 : i32
        %dma_wait3A_1151 = tpu.memref_slice %arg7[%dma_wait3A_1149, %dma_wait3A_1150] : memref<10000x128xf32, #tpu.memory_space<vmem_shared>> -> memref<10000x128xf32, #tpu.memory_space<vmem_shared>>
        tpu.wait_indirect_dma semaphore(%arg15 : memref<!tpu.dma_semaphore, #tpu.memory_space<semaphore_mem>>) src(%dma_wait3A_1145 : memref<80x128xf32, #tpu.memory_space<vmem>>) dst(%dma_wait3A_1151 : memref<10000x128xf32, #tpu.memory_space<vmem_shared>>)
      } else {
      }
      %mul3A_1081 = arith.constant 4 : i32
      %mul3A_1082 = arith.muli %mul3A_1081, %scan3A_219 : i32
      %add3A_1083 = arith.constant 4 : i32
      %add3A_1084 = arith.addi %mul3A_1082, %add3A_1083 : i32
      %lt3A_1085 = arith.constant 100 : i32
      %lt3A_1086 = arith.cmpi slt, %add3A_1084, %lt3A_1085 : i32
      %convert_element_type3A_1087 = arith.extui %lt3A_1086 : i1 to i32
      %cond3A_1088 = arith.constant 0 : i32
      %cond3A_1089 = arith.cmpi ne, %convert_element_type3A_1087, %cond3A_1088 : i32
      scf.if %cond3A_1089 {
        %dma_wait3A_1139 = arith.constant 0 : i32
        %dma_wait3A_1140 = arith.constant 0 : i32
        %dma_wait3A_1141 = arith.constant 0 : i32
        %dma_wait3A_1142 = arith.constant 0 : i32
        %dma_wait3A_1143 = arith.constant 0 : i32
        %dma_wait3A_1144 = tpu.memref_slice %arg8[%dma_wait3A_1141, %dma_wait3A_1142, %dma_wait3A_1143] : memref<4x5x80xi32, #tpu.memory_space<vmem>> -> memref<1x5x80xi32, #tpu.memory_space<vmem>>
        %dma_wait3A_1145 = tpu.memref_squeeze %dma_wait3A_1144 : memref<1x5x80xi32, #tpu.memory_space<vmem>> -> memref<5x80xi32, #tpu.memory_space<vmem>>
        %dma_wait3A_1146 = arith.constant 0 : i32
        %dma_wait3A_1147 = arith.constant 0 : i32
        %dma_wait3A_1148 = tpu.memref_slice %arg3[%dma_wait3A_1139, %dma_wait3A_1140, %dma_wait3A_1146, %dma_wait3A_1147] : memref<32x100x5x80xi32, #tpu.memory_space<hbm>> -> memref<1x1x5x80xi32, #tpu.memory_space<hbm>>
        %dma_wait3A_1149 = tpu.memref_squeeze %dma_wait3A_1148 : memref<1x1x5x80xi32, #tpu.memory_space<hbm>> -> memref<5x80xi32, #tpu.memory_space<hbm>>
        %dma_wait3A_1150 = arith.constant 0 : i32
        %dma_wait3A_1151 = arith.constant 0 : i32
        %dma_wait3A_1152 = tpu.memref_slice %arg8[%dma_wait3A_1141, %dma_wait3A_1150, %dma_wait3A_1151] : memref<4x5x80xi32, #tpu.memory_space<vmem>> -> memref<1x5x80xi32, #tpu.memory_space<vmem>>
        %dma_wait3A_1153 = tpu.memref_squeeze %dma_wait3A_1152 : memref<1x5x80xi32, #tpu.memory_space<vmem>> -> memref<5x80xi32, #tpu.memory_space<vmem>>
        %dma_wait3A_1154 = arith.constant 0 : i32
        %dma_wait3A_1155 = arith.constant 0 : i32
        %dma_wait3A_1156 = tpu.memref_slice %arg3[%dma_wait3A_1139, %dma_wait3A_1140, %dma_wait3A_1154, %dma_wait3A_1155] : memref<32x100x5x80xi32, #tpu.memory_space<hbm>> -> memref<1x1x5x80xi32, #tpu.memory_space<hbm>>
        %dma_wait3A_1157 = tpu.memref_squeeze %dma_wait3A_1156 : memref<1x1x5x80xi32, #tpu.memory_space<hbm>> -> memref<5x80xi32, #tpu.memory_space<hbm>>
        tpu.wait_dma2 semaphore(%arg19 : memref<!tpu.dma_semaphore, #tpu.memory_space<semaphore_mem>>) src(%dma_wait3A_1157 : memref<5x80xi32, #tpu.memory_space<hbm>>) dst(%dma_wait3A_1153 : memref<5x80xi32, #tpu.memory_space<vmem>>)
        %dma_wait3A_1158 = arith.constant 0 : i32
        %dma_wait3A_1159 = arith.constant 0 : i32
        %dma_wait3A_1160 = arith.constant 0 : i32
        %dma_wait3A_1161 = arith.constant 0 : i32
        %dma_wait3A_1162 = arith.constant 0 : i32
        %dma_wait3A_1163 = tpu.memref_slice %arg9[%dma_wait3A_1160, %dma_wait3A_1161, %dma_wait3A_1162] : memref<4x5x80xi32, #tpu.memory_space<vmem>> -> memref<1x5x80xi32, #tpu.memory_space<vmem>>
        %dma_wait3A_1164 = tpu.memref_squeeze %dma_wait3A_1163 : memref<1x5x80xi32, #tpu.memory_space<vmem>> -> memref<5x80xi32, #tpu.memory_space<vmem>>
        %dma_wait3A_1165 = arith.constant 0 : i32
        %dma_wait3A_1166 = arith.constant 0 : i32
        %dma_wait3A_1167 = tpu.memref_slice %arg4[%dma_wait3A_1158, %dma_wait3A_1159, %dma_wait3A_1165, %dma_wait3A_1166] : memref<32x100x5x80xi32, #tpu.memory_space<hbm>> -> memref<1x1x5x80xi32, #tpu.memory_space<hbm>>
        %dma_wait3A_1168 = tpu.memref_squeeze %dma_wait3A_1167 : memref<1x1x5x80xi32, #tpu.memory_space<hbm>> -> memref<5x80xi32, #tpu.memory_space<hbm>>
        %dma_wait3A_1169 = arith.constant 0 : i32
        %dma_wait3A_1170 = arith.constant 0 : i32
        %dma_wait3A_1171 = tpu.memref_slice %arg9[%dma_wait3A_1160, %dma_wait3A_1169, %dma_wait3A_1170] : memref<4x5x80xi32, #tpu.memory_space<vmem>> -> memref<1x5x80xi32, #tpu.memory_space<vmem>>
        %dma_wait3A_1172 = tpu.memref_squeeze %dma_wait3A_1171 : memref<1x5x80xi32, #tpu.memory_space<vmem>> -> memref<5x80xi32, #tpu.memory_space<vmem>>
        %dma_wait3A_1173 = arith.constant 0 : i32
        %dma_wait3A_1174 = arith.constant 0 : i32
        %dma_wait3A_1175 = tpu.memref_slice %arg4[%dma_wait3A_1158, %dma_wait3A_1159, %dma_wait3A_1173, %dma_wait3A_1174] : memref<32x100x5x80xi32, #tpu.memory_space<hbm>> -> memref<1x1x5x80xi32, #tpu.memory_space<hbm>>
        %dma_wait3A_1176 = tpu.memref_squeeze %dma_wait3A_1175 : memref<1x1x5x80xi32, #tpu.memory_space<hbm>> -> memref<5x80xi32, #tpu.memory_space<hbm>>
        tpu.wait_dma2 semaphore(%arg19 : memref<!tpu.dma_semaphore, #tpu.memory_space<semaphore_mem>>) src(%dma_wait3A_1176 : memref<5x80xi32, #tpu.memory_space<hbm>>) dst(%dma_wait3A_1172 : memref<5x80xi32, #tpu.memory_space<vmem>>)
      } else {
      }
      %add3A_1090 = arith.constant 2 : i32
      %add3A_1091 = arith.addi %add3A_1049, %add3A_1090 : i32
      %lt3A_1092 = arith.constant 500 : i32
      %lt3A_1093 = arith.cmpi slt, %add3A_1091, %lt3A_1092 : i32
      %convert_element_type3A_1094 = arith.extui %lt3A_1093 : i1 to i32
      %cond3A_1095 = arith.constant 0 : i32
      %cond3A_1096 = arith.cmpi ne, %convert_element_type3A_1094, %cond3A_1095 : i32
      scf.if %cond3A_1096 {
        %dma_start3A_1139 = arith.constant 0 : i32
        %dma_start3A_1140 = arith.constant 0 : i32
        %dma_start3A_1141 = arith.constant 0 : i32
        %dma_start3A_1142 = arith.constant 0 : i32
        %dma_start3A_1143 = arith.constant 0 : i32
        %dma_start3A_1144 = tpu.memref_slice %arg10[%dma_start3A_1141, %dma_start3A_1142, %dma_start3A_1143] : memref<4x80x128xf32, #tpu.memory_space<vmem>> -> memref<1x80x128xf32, #tpu.memory_space<vmem>>
        %dma_start3A_1145 = tpu.memref_squeeze %dma_start3A_1144 : memref<1x80x128xf32, #tpu.memory_space<vmem>> -> memref<80x128xf32, #tpu.memory_space<vmem>>
        %dma_start3A_1146 = arith.constant 0 : i32
        %dma_start3A_1147 = tpu.memref_slice %arg8[%dma_start3A_1139, %dma_start3A_1140, %dma_start3A_1146] : memref<4x5x80xi32, #tpu.memory_space<vmem>> -> memref<1x1x80xi32, #tpu.memory_space<vmem>>
        %dma_start3A_1148 = tpu.memref_squeeze %dma_start3A_1147 : memref<1x1x80xi32, #tpu.memory_space<vmem>> -> memref<80xi32, #tpu.memory_space<vmem>>
        %dma_start3A_1149 = arith.constant 0 : i32
        %dma_start3A_1150 = arith.constant 0 : i32
        %dma_start3A_1151 = tpu.memref_slice %arg2[%dma_start3A_1149, %dma_start3A_1150] : memref<10000x128xf32, #tpu.memory_space<hbm>> -> memref<10000x128xf32, #tpu.memory_space<hbm>>
        tpu.enqueue_indirect_dma source(%dma_start3A_1151 : memref<10000x128xf32, #tpu.memory_space<hbm>>) target(%dma_start3A_1145 : memref<80x128xf32, #tpu.memory_space<vmem>>) offsets(%dma_start3A_1148 : memref<80xi32, #tpu.memory_space<vmem>>) semaphore(%arg11 : memref<!tpu.dma_semaphore, #tpu.memory_space<semaphore_mem>>)
      } else {
      }
      %mul3A_1097 = arith.constant 20 : i32
      %mul3A_1098 = arith.muli %scan3A_219, %mul3A_1097 : i32
      %add3A_1099 = arith.constant 19 : i32
      %add3A_1100 = arith.addi %mul3A_1098, %add3A_1099 : i32
      %dma_wait3A_1101 = arith.constant 0 : i32
      %dma_wait3A_1102 = arith.constant 0 : i32
      %dma_wait3A_1103 = arith.constant 3 : i32
      %dma_wait3A_1104 = arith.constant 0 : i32
      %dma_wait3A_1105 = arith.constant 0 : i32
      %dma_wait3A_1106 = tpu.memref_slice %arg10[%dma_wait3A_1103, %dma_wait3A_1104, %dma_wait3A_1105] : memref<4x80x128xf32, #tpu.memory_space<vmem>> -> memref<1x80x128xf32, #tpu.memory_space<vmem>>
      %dma_wait3A_1107 = tpu.memref_squeeze %dma_wait3A_1106 : memref<1x80x128xf32, #tpu.memory_space<vmem>> -> memref<80x128xf32, #tpu.memory_space<vmem>>
      %dma_wait3A_1108 = arith.constant 0 : i32
      %dma_wait3A_1109 = tpu.memref_slice %arg8[%dma_wait3A_1101, %dma_wait3A_1102, %dma_wait3A_1108] : memref<4x5x80xi32, #tpu.memory_space<vmem>> -> memref<1x1x80xi32, #tpu.memory_space<vmem>>
      %dma_wait3A_1110 = tpu.memref_squeeze %dma_wait3A_1109 : memref<1x1x80xi32, #tpu.memory_space<vmem>> -> memref<80xi32, #tpu.memory_space<vmem>>
      %dma_wait3A_1111 = arith.constant 0 : i32
      %dma_wait3A_1112 = arith.constant 0 : i32
      %dma_wait3A_1113 = tpu.memref_slice %arg2[%dma_wait3A_1111, %dma_wait3A_1112] : memref<10000x128xf32, #tpu.memory_space<hbm>> -> memref<10000x128xf32, #tpu.memory_space<hbm>>
      tpu.wait_indirect_dma semaphore(%arg14 : memref<!tpu.dma_semaphore, #tpu.memory_space<semaphore_mem>>) src(%dma_wait3A_1113 : memref<10000x128xf32, #tpu.memory_space<hbm>>) dst(%dma_wait3A_1107 : memref<80x128xf32, #tpu.memory_space<vmem>>)
      %dma_start3A_1114 = arith.constant 3 : i32
      %dma_start3A_1115 = arith.constant 3 : i32
      %dma_start3A_1116 = arith.constant 4 : i32
      %dma_start3A_1117 = arith.constant 0 : i32
      %dma_start3A_1118 = arith.constant 0 : i32
      %dma_start3A_1119 = tpu.memref_slice %arg10[%dma_start3A_1114, %dma_start3A_1117, %dma_start3A_1118] : memref<4x80x128xf32, #tpu.memory_space<vmem>> -> memref<1x80x128xf32, #tpu.memory_space<vmem>>
      %dma_start3A_1120 = tpu.memref_squeeze %dma_start3A_1119 : memref<1x80x128xf32, #tpu.memory_space<vmem>> -> memref<80x128xf32, #tpu.memory_space<vmem>>
      %dma_start3A_1121 = arith.constant 0 : i32
      %dma_start3A_1122 = tpu.memref_slice %arg9[%dma_start3A_1115, %dma_start3A_1116, %dma_start3A_1121] : memref<4x5x80xi32, #tpu.memory_space<vmem>> -> memref<1x1x80xi32, #tpu.memory_space<vmem>>
      %dma_start3A_1123 = tpu.memref_squeeze %dma_start3A_1122 : memref<1x1x80xi32, #tpu.memory_space<vmem>> -> memref<80xi32, #tpu.memory_space<vmem>>
      %dma_start3A_1124 = arith.constant 0 : i32
      %dma_start3A_1125 = arith.constant 0 : i32
      %dma_start3A_1126 = tpu.memref_slice %arg7[%dma_start3A_1124, %dma_start3A_1125] : memref<10000x128xf32, #tpu.memory_space<vmem_shared>> -> memref<10000x128xf32, #tpu.memory_space<vmem_shared>>
      tpu.enqueue_indirect_dma source(%dma_start3A_1120 : memref<80x128xf32, #tpu.memory_space<vmem>>) target(%dma_start3A_1126 : memref<10000x128xf32, #tpu.memory_space<vmem_shared>>) offsets(%dma_start3A_1123 : memref<80xi32, #tpu.memory_space<vmem>>) semaphore(%arg18 : memref<!tpu.dma_semaphore, #tpu.memory_space<semaphore_mem>>) {add = true}
      %ge3A_1127 = arith.constant 2 : i32
      %ge3A_1128 = arith.cmpi sge, %add3A_1100, %ge3A_1127 : i32
      %convert_element_type3A_1129 = arith.extui %ge3A_1128 : i1 to i32
      %cond3A_1130 = arith.constant 0 : i32
      %cond3A_1131 = arith.cmpi ne, %convert_element_type3A_1129, %cond3A_1130 : i32
      scf.if %cond3A_1131 {
        %dma_wait3A_1139 = arith.constant 1 : i32
        %dma_wait3A_1140 = arith.constant 0 : i32
        %dma_wait3A_1141 = arith.constant 0 : i32
        %dma_wait3A_1142 = arith.constant 0 : i32
        %dma_wait3A_1143 = arith.constant 0 : i32
        %dma_wait3A_1144 = tpu.memref_slice %arg10[%dma_wait3A_1139, %dma_wait3A_1142, %dma_wait3A_1143] : memref<4x80x128xf32, #tpu.memory_space<vmem>> -> memref<1x80x128xf32, #tpu.memory_space<vmem>>
        %dma_wait3A_1145 = tpu.memref_squeeze %dma_wait3A_1144 : memref<1x80x128xf32, #tpu.memory_space<vmem>> -> memref<80x128xf32, #tpu.memory_space<vmem>>
        %dma_wait3A_1146 = arith.constant 0 : i32
        %dma_wait3A_1147 = tpu.memref_slice %arg9[%dma_wait3A_1140, %dma_wait3A_1141, %dma_wait3A_1146] : memref<4x5x80xi32, #tpu.memory_space<vmem>> -> memref<1x1x80xi32, #tpu.memory_space<vmem>>
        %dma_wait3A_1148 = tpu.memref_squeeze %dma_wait3A_1147 : memref<1x1x80xi32, #tpu.memory_space<vmem>> -> memref<80xi32, #tpu.memory_space<vmem>>
        %dma_wait3A_1149 = arith.constant 0 : i32
        %dma_wait3A_1150 = arith.constant 0 : i32
        %dma_wait3A_1151 = tpu.memref_slice %arg7[%dma_wait3A_1149, %dma_wait3A_1150] : memref<10000x128xf32, #tpu.memory_space<vmem_shared>> -> memref<10000x128xf32, #tpu.memory_space<vmem_shared>>
        tpu.wait_indirect_dma semaphore(%arg16 : memref<!tpu.dma_semaphore, #tpu.memory_space<semaphore_mem>>) src(%dma_wait3A_1145 : memref<80x128xf32, #tpu.memory_space<vmem>>) dst(%dma_wait3A_1151 : memref<10000x128xf32, #tpu.memory_space<vmem_shared>>)
      } else {
      }
      %add3A_1132 = arith.constant 2 : i32
      %add3A_1133 = arith.addi %add3A_1100, %add3A_1132 : i32
      %lt3A_1134 = arith.constant 500 : i32
      %lt3A_1135 = arith.cmpi slt, %add3A_1133, %lt3A_1134 : i32
      %convert_element_type3A_1136 = arith.extui %lt3A_1135 : i1 to i32
      %cond3A_1137 = arith.constant 0 : i32
      %cond3A_1138 = arith.cmpi ne, %convert_element_type3A_1136, %cond3A_1137 : i32
      scf.if %cond3A_1138 {
        %dma_start3A_1139 = arith.constant 0 : i32
        %dma_start3A_1140 = arith.constant 1 : i32
        %dma_start3A_1141 = arith.constant 1 : i32
        %dma_start3A_1142 = arith.constant 0 : i32
        %dma_start3A_1143 = arith.constant 0 : i32
        %dma_start3A_1144 = tpu.memref_slice %arg10[%dma_start3A_1141, %dma_start3A_1142, %dma_start3A_1143] : memref<4x80x128xf32, #tpu.memory_space<vmem>> -> memref<1x80x128xf32, #tpu.memory_space<vmem>>
        %dma_start3A_1145 = tpu.memref_squeeze %dma_start3A_1144 : memref<1x80x128xf32, #tpu.memory_space<vmem>> -> memref<80x128xf32, #tpu.memory_space<vmem>>
        %dma_start3A_1146 = arith.constant 0 : i32
        %dma_start3A_1147 = tpu.memref_slice %arg8[%dma_start3A_1139, %dma_start3A_1140, %dma_start3A_1146] : memref<4x5x80xi32, #tpu.memory_space<vmem>> -> memref<1x1x80xi32, #tpu.memory_space<vmem>>
        %dma_start3A_1148 = tpu.memref_squeeze %dma_start3A_1147 : memref<1x1x80xi32, #tpu.memory_space<vmem>> -> memref<80xi32, #tpu.memory_space<vmem>>
        %dma_start3A_1149 = arith.constant 0 : i32
        %dma_start3A_1150 = arith.constant 0 : i32
        %dma_start3A_1151 = tpu.memref_slice %arg2[%dma_start3A_1149, %dma_start3A_1150] : memref<10000x128xf32, #tpu.memory_space<hbm>> -> memref<10000x128xf32, #tpu.memory_space<hbm>>
        tpu.enqueue_indirect_dma source(%dma_start3A_1151 : memref<10000x128xf32, #tpu.memory_space<hbm>>) target(%dma_start3A_1145 : memref<80x128xf32, #tpu.memory_space<vmem>>) offsets(%dma_start3A_1148 : memref<80xi32, #tpu.memory_space<vmem>>) semaphore(%arg12 : memref<!tpu.dma_semaphore, #tpu.memory_space<semaphore_mem>>)
      } else {
      }
    }
    %scan3A_181 = arith.constant 25 : i32
    %dma_wait3A_182 = arith.constant 2 : i32
    %dma_wait3A_183 = arith.constant 0 : i32
    %dma_wait3A_184 = arith.constant 0 : i32
    %dma_wait3A_185 = arith.constant 0 : i32
    %dma_wait3A_186 = arith.constant 0 : i32
    %dma_wait3A_187 = tpu.memref_slice %arg10[%dma_wait3A_182, %dma_wait3A_185, %dma_wait3A_186] : memref<4x80x128xf32, #tpu.memory_space<vmem>> -> memref<1x80x128xf32, #tpu.memory_space<vmem>>
    %dma_wait3A_188 = tpu.memref_squeeze %dma_wait3A_187 : memref<1x80x128xf32, #tpu.memory_space<vmem>> -> memref<80x128xf32, #tpu.memory_space<vmem>>
    %dma_wait3A_189 = arith.constant 0 : i32
    %dma_wait3A_190 = tpu.memref_slice %arg9[%dma_wait3A_183, %dma_wait3A_184, %dma_wait3A_189] : memref<4x5x80xi32, #tpu.memory_space<vmem>> -> memref<1x1x80xi32, #tpu.memory_space<vmem>>
    %dma_wait3A_191 = tpu.memref_squeeze %dma_wait3A_190 : memref<1x1x80xi32, #tpu.memory_space<vmem>> -> memref<80xi32, #tpu.memory_space<vmem>>
    %dma_wait3A_192 = arith.constant 0 : i32
    %dma_wait3A_193 = arith.constant 0 : i32
    %dma_wait3A_194 = tpu.memref_slice %arg7[%dma_wait3A_192, %dma_wait3A_193] : memref<10000x128xf32, #tpu.memory_space<vmem_shared>> -> memref<10000x128xf32, #tpu.memory_space<vmem_shared>>
    tpu.wait_indirect_dma semaphore(%arg17 : memref<!tpu.dma_semaphore, #tpu.memory_space<semaphore_mem>>) src(%dma_wait3A_188 : memref<80x128xf32, #tpu.memory_space<vmem>>) dst(%dma_wait3A_194 : memref<10000x128xf32, #tpu.memory_space<vmem_shared>>)
    %dma_wait3A_195 = arith.constant 3 : i32
    %dma_wait3A_196 = arith.constant 0 : i32
    %dma_wait3A_197 = arith.constant 0 : i32
    %dma_wait3A_198 = arith.constant 0 : i32
    %dma_wait3A_199 = arith.constant 0 : i32
    %dma_wait3A_200 = tpu.memref_slice %arg10[%dma_wait3A_195, %dma_wait3A_198, %dma_wait3A_199] : memref<4x80x128xf32, #tpu.memory_space<vmem>> -> memref<1x80x128xf32, #tpu.memory_space<vmem>>
    %dma_wait3A_201 = tpu.memref_squeeze %dma_wait3A_200 : memref<1x80x128xf32, #tpu.memory_space<vmem>> -> memref<80x128xf32, #tpu.memory_space<vmem>>
    %dma_wait3A_202 = arith.constant 0 : i32
    %dma_wait3A_203 = tpu.memref_slice %arg9[%dma_wait3A_196, %dma_wait3A_197, %dma_wait3A_202] : memref<4x5x80xi32, #tpu.memory_space<vmem>> -> memref<1x1x80xi32, #tpu.memory_space<vmem>>
    %dma_wait3A_204 = tpu.memref_squeeze %dma_wait3A_203 : memref<1x1x80xi32, #tpu.memory_space<vmem>> -> memref<80xi32, #tpu.memory_space<vmem>>
    %dma_wait3A_205 = arith.constant 0 : i32
    %dma_wait3A_206 = arith.constant 0 : i32
    %dma_wait3A_207 = tpu.memref_slice %arg7[%dma_wait3A_205, %dma_wait3A_206] : memref<10000x128xf32, #tpu.memory_space<vmem_shared>> -> memref<10000x128xf32, #tpu.memory_space<vmem_shared>>
    tpu.wait_indirect_dma semaphore(%arg18 : memref<!tpu.dma_semaphore, #tpu.memory_space<semaphore_mem>>) src(%dma_wait3A_201 : memref<80x128xf32, #tpu.memory_space<vmem>>) dst(%dma_wait3A_207 : memref<10000x128xf32, #tpu.memory_space<vmem_shared>>)
    %barrier3A_208 = arith.constant 0 : index
    tpu.barrier barrier_id(%barrier3A_208)
    %lt3A_209 = arith.constant 15 : i32
    %lt3A_210 = arith.cmpi slt, %arg1, %lt3A_209 : i32
    %convert_element_type3A_211 = arith.extui %lt3A_210 : i1 to i32
    %cond3A_212 = arith.constant 0 : i32
    %cond3A_213 = arith.cmpi ne, %convert_element_type3A_211, %cond3A_212 : i32
    scf.if %cond3A_213 {
      %mul3A_219 = arith.constant 632 : i32
      %mul3A_220 = arith.muli %arg1, %mul3A_219 : i32
      %mul3A_221 = arith.constant 632 : i32
      %mul3A_222 = arith.muli %arg1, %mul3A_221 : i32
      "tpu.region"() ({
        %run_scoped3A = tpu.sem_alloc : memref<!tpu.dma_semaphore, #tpu.memory_space<semaphore_mem>>
        %dma_start3A_223 = arith.constant 0 : i32
        %dma_start3A_224 = tpu.memref_slice %arg6[%arg0, %mul3A_222, %dma_start3A_223] : memref<2x10000x128xf32, #tpu.memory_space<hbm>> -> memref<1x632x128xf32, #tpu.memory_space<hbm>>
        %dma_start3A_225 = tpu.memref_squeeze %dma_start3A_224 : memref<1x632x128xf32, #tpu.memory_space<hbm>> -> memref<632x128xf32, #tpu.memory_space<hbm>>
        %dma_start3A_226 = arith.constant 0 : i32
        %dma_start3A_227 = tpu.memref_slice %arg7[%mul3A_220, %dma_start3A_226] : memref<10000x128xf32, #tpu.memory_space<vmem_shared>> -> memref<632x128xf32, #tpu.memory_space<vmem_shared>>
        tpu.enqueue_dma source(%dma_start3A_227 : memref<632x128xf32, #tpu.memory_space<vmem_shared>>) target(%dma_start3A_225 : memref<632x128xf32, #tpu.memory_space<hbm>>) target_semaphore(%run_scoped3A : memref<!tpu.dma_semaphore, #tpu.memory_space<semaphore_mem>>)
        %dma_wait3A_228 = arith.constant 0 : i32
        %dma_wait3A_229 = tpu.memref_slice %arg6[%arg0, %mul3A_222, %dma_wait3A_228] : memref<2x10000x128xf32, #tpu.memory_space<hbm>> -> memref<1x632x128xf32, #tpu.memory_space<hbm>>
        %dma_wait3A_230 = tpu.memref_squeeze %dma_wait3A_229 : memref<1x632x128xf32, #tpu.memory_space<hbm>> -> memref<632x128xf32, #tpu.memory_space<hbm>>
        %dma_wait3A_231 = arith.constant 0 : i32
        %dma_wait3A_232 = tpu.memref_slice %arg7[%mul3A_220, %dma_wait3A_231] : memref<10000x128xf32, #tpu.memory_space<vmem_shared>> -> memref<632x128xf32, #tpu.memory_space<vmem_shared>>
        tpu.wait_dma2 semaphore(%run_scoped3A : memref<!tpu.dma_semaphore, #tpu.memory_space<semaphore_mem>>) src(%dma_wait3A_232 : memref<632x128xf32, #tpu.memory_space<vmem_shared>>) dst(%dma_wait3A_230 : memref<632x128xf32, #tpu.memory_space<hbm>>)
        tpu.yield
      }) : () -> ()
    } else {
    }
    %eq3A_214 = arith.constant 15 : i32
    %eq3A_215 = arith.cmpi eq, %arg1, %eq3A_214 : i32
    %convert_element_type3A_216 = arith.extui %eq3A_215 : i1 to i32
    %cond3A_217 = arith.constant 0 : i32
    %cond3A_218 = arith.cmpi ne, %convert_element_type3A_216, %cond3A_217 : i32
    scf.if %cond3A_218 {
      "tpu.region"() ({
        %run_scoped3A = tpu.sem_alloc : memref<!tpu.dma_semaphore, #tpu.memory_space<semaphore_mem>>
        %dma_start3A_219 = arith.constant 9480 : i32
        %dma_start3A_220 = arith.constant 0 : i32
        %dma_start3A_221 = tpu.memref_slice %arg6[%arg0, %dma_start3A_219, %dma_start3A_220] : memref<2x10000x128xf32, #tpu.memory_space<hbm>> -> memref<1x520x128xf32, #tpu.memory_space<hbm>>
        %dma_start3A_222 = tpu.memref_squeeze %dma_start3A_221 : memref<1x520x128xf32, #tpu.memory_space<hbm>> -> memref<520x128xf32, #tpu.memory_space<hbm>>
        %dma_start3A_223 = arith.constant 9480 : i32
        %dma_start3A_224 = arith.constant 0 : i32
        %dma_start3A_225 = tpu.memref_slice %arg7[%dma_start3A_223, %dma_start3A_224] : memref<10000x128xf32, #tpu.memory_space<vmem_shared>> -> memref<520x128xf32, #tpu.memory_space<vmem_shared>>
        tpu.enqueue_dma source(%dma_start3A_225 : memref<520x128xf32, #tpu.memory_space<vmem_shared>>) target(%dma_start3A_222 : memref<520x128xf32, #tpu.memory_space<hbm>>) target_semaphore(%run_scoped3A : memref<!tpu.dma_semaphore, #tpu.memory_space<semaphore_mem>>)
        %dma_wait3A_226 = arith.constant 9480 : i32
        %dma_wait3A_227 = arith.constant 0 : i32
        %dma_wait3A_228 = tpu.memref_slice %arg6[%arg0, %dma_wait3A_226, %dma_wait3A_227] : memref<2x10000x128xf32, #tpu.memory_space<hbm>> -> memref<1x520x128xf32, #tpu.memory_space<hbm>>
        %dma_wait3A_229 = tpu.memref_squeeze %dma_wait3A_228 : memref<1x520x128xf32, #tpu.memory_space<hbm>> -> memref<520x128xf32, #tpu.memory_space<hbm>>
        %dma_wait3A_230 = arith.constant 9480 : i32
        %dma_wait3A_231 = arith.constant 0 : i32
        %dma_wait3A_232 = tpu.memref_slice %arg7[%dma_wait3A_230, %dma_wait3A_231] : memref<10000x128xf32, #tpu.memory_space<vmem_shared>> -> memref<520x128xf32, #tpu.memory_space<vmem_shared>>
        tpu.wait_dma2 semaphore(%run_scoped3A : memref<!tpu.dma_semaphore, #tpu.memory_space<semaphore_mem>>) src(%dma_wait3A_232 : memref<520x128xf32, #tpu.memory_space<vmem_shared>>) dst(%dma_wait3A_229 : memref<520x128xf32, #tpu.memory_space<hbm>>)
        tpu.yield
      }) : () -> ()
    } else {
    }
    return
  }
}

module attributes {stable_mosaic.version = 14 : i64} {
  func.func @_tc_finish_body(%arg0: i32, %arg1: memref<2000x128xf32, #tpu.memory_space<vmem>>, %arg2: memref<128x128xf32, #tpu.memory_space<vmem>>, %arg3: memref<2x2000x128xf32, #tpu.memory_space<vmem>>, %arg4: memref<128x128xf32, #tpu.memory_space<vmem>>, %arg5: memref<2000x128xf32, #tpu.memory_space<vmem>>) attributes {dimension_semantics = [#tpu.dimension_semantics<arbitrary>], iteration_bounds = array<i64: 5>, scalar_prefetch = 0 : i64, scratch_operands = 0 : i64, tpu.core_type = #tpu.core_type<tc>, window_params = [{transform_indices = @transform_0, window_bounds = array<i64: 2000, 128>}, {pipeline_mode = #tpu.pipeline_mode<synchronous>, transform_indices = @transform_1, window_bounds = array<i64: 128, 128>}, {transform_indices = @transform_2, window_bounds = array<i64: 2, 2000, 128>}, {pipeline_mode = #tpu.pipeline_mode<synchronous>, transform_indices = @transform_3, window_bounds = array<i64: 128, 128>}, {transform_indices = @transform_4, window_bounds = array<i64: 2000, 128>}]} {
    %get3A = arith.constant 0 : index
    %get3A_0 = arith.constant 0 : index
    %get3A_1 = vector.load %arg1[%get3A, %get3A_0] : memref<2000x128xf32, #tpu.memory_space<vmem>>, vector<2000x128xf32>
    %get3A_2 = arith.constant 0 : index
    %get3A_3 = arith.constant 0 : index
    %get3A_4 = vector.load %arg2[%get3A_2, %get3A_3] : memref<128x128xf32, #tpu.memory_space<vmem>>, vector<128x128xf32>
    %dot_general3A = arith.constant dense<0.000000e+00> : vector<2000x128xf32>
    %dot_general3A_5 = tpu.matmul %get3A_1, %get3A_4, %dot_general3A {dimension_numbers = #tpu.dot_dimension_numbers<[1], [0], [0], [1], [0, 0, 1, 1], [], []>, transpose_lhs_hint = false} : vector<2000x128xf32>, vector<128x128xf32>, vector<2000x128xf32> -> vector<2000x128xf32>
    %get3A_6 = arith.constant 0 : index
    %get3A_7 = arith.constant 0 : index
    %get3A_8 = arith.constant 0 : index
    %get3A_9 = vector.load %arg3[%get3A_6, %get3A_7, %get3A_8] : memref<2x2000x128xf32, #tpu.memory_space<vmem>>, vector<1x2000x128xf32>
    %get3A_10 = vector.shape_cast %get3A_9 : vector<1x2000x128xf32> to vector<2000x128xf32>
    %get3A_11 = arith.constant 1 : index
    %get3A_12 = arith.constant 0 : index
    %get3A_13 = arith.constant 0 : index
    %get3A_14 = vector.load %arg3[%get3A_11, %get3A_12, %get3A_13] : memref<2x2000x128xf32, #tpu.memory_space<vmem>>, vector<1x2000x128xf32>
    %get3A_15 = vector.shape_cast %get3A_14 : vector<1x2000x128xf32> to vector<2000x128xf32>
    %add3A = arith.addf %get3A_10, %get3A_15 : vector<2000x128xf32>
    %get3A_16 = arith.constant 0 : index
    %get3A_17 = arith.constant 0 : index
    %get3A_18 = vector.load %arg4[%get3A_16, %get3A_17] : memref<128x128xf32, #tpu.memory_space<vmem>>, vector<128x128xf32>
    %dot_general3A_19 = arith.constant dense<0.000000e+00> : vector<2000x128xf32>
    %dot_general3A_20 = tpu.matmul %add3A, %get3A_18, %dot_general3A_19 {dimension_numbers = #tpu.dot_dimension_numbers<[1], [0], [0], [1], [0, 0, 1, 1], [], []>, transpose_lhs_hint = false} : vector<2000x128xf32>, vector<128x128xf32>, vector<2000x128xf32> -> vector<2000x128xf32>
    %add3A_21 = arith.addf %dot_general3A_5, %dot_general3A_20 : vector<2000x128xf32>
    %max3A = arith.constant 0.000000e+00 : f32
    %max3A_22 = vector.broadcast %max3A : f32 to vector<2000x128xf32>
    %max3A_23 = arith.maximumf %add3A_21, %max3A_22 : vector<2000x128xf32>
    %swap3A = arith.constant 0 : index
    %swap3A_24 = arith.constant 0 : index
    %swap3A_25 = vector.load %arg5[%swap3A, %swap3A_24] : memref<2000x128xf32, #tpu.memory_space<vmem>>, vector<2000x128xf32>
    tpu.vector_store %arg5[%swap3A, %swap3A_24], %max3A_23 {strides = array<i32>} : memref<2000x128xf32, #tpu.memory_space<vmem>>, vector<2000x128xf32>,
    return
  }
  func.func @transform_0(%arg0: i32) -> (i32, i32) {
    %c0_i32 = arith.constant 0 : i32
    %c0_i32_0 = arith.constant 0 : i32
    return %arg0, %c0_i32 : i32, i32
  }
  func.func @transform_1(%arg0: i32) -> (i32, i32) {
    %c0_i32 = arith.constant 0 : i32
    %c0_i32_0 = arith.constant 0 : i32
    %c0_i32_1 = arith.constant 0 : i32
    return %c0_i32, %c0_i32_0 : i32, i32
  }
  func.func @transform_2(%arg0: i32) -> (i32, i32, i32) {
    %c0_i32 = arith.constant 0 : i32
    %c0_i32_0 = arith.constant 0 : i32
    %c0_i32_1 = arith.constant 0 : i32
    return %c0_i32, %arg0, %c0_i32_0 : i32, i32, i32
  }
  func.func @transform_3(%arg0: i32) -> (i32, i32) {
    %c0_i32 = arith.constant 0 : i32
    %c0_i32_0 = arith.constant 0 : i32
    %c0_i32_1 = arith.constant 0 : i32
    return %c0_i32, %c0_i32_0 : i32, i32
  }
  func.func @transform_4(%arg0: i32) -> (i32, i32) {
    %c0_i32 = arith.constant 0 : i32
    %c0_i32_0 = arith.constant 0 : i32
    return %arg0, %c0_i32 : i32, i32
  }
}

</mosaic_0001>

<sc_bundles>
// kernel: kernel.4.cloned.1.call-start
scs
__scs_entry_jumppad:
0x0: {  	(pc) =	sbr.rel $0x88, $3  }
0x1: {  	(tag) =	ssettag $0x0;
	lr =	simm.s32 $0x1  }
0x2: {  	[smem:$0x3F9C] =	sst lr;
	_ =	strace $0xD0000000  }
0x3: {  	_ = 	snop  }
0x4: {  	_ = 	snop  }
0x5: {  	_ = 	snop  }
0x6: {  	_ = 	snop  }
0x7: {  	_ = 	snop  }
__scs_overlays_trampoline_lowered:
0x8: {  	[smem:$0x3FAB] =	sst s0  }
0x9: {  	[smem:$0x3FAC] =	sst s1  }
0xa: {  	[smem:$0x3FAD] =	sst s2  }
0xb: {  	[smem:$0x3FAE] =	sst s3  }
0xc: {  	[smem:$0x3FAF] =	sst s4  }
0xd: {  	[smem:$0x3FB0] =	sst s5  }
0xe: {  	[smem:$0x3FB1] =	sst s6  }
0xf: {  	[smem:$0x3FB2] =	sst s7  }
0x10: {  	[smem:$0x3FB3] =	sst s8  }
0x11: {  	[smem:$0x3FB4] =	sst s9;
	s0 =	simm.s32 @!p0 $0x0  }
0x12: {  	s1 =	sld [smem:$0x3F9A];
	s0 =	simm.s32 @p0 $0x1  }
0x13: {  	[smem:$0x3FB5] =	sst s0;
	s0 =	simm.s32 @!p1 $0x0  }
0x14: {  	s2 =	sld [smem:$0x3F99];
	s0 =	simm.s32 @p1 $0x1  }
0x15: {  	[smem:$0x3FB6] =	sst s0;
	s0 =	simm.s32 @!p2 $0x0  }
0x16: {  	s3 =	sld [smem:$0x3FDB];
	s0 =	simm.s32 @p2 $0x1  }
0x17: {  	s4 =	simm.s32 $0x1BF5;
	[smem:$0x3FB8] =	sst s0  }
0x18: {  	s0 =	sld [smem:$0x3F9B];
	_ =	swait.ge [sflag:s4], $0x0  }
0x19: {  	s7 =	sld [smem:$0x3F9C]  }
0x1a: {  	s8 =	sadd.s32 $0xFFFFE003, lr  }
0x1b: {  	s9 =	sadd.s32 $0xFFFFFEF7, lr;
	s5 =	simm.s32 $0xFFFFFFFF;
	p2 =	slt.u32 s8, $0xFFFFF086  }
0x1c: {  	p1 =	slt.u32 s9, $0xF7A;
	s5 =	simm.s32 @!p2 $0x0  }
0x1d: {  	s5 =	simm.s32 @p1 $0x1;
	p0 =	seq.s32 s7, s2  }
0x1e: {  	s7 =	smul.u32 @!p0 $0xF7A, s2;
	p2 =	seq.s32 @!p0 s5, $0x0  }
0x1f: {  	s9 =	smul.u32 $0xF7A, s1;
	s8 =	simm.s32 @!p0 $0x1BF5;
	p2 =	por !p2, p0  }
0x20: {  	[sflag:s8] =	ssyncset.s32 @!p0 $0xFFFFF086;
	s6 =	sadd.s32 @!p0 s3, s7;
	s7 =	simm.s32 @!p0 $0x108  }
0x21: {  	s3 =	sadd.s32 s3, s9;
	s6 =	sadd.s32 @!p0 $0x88, s6;
	s7 =	simm.s32 @p2 $0x1082  }
0x22: {  	[simem:s7], [sflag:s8] =	dma.local @!p0 [hbm:s6], $0xF7A  }
0x23: {  	s9 =	sor.u32 $0xD0000000, s2;
	s6 =	simm.s32 $0x108;
	_ =	swait.ge @!p0 [sflag:s8], $0x0  }
0x24: {  	s3 =	sadd.s32 $0x88, s3;
	s6 =	simm.s32 @!p1 $0x1082;
	[sflag:s4] =	ssyncset.s32 $0xFFFFF086  }
0x25: {  	[simem:s6], [sflag:s4] =	dma.local [hbm:s3], $0xF7A  }
0x26: {  	[smem:$0x3F9C] =	sst s1;
	(tag) =	ssettag s2;
	_ =	strace s9  }
0x27: {  	s1 =	sld [smem:$0x3FAC]  }
0x28: {  	s2 =	sld [smem:$0x3FAD]  }
0x29: {  	s4 =	sld [smem:$0x3FAF]  }
0x2a: {  	p0 =	seq.s32 s5, $0x0;
	s5 =	sld [smem:$0x3FB0]  }
0x2b: {  	s6 =	sld [smem:$0x3FB1]  }
0x2c: {  	s7 =	sld [smem:$0x3FB2]  }
0x2d: {  	s3 =	simm.s32 $0x108;
	s8 =	sld [smem:$0x3FB3]  }
0x2e: {  	s3 =	simm.s32 @!p0 $0x1082;
	s9 =	sld [smem:$0x3FB4]  }
0x2f: {  	lr =	sadd.s32 s0, s3;
	s0 =	sld [smem:$0x3FAB]  }
0x30: {  	s3 =	sld [smem:$0x3FAE]  }
0x31: {  	[smem:$0x3FB7] =	sst s10  }
0x32: {  	s10 =	sld [smem:$0x3FB5];
	_ =	sdelay $0x3  }
0x33: {  	p0 =	seq.s32 s10, $0x1;
	s10 =	sld [smem:$0x3FB7];
	_ =	sdelay $0x3  }
0x34: {  	[smem:$0x3FB7] =	sst s10  }
0x35: {  	s10 =	sld [smem:$0x3FB6];
	_ =	sdelay $0x3  }
0x36: {  	p1 =	seq.s32 s10, $0x1;
	s10 =	sld [smem:$0x3FB7];
	_ =	sdelay $0x3  }
0x37: {  	[smem:$0x3FB7] =	sst s10  }
0x38: {  	s10 =	sld [smem:$0x3FB8]  }
0x39: {  	_ = 	snop;
	(pc) =	sbr.ind lr, $3  }
0x3a: {  	_ = 	snop  }
0x3b: {  	_ = 	snop  }
0x3c: {  	p2 =	seq.s32 s10, $0x1;
	s10 =	sld [smem:$0x3FB7]  }
0x3d: {  	_ =	shalt  }
0x3e: {  	_ =	shalt  }
0x3f: {  	_ =	shalt  }
0x40: {  	_ =	shalt  }
0x41: {  	_ =	shalt  }
0x42: {  	_ =	shalt  }
0x43: {  	_ =	shalt  }
0x44: {  	_ =	shalt  }
0x45: {  	_ =	shalt  }
0x46: {  	_ =	shalt  }
0x47: {  	_ =	shalt  }
0x48: {  	_ =	shalt  }
0x49: {  	_ =	shalt  }
0x4a: {  	_ =	shalt  }
0x4b: {  	_ =	shalt  }
0x4c: {  	_ =	shalt  }
0x4d: {  	_ =	shalt  }
0x4e: {  	_ =	shalt  }
0x4f: {  	_ =	shalt  }
0x50: {  	_ =	shalt  }
0x51: {  	_ =	shalt  }
0x52: {  	_ =	shalt  }
0x53: {  	_ =	shalt  }
0x54: {  	_ =	shalt  }
0x55: {  	_ =	shalt  }
0x56: {  	_ =	shalt  }
0x57: {  	_ =	shalt  }
0x58: {  	_ =	shalt  }
0x59: {  	_ =	shalt  }
0x5a: {  	_ =	shalt  }
0x5b: {  	_ =	shalt  }
0x5c: {  	_ =	shalt  }
0x5d: {  	_ =	shalt  }
0x5e: {  	_ =	shalt  }
0x5f: {  	_ =	shalt  }
0x60: {  	_ =	shalt  }
0x61: {  	_ =	shalt  }
0x62: {  	_ =	shalt  }
0x63: {  	_ =	shalt  }
0x64: {  	_ =	shalt  }
0x65: {  	_ =	shalt  }
0x66: {  	_ =	shalt  }
0x67: {  	_ =	shalt  }
0x68: {  	_ =	shalt  }
0x69: {  	_ =	shalt  }
0x6a: {  	_ =	shalt  }
0x6b: {  	_ =	shalt  }
0x6c: {  	_ =	shalt  }
0x6d: {  	_ =	shalt  }
0x6e: {  	_ =	shalt  }
0x6f: {  	_ =	shalt  }
0x70: {  	_ =	shalt  }
0x71: {  	_ =	shalt  }
0x72: {  	_ =	shalt  }
0x73: {  	_ =	shalt  }
0x74: {  	_ =	shalt  }
0x75: {  	_ =	shalt  }
0x76: {  	_ =	shalt  }
0x77: {  	_ =	shalt  }
0x78: {  	_ =	shalt  }
0x79: {  	_ =	shalt  }
0x7a: {  	_ =	shalt  }
0x7b: {  	_ =	shalt  }
0x7c: {  	_ =	shalt  }
0x7d: {  	_ =	shalt  }
0x7e: {  	_ =	shalt  }
0x7f: {  	_ =	shalt  }
0x80: {  	_ =	shalt  }
0x81: {  	_ =	shalt  }
0x82: {  	_ =	shalt  }
0x83: {  	_ =	shalt  }
0x84: {  	_ =	shalt  }
0x85: {  	_ =	shalt  }
0x86: {  	_ =	shalt  }
0x87: {  	_ =	shalt  }
.Lfunc_end0:
.L_simem_size_0:
called_computation_lowered:
.L_overlay_start_0:
0x88: {  	s2 =	sld [smem:$0x3FD9]  }
0x89: {  	s3 =	sld [smem:$0x3FFE];
	_ =	sdelay $0x1  }
0x8a: {  	s1 =	srdreg.scid  }
0x8b: {  	s0 =	sand.u32 $0x1, s1  }
0x8c: {  	s17 =	sshll.u32 s0, $0xA;
	s2 =	sadd.s32 s3, s2  }
0x8d: {  	s2 =	sadd.s32 s2, s17  }
0x8e: {  	[smem:$0x3FC3] =	sst s2  }
0x8f: {  	_ = 	snop  }
0x90: {  	s2 =	sld [smem:$0x3FC7]  }
0x91: {  	s18 =	sld [smem:$0x3FD0];
	(tm) =	ssettm $0x1  }
0x92: {  	s4 =	sld [smem:$0x3FFB];
	_ =	sdelay $0x3  }
0x93: {  	_ =	strace s4  }
0x94: {  	s4 =	sld [smem:$0x3FFC];
	_ =	sdelay $0x3  }
0x95: {  	_ =	strace s4  }
0x96: {  	s4 =	sld [smem:$0x3FFD];
	_ =	sdelay $0x3  }
0x97: {  	_ =	strace s4  }
0x98: {  	_ =	strace $0x8FFFFFFF  }
0x99: {  	s19 =	sld [smem:$0x3FDB];
	_ =	sdelay $0x1  }
0x9a: {  	s5 =	simm.s32 $_scs_section_size  }
0x9b: {  	s6 =	simm.s32 $_size__tile_overlayer_lowered;
	s7 =	simm.s32 $_tile_overlayer_lowered  }
0x9c: {  	s22 =	simm.s32 $0x1BFF;
	s21 =	sshll.u32 s7, $0x1;
	s4 =	sadd.s32 s5, s19  }
0x9d: {  	s8 =	simm.s32 $0x0;
	s20 =	sshll.u32 s6, $0x1;
	s6 =	sadd.s32 s21, s4  }
0x9e: {  	[timem:s8], [sflag:s22] =	dma.local [hbm:s6], s20  }
0x9f: {  	_ =	swait.ge [sflag:s22], s20  }
0xa0: {  	s5 =	ssub.s32 $0x0, s20;
	[sflag:s22] =	ssyncset.done $0x0  }
0xa1: {  	[sflag:s22] =	ssyncadd.s32 s5;
	_ =	sdelay $0x1  }
0xa2: {  	s23 =	simm.s32 $0x1B8B  }
0xa3: {  	_ =	swait.ge [sflag:s23], $0x1  }
0xa4: {  	[sflag:s23] =	ssyncset.done $0x0  }
0xa5: {  	s25 =	simm.s32 $0x1B8E;
	s24 =	sld [smem:$0x3FFE];
	[sflag:s23] =	ssyncadd.s32 $0xFFFFFFFF  }
0xa6: {  	s26 =	simm.s32 $execute0_lowered;
	[smem:$0x3FD2] =	sst s25  }
0xa7: {  	s6 =	sshll.u32 s26, $0x1;
	_ =	strace $0x80000046;
	[dreg:$0x1] =	wrdreg $0xFFFFFFFF  }
0xa8: {  	s28 =	simm.s32 $_size_execute0_lowered;
	s4 =	sadd.s32 s4, s6;
	[dreg:$0x0] =	wrdreg $0x0  }
0xa9: {  	s6 =	sshll.u32 s28, $0x1;
	[dreg:$0x2] =	wrdreg s4  }
0xaa: {  	[dreg:$0x3] =	wrdreg s6  }
0xab: {  	[dreg:$0x4] =	wrdreg $0xC0  }
0xac: {  	_ =	task [dreg:s8], $0x5FFFF  }
0xad: {  	[dreg:$0x1] =	wrdreg $0xFFFFFFFF  }
0xae: {  	[dreg:$0x0] =	wrdreg $0x60  }
0xaf: {  	[dreg:$0x2] =	wrdreg s2  }
0xb0: {  	[dreg:$0x3] =	wrdreg s24  }
0xb1: {  	[dreg:$0x4] =	wrdreg s18  }
0xb2: {  	[dreg:$0x5] =	wrdreg $0x0  }
0xb3: {  	[dreg:$0x6] =	wrdreg $0x9  }
0xb4: {  	_ =	task.clear_ibuf [dreg:s8], $0x7FFFF;
	_ =	strace $0x90000046  }
0xb5: {  	s29 =	simm.s32 $0x9;
	_ =	strace $0x80000048  }
0xb6: {  	_ =	swait.ge [sflag:s29], $0x1  }
0xb7: {  	[sflag:s29] =	ssyncadd.s32 $0xFFFFFFFF  }
0xb8: {  	_ =	strace $0x90000048  }
0xb9: {  	_ =	sfence  }
0xba: {  	s30 =	sld [smem:$0x0];
	_ =	sdelay $0x2  }
0xbb: {  	s31 =	sshll.u32 s1, $0xD;
	s1 =	sshrl.u32 s1, $0x2  }
0xbc: {  	s3 =	sand.u32 $0x4000, s31;
	s1 =	sadd.s32 s1, s30  }
0xbd: {  	s0 =	sor.u32 s3, s0;
	s1 =	sshll.u32 s1, $0x11  }
0xbe: {  	s0 =	sor.u32 s1, s0  }
0xbf: {  	s0 =	sadd.s32 $0x8F2B, s0  }
0xc0: {  	[sflag:s0] =	ssyncadd.remote.s32 $0x1  }
0xc1: {  	_ =	sfence.sel $0xFFFF  }
0xc2: {  	[dreg:$0x0] =	wrdreg $0xFFFFFFFF;
	(pc) =	sbr.abs _section_cstart, $3  }
0xc3: {  	[dreg:$0x1] =	wrdreg $0xFFFFFFFF  }
0xc4: {  	_ =	task.clear_ibuf [dreg:s8], $0x2FFFF;
	_ =	strace $0x9FFFFFFF  }
0xc5: {  	(tm) =	ssettm $0x7FFFFFFF  }
tec
execute0_lowered:
.L_overlay_start_1:
0x0: {  	(tag) =	ssettag $0x1  }
0x1: {  	s1 =	rddreg [dreg:$0x0]  }
0x2: {  	s0 =	rddreg [dreg:$0x1]  }
0x3: {  	s3 =	rddreg [dreg:$0x3]  }
0x4: {  	s2 =	srdreg.scid;
	s4 =	simm.s32 $0x0;
	s5 =	stileid.u32  }
0x5: {  	s29 =	simm.s32 $0x6;
	s31 =	simm.s32 $0x7;
	s28 =	simm.s32 $0xB  }
0x6: {  	s30 =	simm.s32 $0xC;
	s2 =	sand.u32 $0x1, s2;
	s22 =	smul.u32 $0x4F000, s5  }
0x7: {  	[smem:$0x7FF] =	sst s4;
	s11 =	sadd.s32 $0x64A00, s0;
	s25 =	smul.u32 $0x13C00, s5  }
0x8: {  	s12 =	sadd.s32 $0xA00, s0;
	s0 =	sadd.s32 $0xC8A00, s0;
	s13 =	smul.u32 $0x19000, s5  }
0x9: {  	s15 =	sadd.s32 $0x128400, s3;
	p0 =	seq.s32 s5, $0xF;
	s21 =	sshll.u32 s2, $0x4  }
0xa: {  	_ =	strace $0x80000047;
	s6 =	ssub.s32 $0x2, s2;
	s9 =	smul.u32 $0x138800, s2  }
0xb: {  	s2 =	smul.u32 $0x190000, s2;
	[dreg:$0xc] =	wrdreg s15;
	s4 =	sor.u32 s5, s21  }
0xc: {  	s15 =	simm.s32 $0x1D080;
	s7 =	sshrl.u32 s6, $0x1;
	s4 =	smul.u32 $0x19000, s4  }
0xd: {  	s6 =	ssub.s32 s6, s7;
	s7 =	sshrl.u32 s22, $0x2;
	s16 =	sadd.s32 s25, s9  }
0xe: {  	s17 =	sshrl.u32 s9, $0x3;
	s2 =	sadd.s32 s13, s2;
	s13 =	simm.s32 $0x1  }
0xf: {  	s9 =	simm.s32 $0x8;
	s14 =	sadd.s32 s7, s3;
	s7 =	sadd.s32 s0, s17  }
0x10: {  	s20 =	smax.u32 s6, $0x1;
	s22 =	sadd.s32 $0x1400, s2;
	s17 =	simm.s32 $0x2  }
0x11: {  	s6 =	simm.s32 $0x0;
	s4 =	sshrl.u32 s4, $0x3;
	[dreg:$0xb] =	wrdreg s14  }
0x12: {  	s18 =	sadd.s32 $0x25080, s7;
	[dreg:$0xf] =	wrdreg s20;
	s14 =	simm.s32 $0xA  }
0x13: {  	s8 =	sadd.s32 s11, s4;
	s23 =	sor.u32 $0x80, s4;
	[dreg:$0xe] =	wrdreg s18  }
0x14: {  	s10 =	sadd.s32 s12, s4;
	s4 =	sor.u32 $0x100, s4;
	[dreg:$0x5] =	wrdreg s8  }
0x15: {  	s18 =	simm.s32 $0x1A880;
	[dreg:$0x6] =	wrdreg s10;
	s24 =	sadd.s32 s11, s23  }
0x16: {  	s8 =	sadd.s32 s12, s23;
	s26 =	sadd.s32 s11, s4;
	[dreg:$0x7] =	wrdreg s24  }
0x17: {  	s4 =	sadd.s32 s12, s4;
	s23 =	sshrl.u32 s22, $0x3;
	[dreg:$0x8] =	wrdreg s8  }
0x18: {  	s22 =	smov.u32 s12;
	s10 =	simm.s32 $0x18080;
	[dreg:$0x9] =	wrdreg s26  }
0x19: {  	[dreg:$0xa] =	wrdreg s4;
	s4 =	sshrl.u32 s16, $0x3;
	s8 =	sadd.s32 $0x1800, s2  }
0x1a: {  	s24 =	sor.u32 $0xC00, s2;
	s25 =	sadd.s32 s23, s12;
	s2 =	sadd.s32 $0x1000, s2  }
0x1b: {  	s16 =	simm.s32 $0x3;
	s0 =	sadd.s32 s0, s4;
	[dreg:$0x12] =	wrdreg s25  }
0x1c: {  	s19 =	sshrl.u32 s8, $0x3;
	s26 =	sshrl.u32 s24, $0x3;
	[dreg:$0x14] =	wrdreg s2  }
0x1d: {  	s4 =	simm.s32 $0x9;
	s2 =	simm.s32 $0x50;
	s8 =	simm.s32 $0x15880  }
.Ltmp0:
0x1e: {  	[dreg:$0xd] =	wrdreg s0;
	s21 =	sadd.s32 s19, s12;
	(pc) =	sbr.rel .LBB2_1-.Ltmp0, $4  }
0x1f: {  	s0 =	sadd.s32 s19, s11;
	s24 =	sadd.s32 s26, s12;
	s25 =	sadd.s32 s26, s11  }
0x20: {  	s12 =	simm.s32 $0x15480;
	s26 =	simm.s32 $0x4;
	[dreg:$0x10] =	wrdreg s21  }
0x21: {  	[dreg:$0x11] =	wrdreg s0;
	s0 =	sadd.s32 s23, s11;
	s21 =	smov.u32 s11  }
0x22: {  	s11 =	simm.s32 $0x14480;
	s23 =	simm.s32 $0x5;
	[dreg:$0x13] =	wrdreg s0  }
.LBB2_4:
0x23: {  	_ =	swait.ge [sflag:s26], $0x2800  }
0x24: {  	[sflag:s26] =	ssyncset.done $0x0  }
0x25: {  	s0 =	simm.s32 $0x15680;
	[sflag:s26] =	ssyncadd.s32 $0xFFFFD800  }
0x26: {  	[spmem:s3] =	stream.indirect.scatter.add.f32 [tilespmem:s15], [sflag:$0x8], $0x80, s0, s2, $0xb8;
	[tilespmem:$0x1F880] =	vst v63  }
0x27: {  	_ =	swait.ge [sflag:s29], $0x2800  }
0x28: {  	[sflag:s29] =	ssyncset.done $0x0  }
0x29: {  	[sflag:s29] =	ssyncadd.s32 $0xFFFFD800  }
0x2a: {  	_ =	swait.ge [sflag:s31], $0x2800  }
0x2b: {  	[sflag:s31] =	ssyncset.done $0x0  }
0x2c: {  	[sflag:s31] =	ssyncadd.s32 $0xFFFFD800  }
0x2d: {  	_ =	swait.ge [sflag:s9], $0x2800  }
0x2e: {  	[sflag:s9] =	ssyncset.done $0x0  }
0x2f: {  	[sflag:s9] =	ssyncadd.s32 $0xFFFFD800  }
0x30: {  	[bflag:$0x0] =	sbarrier.arrive $0xFFFF  }
0x31: {  	s5 =	rddreg [dreg:$0xe]  }
0x32: {  	s0 =	simm.s32 @p0 $0x1FCD;
	s6 =	rddreg [dreg:$0x16]  }
0x33: {  	[hbm:s5], [sflag:s0] =	dma.local @p0 [spmem:s6], $0x2080  }
0x34: {  	s0 =	simm.s32 @p0 $0xD  }
0x35: {  	_ =	swait.ge @p0 [sflag:s0], $0x2080  }
0x36: {  	s5 =	rddreg [dreg:$0x17]  }
0x37: {  	[sflag:s0] =	ssyncset.done @p0 $0x0;
	s6 =	rddreg [dreg:$0x18]  }
0x38: {  	[sflag:s0] =	ssyncadd.s32 @p0 $0xFFFFDF80;
	s0 =	rddreg [dreg:$0xd]  }
0x39: {  	[hbm:s0], [sflag:s5] =	dma.local @!p0 [spmem:s6], $0x2780  }
0x3a: {  	s0 =	simm.s32 @!p0 $0xD  }
0x3b: {  	_ =	swait.ge @!p0 [sflag:s0], $0x2780  }
0x3c: {  	s19 =	rddreg [dreg:$0x15]  }
0x3d: {  	s20 =	rddreg [dreg:$0xf];
	s6 =	sadd.s32 $0x1, s19  }
0x3e: {  	p1 =	sne.s32 s6, s20  }
.Ltmp1:
0x3f: {  	_ = 	snop;
	(pc) =	sbr.rel @!p1 .LBB2_5-.Ltmp1, $3  }
0x40: {  	_ =	sdelay $0x1  }
0x41: {  	[sflag:s0] =	ssyncset.done @!p0 $0x0  }
0x42: {  	[sflag:s0] =	ssyncadd.s32 @!p0 $0xFFFFD880  }
.LBB2_1:
0x43: {  	[dreg:$0x15] =	wrdreg s6  }
0x44: {  	s0 =	simm.s32 $0x0;
	s5 =	rddreg [dreg:$0x5];
	s6 =	simm.s32 $0x13880  }
0x45: {  	[tilespmem:s6], [sflag:$0x9] =	stream.linear.gather [hbm4b:s5+s0], $0x280, $0x38;
	[tilespmem:$0x1F880] =	vst v63  }
0x46: {  	s20 =	rddreg [dreg:$0x6];
	s7 =	simm.s32 $0x14880  }
0x47: {  	[tilespmem:s7], [sflag:$0x9] =	stream.linear.gather [hbm4b:s20+s0], $0x280, $0x38;
	[tilespmem:$0x1F880] =	vst v63  }
0x48: {  	s19 =	rddreg [dreg:$0x7];
	s20 =	simm.s32 $0x13C80  }
0x49: {  	[tilespmem:s20], [sflag:$0xA] =	stream.linear.gather [hbm4b:s19+s0], $0x280, $0x38;
	[tilespmem:$0x1F880] =	vst v63  }
0x4a: {  	s19 =	rddreg [dreg:$0x8];
	s20 =	simm.s32 $0x14C80  }
0x4b: {  	[tilespmem:s20], [sflag:$0xA] =	stream.linear.gather [hbm4b:s19+s0], $0x280, $0x38;
	[tilespmem:$0x1F880] =	vst v63  }
0x4c: {  	s19 =	rddreg [dreg:$0x9];
	s20 =	simm.s32 $0x14080  }
0x4d: {  	[tilespmem:s20], [sflag:$0xB] =	stream.linear.gather [hbm4b:s19+s0], $0x280, $0x38;
	[tilespmem:$0x1F880] =	vst v63  }
0x4e: {  	s7 =	rddreg [dreg:$0xa];
	s19 =	simm.s32 $0x15080  }
0x4f: {  	[tilespmem:s19], [sflag:$0xB] =	stream.linear.gather [hbm4b:s7+s0], $0x280, $0x38;
	[tilespmem:$0x1F880] =	vst v63  }
0x50: {  	_ =	swait.ge [sflag:s4], $0x280  }
0x51: {  	[sflag:s4] =	ssyncset.done $0x0  }
0x52: {  	[sflag:s4] =	ssyncadd.s32 $0xFFFFFD80  }
0x53: {  	_ =	swait.ge [sflag:s4], $0x280  }
0x54: {  	[sflag:s4] =	ssyncset.done $0x0  }
0x55: {  	s0 =	rddreg [dreg:$0xc];
	[sflag:s4] =	ssyncadd.s32 $0xFFFFFD80  }
0x56: {  	[tilespmem:s8], [sflag:$0x1] =	stream.indirect.gather [hbm4b:s1+s2], $0x80, s6, s2, $0xb8;
	[tilespmem:$0x1F880] =	vst v63  }
0x57: {  	s6 =	sshrl.u32 @p0 s0, $0x3;
	s5 =	rddreg [dreg:$0x2]  }
0x58: {  	s20 =	simm.s32 $0x13900;
	s0 =	simm.s32 @p0 $0x1FCD;
	[dreg:$0x16] =	wrdreg s6  }
0x59: {  	[tilespmem:s10], [sflag:$0x2] =	stream.indirect.gather [hbm4b:s1+s2], $0x80, s20, s2, $0xb8;
	[tilespmem:$0x1F880] =	vst v63  }
0x5a: {  	[spmem:s6], [sflag:s0] =	dma.local @p0 [hbm:s5], $0x2080  }
0x5b: {  	s0 =	simm.s32 @p0 $0xD  }
0x5c: {  	s6 =	stileid.u32;
	_ =	swait.ge @p0 [sflag:s0], $0x2080  }
0x5d: {  	s6 =	sshll.u32 @!p0 s6, $0x6;
	[sflag:s0] =	ssyncset.done @p0 $0x0  }
0x5e: {  	s6 =	sor.u32 @!p0 $0x1C0D, s6;
	[sflag:s0] =	ssyncadd.s32 @p0 $0xFFFFDF80;
	s0 =	rddreg [dreg:$0xb]  }
0x5f: {  	[dreg:$0x17] =	wrdreg s6;
	s0 =	sshrl.u32 @!p0 s0, $0x3  }
0x60: {  	[dreg:$0x18] =	wrdreg s0  }
0x61: {  	[spmem:s0], [sflag:s6] =	dma.local @!p0 [hbm:s5], $0x2780  }
0x62: {  	s0 =	simm.s32 @!p0 $0xD  }
0x63: {  	_ =	swait.ge @!p0 [sflag:s0], $0x2780  }
0x64: {  	[sflag:s0] =	ssyncset.done @!p0 $0x0  }
0x65: {  	[sflag:s0] =	ssyncadd.s32 @!p0 $0xFFFFD880  }
0x66: {  	[bflag:$0x0] =	sbarrier.arrive $0xFFFF  }
0x67: {  	s6 =	simm.s32 $0x0;
	s0 =	rddreg [dreg:$0x14]  }
.LBB2_2:
0x68: {  	s7 =	sadd.s32 s6, s25;
	s5 =	simm.s32 $0x0  }
0x69: {  	[tilespmem:s11], [sflag:$0xC] =	stream.linear.gather [hbm4b:s7+s5], $0x280, $0x38;
	[tilespmem:$0x1F880] =	vst v63  }
0x6a: {  	s20 =	sadd.s32 s6, s24  }
0x6b: {  	[tilespmem:s12], [sflag:$0xC] =	stream.linear.gather [hbm4b:s20+s5], $0x280, $0x38;
	[tilespmem:$0x1F880] =	vst v63  }
0x6c: {  	_ =	swait.ge [sflag:s13], $0x2800  }
0x6d: {  	[sflag:s13] =	ssyncset.done $0x0  }
0x6e: {  	p1 =	seq.s32 s6, $0x0;
	s7 =	simm.s32 $0x14880;
	[sflag:s13] =	ssyncadd.s32 $0xFFFFD800  }
0x6f: {  	[spmem:s3] =	stream.indirect.scatter.add.f32 [tilespmem:s8], [sflag:$0x5], $0x80, s7, s2, $0xb8;
	[tilespmem:$0x1F880] =	vst v63  }
0x70: {  	s19 =	simm.s32 @p1 $0x1A880;
	s5 =	simm.s32 @p1 $0x13980;
	s7 =	simm.s32 @p1 $0x50  }
0x71: {  	[tilespmem:s19], [sflag:$0x3] =	stream.indirect.gather @p1 [hbm4b:s1+s7], $0x80, s5, s7, $0xb8;
	[tilespmem:$0x1F880] =	vst v63  }
0x72: {  	s5 =	simm.s32 @p1 $0x2  }
0x73: {  	_ =	swait.ge @p1 [sflag:s5], $0x2800  }
0x74: {  	[sflag:s5] =	ssyncset.done @p1 $0x0  }
0x75: {  	s19 =	simm.s32 @p1 $0x18080;
	[sflag:s5] =	ssyncadd.s32 @p1 $0xFFFFD800;
	s5 =	simm.s32 @p1 $0x14900  }
0x76: {  	[spmem:s3] =	stream.indirect.scatter.add.f32 @p1 [tilespmem:s19], [sflag:$0x6], $0x80, s5, s7, $0xb8;
	[tilespmem:$0x1F880] =	vst v63  }
0x77: {  	s5 =	simm.s32 @!p1 $0x7  }
0x78: {  	_ =	swait.ge @!p1 [sflag:s5], $0x2800  }
0x79: {  	s7 =	simm.s32 @!p1 $0x13980;
	[sflag:s5] =	ssyncset.done @!p1 $0x0  }
0x7a: {  	s19 =	simm.s32 @!p1 $0x1A880;
	[sflag:s5] =	ssyncadd.s32 @!p1 $0xFFFFD800;
	s5 =	simm.s32 @!p1 $0x50  }
0x7b: {  	[tilespmem:s19], [sflag:$0x3] =	stream.indirect.gather @!p1 [hbm4b:s1+s5], $0x80, s7, s5, $0xb8;
	[tilespmem:$0x1F880] =	vst v63  }
0x7c: {  	s7 =	simm.s32 @!p1 $0x2  }
0x7d: {  	_ =	swait.ge @!p1 [sflag:s7], $0x2800  }
0x7e: {  	[sflag:s7] =	ssyncset.done @!p1 $0x0  }
0x7f: {  	s19 =	simm.s32 @!p1 $0x18080;
	[sflag:s7] =	ssyncadd.s32 @!p1 $0xFFFFD800;
	s7 =	simm.s32 @!p1 $0x14900  }
0x80: {  	[spmem:s3] =	stream.indirect.scatter.add.f32 @!p1 [tilespmem:s19], [sflag:$0x6], $0x80, s7, s5, $0xb8;
	[tilespmem:$0x1F880] =	vst v63  }
0x81: {  	s5 =	simm.s32 @!p1 $0x8  }
0x82: {  	_ =	swait.ge @!p1 [sflag:s5], $0x2800  }
0x83: {  	[sflag:s5] =	ssyncset.done @!p1 $0x0  }
0x84: {  	s19 =	simm.s32 $0x13A00;
	[sflag:s5] =	ssyncadd.s32 @!p1 $0xFFFFD800  }
0x85: {  	[tilespmem:s15], [sflag:$0x4] =	stream.indirect.gather [hbm4b:s1+s2], $0x80, s19, s2, $0xb8;
	[tilespmem:$0x1F880] =	vst v63  }
0x86: {  	_ =	swait.ge [sflag:s16], $0x2800  }
0x87: {  	[sflag:s16] =	ssyncset.done $0x0  }
0x88: {  	s20 =	simm.s32 $0x14980;
	[sflag:s16] =	ssyncadd.s32 $0xFFFFD800  }
0x89: {  	[spmem:s3] =	stream.indirect.scatter.add.f32 [tilespmem:s18], [sflag:$0x7], $0x80, s20, s2, $0xb8;
	[tilespmem:$0x1F880] =	vst v63  }
0x8a: {  	_ =	swait.ge [sflag:s23], $0x2800  }
0x8b: {  	[sflag:s23] =	ssyncset.done $0x0  }
0x8c: {  	s7 =	simm.s32 $0x13A80;
	[sflag:s23] =	ssyncadd.s32 $0xFFFFD800  }
0x8d: {  	[tilespmem:s8], [sflag:$0x1] =	stream.indirect.gather [hbm4b:s1+s2], $0x80, s7, s2, $0xb8;
	[tilespmem:$0x1F880] =	vst v63  }
0x8e: {  	_ =	swait.ge [sflag:s26], $0x2800  }
0x8f: {  	[sflag:s26] =	ssyncset.done $0x0  }
0x90: {  	s19 =	simm.s32 $0x14A00;
	[sflag:s26] =	ssyncadd.s32 $0xFFFFD800  }
0x91: {  	[spmem:s3] =	stream.indirect.scatter.add.f32 [tilespmem:s15], [sflag:$0x8], $0x80, s19, s2, $0xb8;
	[tilespmem:$0x1F880] =	vst v63  }
0x92: {  	_ =	swait.ge [sflag:s29], $0x2800  }
0x93: {  	[sflag:s29] =	ssyncset.done $0x0  }
0x94: {  	[sflag:s29] =	ssyncadd.s32 $0xFFFFD800  }
0x95: {  	_ =	swait.ge [sflag:s14], $0x280  }
0x96: {  	[sflag:s14] =	ssyncset.done $0x0  }
0x97: {  	[sflag:s14] =	ssyncadd.s32 $0xFFFFFD80  }
0x98: {  	_ =	swait.ge [sflag:s14], $0x280  }
0x99: {  	[sflag:s14] =	ssyncset.done $0x0  }
0x9a: {  	s20 =	simm.s32 $0x13C80;
	[sflag:s14] =	ssyncadd.s32 $0xFFFFFD80  }
0x9b: {  	[tilespmem:s10], [sflag:$0x2] =	stream.indirect.gather [hbm4b:s1+s2], $0x80, s20, s2, $0xb8;
	[tilespmem:$0x1F880] =	vst v63  }
0x9c: {  	_ =	swait.ge [sflag:s13], $0x2800  }
0x9d: {  	[sflag:s13] =	ssyncset.done $0x0  }
0x9e: {  	s7 =	simm.s32 $0x14A80;
	[sflag:s13] =	ssyncadd.s32 $0xFFFFD800  }
0x9f: {  	[spmem:s3] =	stream.indirect.scatter.add.f32 [tilespmem:s8], [sflag:$0x5], $0x80, s7, s2, $0xb8;
	[tilespmem:$0x1F880] =	vst v63  }
0xa0: {  	_ =	swait.ge [sflag:s31], $0x2800  }
0xa1: {  	p1 =	seq.s32 s6, $0x3000;
	[sflag:s31] =	ssyncset.done $0x0  }
0xa2: {  	s5 =	sshrl.u32 @!p1 s0, $0x3;
	s19 =	simm.s32 $0x13D00;
	[sflag:s31] =	ssyncadd.s32 $0xFFFFD800  }
0xa3: {  	[tilespmem:s18], [sflag:$0x3] =	stream.indirect.gather [hbm4b:s1+s2], $0x80, s19, s2, $0xb8;
	[tilespmem:$0x1F880] =	vst v63  }
0xa4: {  	s20 =	simm.s32 @!p1 $0x13880;
	s7 =	simm.s32 @!p1 $0x0;
	s19 =	sadd.s32 @!p1 s21, s5  }
0xa5: {  	[tilespmem:s20], [sflag:$0x9] =	stream.linear.gather @!p1 [hbm4b:s19+s7], $0x280, $0x38;
	[tilespmem:$0x1F880] =	vst v63  }
0xa6: {  	s5 =	sadd.s32 @!p1 s22, s5;
	s19 =	simm.s32 @!p1 $0x14880  }
0xa7: {  	[tilespmem:s19], [sflag:$0x9] =	stream.linear.gather @!p1 [hbm4b:s5+s7], $0x280, $0x38;
	[tilespmem:$0x1F880] =	vst v63  }
0xa8: {  	_ =	swait.ge [sflag:s17], $0x2800  }
0xa9: {  	[sflag:s17] =	ssyncset.done $0x0  }
0xaa: {  	s20 =	simm.s32 $0x14C80;
	[sflag:s17] =	ssyncadd.s32 $0xFFFFD800  }
0xab: {  	[spmem:s3] =	stream.indirect.scatter.add.f32 [tilespmem:s10], [sflag:$0x6], $0x80, s20, s2, $0xb8;
	[tilespmem:$0x1F880] =	vst v63  }
0xac: {  	_ =	swait.ge [sflag:s9], $0x2800  }
0xad: {  	[sflag:s9] =	ssyncset.done $0x0  }
0xae: {  	s19 =	simm.s32 $0x13D80;
	[sflag:s9] =	ssyncadd.s32 $0xFFFFD800  }
0xaf: {  	[tilespmem:s15], [sflag:$0x4] =	stream.indirect.gather [hbm4b:s1+s2], $0x80, s19, s2, $0xb8;
	[tilespmem:$0x1F880] =	vst v63  }
0xb0: {  	_ =	swait.ge [sflag:s16], $0x2800  }
0xb1: {  	[sflag:s16] =	ssyncset.done $0x0  }
0xb2: {  	s20 =	simm.s32 $0x14D00;
	[sflag:s16] =	ssyncadd.s32 $0xFFFFD800  }
0xb3: {  	[spmem:s3] =	stream.indirect.scatter.add.f32 [tilespmem:s18], [sflag:$0x7], $0x80, s20, s2, $0xb8;
	[tilespmem:$0x1F880] =	vst v63  }
0xb4: {  	_ =	swait.ge [sflag:s23], $0x2800  }
0xb5: {  	[sflag:s23] =	ssyncset.done $0x0  }
0xb6: {  	s19 =	simm.s32 $0x13E00;
	[sflag:s23] =	ssyncadd.s32 $0xFFFFD800  }
0xb7: {  	[tilespmem:s8], [sflag:$0x1] =	stream.indirect.gather [hbm4b:s1+s2], $0x80, s19, s2, $0xb8;
	[tilespmem:$0x1F880] =	vst v63  }
0xb8: {  	_ =	swait.ge [sflag:s26], $0x2800  }
0xb9: {  	[sflag:s26] =	ssyncset.done $0x0  }
0xba: {  	s20 =	simm.s32 $0x14D80;
	[sflag:s26] =	ssyncadd.s32 $0xFFFFD800  }
0xbb: {  	[spmem:s3] =	stream.indirect.scatter.add.f32 [tilespmem:s15], [sflag:$0x8], $0x80, s20, s2, $0xb8;
	[tilespmem:$0x1F880] =	vst v63  }
0xbc: {  	_ =	swait.ge [sflag:s29], $0x2800  }
0xbd: {  	[sflag:s29] =	ssyncset.done $0x0  }
0xbe: {  	s19 =	simm.s32 $0x13E80;
	[sflag:s29] =	ssyncadd.s32 $0xFFFFD800  }
0xbf: {  	[tilespmem:s10], [sflag:$0x2] =	stream.indirect.gather [hbm4b:s1+s2], $0x80, s19, s2, $0xb8;
	[tilespmem:$0x1F880] =	vst v63  }
0xc0: {  	_ =	swait.ge [sflag:s13], $0x2800  }
0xc1: {  	[sflag:s13] =	ssyncset.done $0x0  }
0xc2: {  	s20 =	simm.s32 $0x14E00;
	[sflag:s13] =	ssyncadd.s32 $0xFFFFD800  }
0xc3: {  	[spmem:s3] =	stream.indirect.scatter.add.f32 [tilespmem:s8], [sflag:$0x5], $0x80, s20, s2, $0xb8;
	[tilespmem:$0x1F880] =	vst v63  }
0xc4: {  	_ =	swait.ge [sflag:s31], $0x2800  }
0xc5: {  	[sflag:s31] =	ssyncset.done $0x0  }
0xc6: {  	[sflag:s31] =	ssyncadd.s32 $0xFFFFD800  }
0xc7: {  	_ =	swait.ge [sflag:s28], $0x280  }
0xc8: {  	[sflag:s28] =	ssyncset.done $0x0  }
0xc9: {  	[sflag:s28] =	ssyncadd.s32 $0xFFFFFD80  }
0xca: {  	_ =	swait.ge [sflag:s28], $0x280  }
0xcb: {  	[sflag:s28] =	ssyncset.done $0x0  }
0xcc: {  	s19 =	simm.s32 $0x14080;
	[sflag:s28] =	ssyncadd.s32 $0xFFFFFD80  }
0xcd: {  	[tilespmem:s18], [sflag:$0x3] =	stream.indirect.gather [hbm4b:s1+s2], $0x80, s19, s2, $0xb8;
	[tilespmem:$0x1F880] =	vst v63  }
0xce: {  	_ =	swait.ge [sflag:s17], $0x2800  }
0xcf: {  	[sflag:s17] =	ssyncset.done $0x0  }
0xd0: {  	s20 =	simm.s32 $0x14E80;
	[sflag:s17] =	ssyncadd.s32 $0xFFFFD800  }
0xd1: {  	[spmem:s3] =	stream.indirect.scatter.add.f32 [tilespmem:s10], [sflag:$0x6], $0x80, s20, s2, $0xb8;
	[tilespmem:$0x1F880] =	vst v63  }
0xd2: {  	_ =	swait.ge [sflag:s9], $0x2800  }
0xd3: {  	[sflag:s9] =	ssyncset.done $0x0  }
0xd4: {  	s19 =	simm.s32 $0x14100;
	s5 =	rddreg [dreg:$0x13];
	[sflag:s9] =	ssyncadd.s32 $0xFFFFD800  }
0xd5: {  	[tilespmem:s15], [sflag:$0x4] =	stream.indirect.gather [hbm4b:s1+s2], $0x80, s19, s2, $0xb8;
	[tilespmem:$0x1F880] =	vst v63  }
0xd6: {  	s5 =	sadd.s32 @!p1 s6, s5;
	s19 =	simm.s32 @!p1 $0x13C80  }
0xd7: {  	[tilespmem:s19], [sflag:$0xA] =	stream.linear.gather @!p1 [hbm4b:s5+s7], $0x280, $0x38;
	[tilespmem:$0x1F880] =	vst v63  }
0xd8: {  	s5 =	rddreg [dreg:$0x12]  }
0xd9: {  	s19 =	simm.s32 @!p1 $0x14C80;
	s5 =	sadd.s32 @!p1 s6, s5  }
0xda: {  	[tilespmem:s19], [sflag:$0xA] =	stream.linear.gather @!p1 [hbm4b:s5+s7], $0x280, $0x38;
	[tilespmem:$0x1F880] =	vst v63  }
0xdb: {  	_ =	swait.ge [sflag:s16], $0x2800  }
0xdc: {  	[sflag:s16] =	ssyncset.done $0x0  }
0xdd: {  	s20 =	simm.s32 $0x15080;
	[sflag:s16] =	ssyncadd.s32 $0xFFFFD800  }
0xde: {  	[spmem:s3] =	stream.indirect.scatter.add.f32 [tilespmem:s18], [sflag:$0x7], $0x80, s20, s2, $0xb8;
	[tilespmem:$0x1F880] =	vst v63  }
0xdf: {  	_ =	swait.ge [sflag:s23], $0x2800  }
0xe0: {  	[sflag:s23] =	ssyncset.done $0x0  }
0xe1: {  	s19 =	simm.s32 $0x14180;
	[sflag:s23] =	ssyncadd.s32 $0xFFFFD800  }
0xe2: {  	[tilespmem:s8], [sflag:$0x1] =	stream.indirect.gather [hbm4b:s1+s2], $0x80, s19, s2, $0xb8;
	[tilespmem:$0x1F880] =	vst v63  }
0xe3: {  	_ =	swait.ge [sflag:s26], $0x2800  }
0xe4: {  	[sflag:s26] =	ssyncset.done $0x0  }
0xe5: {  	s20 =	simm.s32 $0x15100;
	[sflag:s26] =	ssyncadd.s32 $0xFFFFD800  }
0xe6: {  	[spmem:s3] =	stream.indirect.scatter.add.f32 [tilespmem:s15], [sflag:$0x8], $0x80, s20, s2, $0xb8;
	[tilespmem:$0x1F880] =	vst v63  }
0xe7: {  	_ =	swait.ge [sflag:s29], $0x2800  }
0xe8: {  	[sflag:s29] =	ssyncset.done $0x0  }
0xe9: {  	s19 =	simm.s32 $0x14200;
	[sflag:s29] =	ssyncadd.s32 $0xFFFFD800  }
0xea: {  	[tilespmem:s10], [sflag:$0x2] =	stream.indirect.gather [hbm4b:s1+s2], $0x80, s19, s2, $0xb8;
	[tilespmem:$0x1F880] =	vst v63  }
0xeb: {  	_ =	swait.ge [sflag:s13], $0x2800  }
0xec: {  	[sflag:s13] =	ssyncset.done $0x0  }
0xed: {  	s20 =	simm.s32 $0x15180;
	[sflag:s13] =	ssyncadd.s32 $0xFFFFD800  }
0xee: {  	[spmem:s3] =	stream.indirect.scatter.add.f32 [tilespmem:s8], [sflag:$0x5], $0x80, s20, s2, $0xb8;
	[tilespmem:$0x1F880] =	vst v63  }
0xef: {  	_ =	swait.ge [sflag:s31], $0x2800  }
0xf0: {  	[sflag:s31] =	ssyncset.done $0x0  }
0xf1: {  	s19 =	simm.s32 $0x14280;
	[sflag:s31] =	ssyncadd.s32 $0xFFFFD800  }
0xf2: {  	[tilespmem:s18], [sflag:$0x3] =	stream.indirect.gather [hbm4b:s1+s2], $0x80, s19, s2, $0xb8;
	[tilespmem:$0x1F880] =	vst v63  }
0xf3: {  	_ =	swait.ge [sflag:s17], $0x2800  }
0xf4: {  	[sflag:s17] =	ssyncset.done $0x0  }
0xf5: {  	s20 =	simm.s32 $0x15200;
	[sflag:s17] =	ssyncadd.s32 $0xFFFFD800  }
0xf6: {  	[spmem:s3] =	stream.indirect.scatter.add.f32 [tilespmem:s10], [sflag:$0x6], $0x80, s20, s2, $0xb8;
	[tilespmem:$0x1F880] =	vst v63  }
0xf7: {  	_ =	swait.ge [sflag:s9], $0x2800  }
0xf8: {  	[sflag:s9] =	ssyncset.done $0x0  }
0xf9: {  	[sflag:s9] =	ssyncadd.s32 $0xFFFFD800  }
0xfa: {  	_ =	swait.ge [sflag:s30], $0x280  }
0xfb: {  	[sflag:s30] =	ssyncset.done $0x0  }
0xfc: {  	[sflag:s30] =	ssyncadd.s32 $0xFFFFFD80  }
0xfd: {  	_ =	swait.ge [sflag:s30], $0x280  }
0xfe: {  	[sflag:s30] =	ssyncset.done $0x0  }
0xff: {  	[sflag:s30] =	ssyncadd.s32 $0xFFFFFD80  }
0x100: {  	[tilespmem:s15], [sflag:$0x4] =	stream.indirect.gather [hbm4b:s1+s2], $0x80, s11, s2, $0xb8;
	[tilespmem:$0x1F880] =	vst v63  }
0x101: {  	_ =	swait.ge [sflag:s16], $0x2800  }
0x102: {  	[sflag:s16] =	ssyncset.done $0x0  }
0x103: {  	s19 =	simm.s32 $0x15280;
	[sflag:s16] =	ssyncadd.s32 $0xFFFFD800  }
0x104: {  	[spmem:s3] =	stream.indirect.scatter.add.f32 [tilespmem:s18], [sflag:$0x7], $0x80, s19, s2, $0xb8;
	[tilespmem:$0x1F880] =	vst v63  }
0x105: {  	_ =	swait.ge [sflag:s23], $0x2800  }
0x106: {  	[sflag:s23] =	ssyncset.done $0x0  }
0x107: {  	s20 =	simm.s32 $0x14500;
	s5 =	rddreg [dreg:$0x11];
	[sflag:s23] =	ssyncadd.s32 $0xFFFFD800  }
0x108: {  	[tilespmem:s8], [sflag:$0x1] =	stream.indirect.gather [hbm4b:s1+s2], $0x80, s20, s2, $0xb8;
	[tilespmem:$0x1F880] =	vst v63  }
0x109: {  	s19 =	simm.s32 @!p1 $0x14080;
	s5 =	sadd.s32 @!p1 s6, s5  }
0x10a: {  	[tilespmem:s19], [sflag:$0xB] =	stream.linear.gather @!p1 [hbm4b:s5+s7], $0x280, $0x38;
	[tilespmem:$0x1F880] =	vst v63  }
0x10b: {  	s5 =	rddreg [dreg:$0x10]  }
0x10c: {  	s19 =	simm.s32 @!p1 $0x15080;
	s5 =	sadd.s32 @!p1 s6, s5  }
0x10d: {  	[tilespmem:s19], [sflag:$0xB] =	stream.linear.gather @!p1 [hbm4b:s5+s7], $0x280, $0x38;
	[tilespmem:$0x1F880] =	vst v63  }
0x10e: {  	_ =	swait.ge [sflag:s26], $0x2800  }
0x10f: {  	[sflag:s26] =	ssyncset.done $0x0  }
0x110: {  	[sflag:s26] =	ssyncadd.s32 $0xFFFFD800  }
0x111: {  	[spmem:s3] =	stream.indirect.scatter.add.f32 [tilespmem:s15], [sflag:$0x8], $0x80, s12, s2, $0xb8;
	[tilespmem:$0x1F880] =	vst v63  }
0x112: {  	_ =	swait.ge [sflag:s29], $0x2800  }
0x113: {  	[sflag:s29] =	ssyncset.done $0x0  }
0x114: {  	s7 =	simm.s32 $0x14580;
	[sflag:s29] =	ssyncadd.s32 $0xFFFFD800  }
0x115: {  	[tilespmem:s10], [sflag:$0x2] =	stream.indirect.gather [hbm4b:s1+s2], $0x80, s7, s2, $0xb8;
	[tilespmem:$0x1F880] =	vst v63  }
0x116: {  	_ =	swait.ge [sflag:s13], $0x2800  }
0x117: {  	[sflag:s13] =	ssyncset.done $0x0  }
0x118: {  	s19 =	simm.s32 $0x15500;
	[sflag:s13] =	ssyncadd.s32 $0xFFFFD800  }
0x119: {  	[spmem:s3] =	stream.indirect.scatter.add.f32 [tilespmem:s8], [sflag:$0x5], $0x80, s19, s2, $0xb8;
	[tilespmem:$0x1F880] =	vst v63  }
0x11a: {  	_ =	swait.ge [sflag:s31], $0x2800  }
0x11b: {  	[sflag:s31] =	ssyncset.done $0x0  }
0x11c: {  	s20 =	simm.s32 $0x14600;
	[sflag:s31] =	ssyncadd.s32 $0xFFFFD800  }
0x11d: {  	[tilespmem:s18], [sflag:$0x3] =	stream.indirect.gather [hbm4b:s1+s2], $0x80, s20, s2, $0xb8;
	[tilespmem:$0x1F880] =	vst v63  }
0x11e: {  	_ =	swait.ge [sflag:s17], $0x2800  }
0x11f: {  	[sflag:s17] =	ssyncset.done $0x0  }
0x120: {  	s7 =	simm.s32 $0x15580;
	[sflag:s17] =	ssyncadd.s32 $0xFFFFD800  }
0x121: {  	[spmem:s3] =	stream.indirect.scatter.add.f32 [tilespmem:s10], [sflag:$0x6], $0x80, s7, s2, $0xb8;
	[tilespmem:$0x1F880] =	vst v63  }
0x122: {  	_ =	swait.ge [sflag:s9], $0x2800  }
0x123: {  	[sflag:s9] =	ssyncset.done $0x0  }
0x124: {  	s19 =	simm.s32 $0x14680;
	[sflag:s9] =	ssyncadd.s32 $0xFFFFD800  }
0x125: {  	[tilespmem:s15], [sflag:$0x4] =	stream.indirect.gather [hbm4b:s1+s2], $0x80, s19, s2, $0xb8;
	[tilespmem:$0x1F880] =	vst v63  }
0x126: {  	_ =	swait.ge [sflag:s16], $0x2800  }
0x127: {  	[sflag:s16] =	ssyncset.done $0x0  }
.Ltmp2:
0x128: {  	s20 =	simm.s32 $0x15600;
	[sflag:s16] =	ssyncadd.s32 $0xFFFFD800;
	(pc) =	sbr.rel @p1 .LBB2_4-.Ltmp2, $4  }
0x129: {  	[spmem:s3] =	stream.indirect.scatter.add.f32 [tilespmem:s18], [sflag:$0x7], $0x80, s20, s2, $0xb8;
	[tilespmem:$0x1F880] =	vst v63  }
0x12a: {  	_ =	swait.ge [sflag:s23], $0x2800  }
0x12b: {  	[sflag:s23] =	ssyncset.done $0x0  }
0x12c: {  	[sflag:s23] =	ssyncadd.s32 $0xFFFFD800  }
0x12d: {  	_ =	swait.ge [sflag:s4], $0x280  }
0x12e: {  	[sflag:s4] =	ssyncset.done $0x0  }
0x12f: {  	[sflag:s4] =	ssyncadd.s32 $0xFFFFFD80  }
0x130: {  	_ =	swait.ge [sflag:s4], $0x280  }
0x131: {  	[sflag:s4] =	ssyncset.done $0x0  }
0x132: {  	s5 =	simm.s32 $0x13880;
	[sflag:s4] =	ssyncadd.s32 $0xFFFFFD80  }
0x133: {  	[tilespmem:s8], [sflag:$0x1] =	stream.indirect.gather [hbm4b:s1+s2], $0x80, s5, s2, $0xb8;
	[tilespmem:$0x1F880] =	vst v63  }
0x134: {  	_ =	swait.ge [sflag:s26], $0x2800  }
0x135: {  	[sflag:s26] =	ssyncset.done $0x0  }
0x136: {  	s19 =	simm.s32 $0x15680;
	[sflag:s26] =	ssyncadd.s32 $0xFFFFD800  }
0x137: {  	[spmem:s3] =	stream.indirect.scatter.add.f32 [tilespmem:s15], [sflag:$0x8], $0x80, s19, s2, $0xb8;
	[tilespmem:$0x1F880] =	vst v63  }
.Ltmp3:
0x138: {  	_ = 	snop;
	(pc) =	sbr.rel .LBB2_2-.Ltmp3, $4  }
0x139: {  	_ =	swait.ge [sflag:s29], $0x2800  }
0x13a: {  	s20 =	simm.s32 $0x13900;
	[sflag:s29] =	ssyncset.done $0x0  }
0x13b: {  	s6 =	sadd.s32 $0x200, s6;
	s0 =	sadd.s32 $0x1000, s0;
	[sflag:s29] =	ssyncadd.s32 $0xFFFFD800  }
0x13c: {  	[tilespmem:s10], [sflag:$0x2] =	stream.indirect.gather [hbm4b:s1+s2], $0x80, s20, s2, $0xb8;
	[tilespmem:$0x1F880] =	vst v63  }
.LBB2_5:
0x13d: {  	_ =	sfence.sel $0x180000  }
0x13e: {  	[bflag:$0x0] =	sbarrier.arrive $0xFFFF  }
0x13f: {  	_ =	strace $0x90000047  }
0x140: {  	s0 =	stileid.u32;
	[bflag:$0x2] =	sbarrier.arrive $0xFFFF  }
0x141: {  	p0 =	sne.s32 s0, $0x0;
	s0 =	rddreg [dreg:$0x4]  }
0x142: {  	s0 =	sadd.s32 @!p0 $0x100000, s0  }
0x143: {  	[sflag:s0] =	ssyncadd.tile.s32 @!p0 $0x1;
	_ =	shalt  }
.Lfunc_end2:
_tile_overlayer_lowered:
.L_overlay_start_2:
0x144: {  	(tag) =	ssettag $0x2  }
0x145: {  	s0 =	rddreg [dreg:$0x0];
	s2 =	stileid.u32  }
0x146: {  	s1 =	rddreg [dreg:$0x1];
	p0 =	sne.s32 s2, $0x0  }
0x147: {  	s3 =	rddreg [dreg:$0x2];
	[bflag:$0x3] =	sbarrier.arrive $0xFFFF;
	s2 =	simm.s32 @!p0 $0x1C0D  }
0x148: {  	[timem:s3], [sflag:s2] =	dma.local @!p0 [hbm:s0], s1  }
0x149: {  	s0 =	simm.s32 @!p0 $0xD  }
0x14a: {  	_ =	swait.ge @!p0 [sflag:s0], s1  }
0x14b: {  	s1 =	ssub.s32 @!p0 $0x0, s1;
	[sflag:s0] =	ssyncset.done @!p0 $0x0  }
0x14c: {  	[sflag:s0] =	ssyncadd.s32 @!p0 s1  }
0x14d: {  	[bflag:$0x3] =	sbarrier.arrive $0xFFFF  }
0x14e: {  	_ =	shalt  }

</sc_bundles>
